<compile_context>
chip_gen: v7x
topology: tpu7x:2x2x1
jax: 0.10.2.dev20260603
libtpu: 0.0.44.dev20260713+nightly
codegen_flags: <defaults>
</compile_context>

<pallas_src>
import functools

import jax
import jax.numpy as jnp
from jax import lax
from jax.experimental import pallas as pl
from jax.experimental.pallas import tpu as pltpu
from jax.experimental.pallas import tpu_sc as plsc

N = 320000
C = 128
NUM_SEG = 10000

NC = 2
NS = 16
NW = NC * NS
CH = 128
NCHUNKS = N // CH
BASE_CHUNKS = NCHUNKS // NW
EXTRA = NCHUNKS - BASE_CHUNKS * NW
MAXCH = BASE_CHUNKS + 1
PADCH = 80
SEG_STRIDE = 624
SEG_SPAN = 640

_mesh = plsc.VectorSubcoreMesh(
    core_axis_name="c", subcore_axis_name="s", num_cores=NC, num_subcores=NS
)


def _worker_span(wid):
  base = BASE_CHUNKS * wid + jnp.maximum(wid - (NW - EXTRA), 0)
  nch = jnp.where(wid >= NW - EXTRA, BASE_CHUNKS + 1, BASE_CHUNKS)
  return base, nch


@functools.partial(
    pl.kernel,
    out_type=jax.ShapeDtypeStruct((NC, NUM_SEG, C), jnp.float32),
    mesh=_mesh,
    scratch_types=[
        pltpu.VMEM((CH, C), jnp.float32),
        pltpu.VMEM((CH, C), jnp.float32),
        pltpu.VMEM((PADCH, CH), jnp.int32),
        pltpu.VMEM_SHARED((NUM_SEG, C), jnp.float32),
        pltpu.SemaphoreType.DMA,
        pltpu.SemaphoreType.DMA,
    ],
)
def _seg_sum(x_hbm, idx_hbm, zsum_hbm, out_sum,
             xv0, xv1, iv, acc_s, sx0, sx1):
  cid = lax.axis_index("c")
  sid = lax.axis_index("s")
  wid = cid * NS + sid
  base, nch = _worker_span(wid)
  xv = (xv0, xv1)
  sx = (sx0, sx1)

  def x_copy(j, p):
    row0 = (base + j) * CH
    return pltpu.make_async_copy(x_hbm.at[pl.ds(row0, CH), :], xv[p], sx[p])

  seg0 = sid * SEG_STRIDE
  pltpu.sync_copy(zsum_hbm.at[pl.ds(seg0, SEG_SPAN), :],
                  acc_s.at[pl.ds(seg0, SEG_SPAN), :])
  pltpu.sync_copy(idx_hbm.at[wid], iv)
  plsc.subcore_barrier()

  x_copy(0, 0).start()

  def pair(jj, carry):
    for p in (0, 1):
      j = 2 * jj + p

      @pl.when(j < nch)
      def _():
        x_copy(j, p).wait()

        @pl.when(j + 1 < nch)
        def _():
          x_copy(j + 1, 1 - p).start()

        pltpu.sync_copy(xv[p], acc_s.at[iv.at[j]], add=True)
    return carry

  lax.fori_loop(0, (nch + 1) // 2, pair, 0)
  plsc.subcore_barrier()

  pltpu.sync_copy(acc_s.at[pl.ds(seg0, SEG_SPAN), :],
                  out_sum.at[cid, pl.ds(seg0, SEG_SPAN), :])


@functools.partial(
    pl.kernel,
    out_type=jax.ShapeDtypeStruct((NC * NUM_SEG,), jnp.float32),
    mesh=_mesh,
    scratch_types=[
        pltpu.VMEM((CH,), jnp.float32),
        pltpu.VMEM((PADCH, CH), jnp.int32),
        pltpu.VMEM((SEG_SPAN,), jnp.float32),
        pltpu.VMEM_SHARED((NUM_SEG,), jnp.float32),
    ],
)
def _seg_cnt(idx_hbm, out_cnt, ones_v, iv, stage_v, acc_c):
  cid = lax.axis_index("c")
  sid = lax.axis_index("s")
  wid = cid * NS + sid
  base, nch = _worker_span(wid)

  seg0 = sid * SEG_STRIDE

  def fz(r, carry):
    ones_v[pl.ds(r * 16, 16)] = jnp.full((16,), 0.0, jnp.float32)
    return carry

  lax.fori_loop(0, CH // 16, fz, 0)
  for k in range(SEG_SPAN // CH):
    pltpu.sync_copy(ones_v, acc_c.at[pl.ds(seg0 + k * CH, CH)])

  def f1(r, carry):
    ones_v[pl.ds(r * 16, 16)] = jnp.full((16,), 1.0, jnp.float32)
    return carry

  lax.fori_loop(0, CH // 16, f1, 0)
  pltpu.sync_copy(idx_hbm.at[wid], iv)
  plsc.subcore_barrier()

  def body(j, carry):
    pltpu.sync_copy(ones_v, acc_c.at[iv.at[j]], add=True)
    return carry

  lax.fori_loop(0, nch, body, 0)
  plsc.subcore_barrier()

  pltpu.sync_copy(acc_c.at[pl.ds(seg0, SEG_SPAN)], stage_v)
  pltpu.sync_copy(stage_v, out_cnt.at[pl.ds(cid * NUM_SEG + seg0, SEG_SPAN)])


def _mlp_body(psum_ref, pcnt_ref, w1_ref, w2_ref, s_ref):
  sums = psum_ref[0] + psum_ref[1]
  cnt = pcnt_ref[0] + pcnt_ref[1]
  pooled = sums / jnp.maximum(cnt, 1.0)
  h = lax.dot_general(pooled, w1_ref[...], (((1,), (1,)), ((), ())),
                      preferred_element_type=jnp.float32)
  h = jnp.maximum(h, 0.0)
  z = lax.dot_general(h, w2_ref[...], (((1,), (1,)), ((), ())),
                      preferred_element_type=jnp.float32)
  s_ref[...] = jax.nn.sigmoid(z)


_mlp = pl.pallas_call(
    _mlp_body,
    out_shape=jax.ShapeDtypeStruct((NUM_SEG, C), jnp.float32),
)


@functools.partial(
    pl.kernel,
    out_type=jax.ShapeDtypeStruct((N, C), jnp.float32),
    mesh=_mesh,
    scratch_types=[
        pltpu.VMEM((CH, C), jnp.float32),
        pltpu.VMEM((CH, C), jnp.float32),
        pltpu.VMEM((CH, C), jnp.float32),
        pltpu.VMEM((CH, C), jnp.float32),
        pltpu.VMEM((CH, C), jnp.float32),
        pltpu.VMEM((CH, C), jnp.float32),
        pltpu.VMEM((PADCH, CH), jnp.int32),
        pltpu.SemaphoreType.DMA,
        pltpu.SemaphoreType.DMA,
        pltpu.SemaphoreType.DMA,
        pltpu.SemaphoreType.DMA,
        pltpu.SemaphoreType.DMA,
        pltpu.SemaphoreType.DMA,
    ],
)
def _gather_mul(x_hbm, idx_hbm, s_hbm, out_hbm,
                xv0, xv1, sv0, sv1, ov0, ov1, iv,
                sx0, sx1, ss0, ss1, so0, so1):
  cid = lax.axis_index("c")
  sid = lax.axis_index("s")
  wid = cid * NS + sid
  base, nch = _worker_span(wid)
  xv = (xv0, xv1)
  sv = (sv0, sv1)
  ov = (ov0, ov1)
  sx = (sx0, sx1)
  ss = (ss0, ss1)
  so = (so0, so1)

  def x_copy(j, p):
    row0 = (base + j) * CH
    return pltpu.make_async_copy(x_hbm.at[pl.ds(row0, CH), :], xv[p], sx[p])

  def s_copy(j, p):
    return pltpu.make_async_copy(s_hbm.at[iv.at[j]], sv[p], ss[p])

  def o_copy(j, p):
    row0 = (base + j) * CH
    return pltpu.make_async_copy(ov[p], out_hbm.at[pl.ds(row0, CH), :], so[p])

  pltpu.sync_copy(idx_hbm.at[wid], iv)
  x_copy(0, 0).start()
  s_copy(0, 0).start()
  x_copy(1, 1).start()
  s_copy(1, 1).start()

  def pair(jj, carry):
    for p in (0, 1):
      j = 2 * jj + p

      @pl.when(j < nch)
      def _():
        @pl.when(j >= 2)
        def _():
          o_copy(j - 2, p).wait()

        x_copy(j, p).wait()
        s_copy(j, p).wait()

        def mul_row(r, c2):
          for cc in range(C // 16):
            sl = pl.ds(cc * 16, 16)
            ov[p][r, sl] = xv[p][r, sl] * sv[p][r, sl]
          return c2

        lax.fori_loop(0, CH, mul_row, 0)
        o_copy(j, p).start()

        @pl.when(j + 2 < nch)
        def _():
          x_copy(j + 2, p).start()
          s_copy(j + 2, p).start()
    return carry

  lax.fori_loop(0, (nch + 1) // 2, pair, 0)

  last = nch - 1
  for p in (0, 1):
    jp = jnp.where((last % 2) == p, last, last - 1)
    o_copy(jp, p).wait()


def kernel(x, indices, W1, W2):
  idx2d = indices.astype(jnp.int32).reshape(NCHUNKS, CH)
  idx_pad = jnp.concatenate(
      [idx2d, jnp.zeros((PADCH, CH), jnp.int32)], axis=0)
  planes = []
  for w in range(NW):
    b = BASE_CHUNKS * w + max(w - (NW - EXTRA), 0)
    planes.append(lax.slice(idx_pad, (b, 0), (b + PADCH, CH)))
  idx3d = jnp.stack(planes)
  zsum = jnp.zeros((NUM_SEG, C), jnp.float32)
  psum = _seg_sum(x, idx3d, zsum)
  pcnt = _seg_cnt(idx3d)
  s = _mlp(psum, pcnt.reshape(NC, NUM_SEG, 1), W1, W2)
  return _gather_mul(x, idx3d, s)

# --- scband reference (transcript-rebuilt; emitter-appended) ---
"""Pipeline reference for scband-flatten-selayer-738734375755 (READ-ONLY COPY).

The authoritative reference and input builder live on the scoring server;
editing this copy changes nothing except your own understanding.
"""

import jax, jax.numpy as jnp
import numpy as np

N = 320000
C = 128
RED = 4
NUM_SEG = 10000


def setup_inputs(seed: int = 0) -> dict:
    key = jax.random.key(seed)
    k1, k2, k3, k4 = jax.random.split(key, 4)
    x = jax.random.normal(k1, (N, C), dtype=jnp.float32)
    indices = jnp.sort(jax.random.randint(k2, (N,), 0, NUM_SEG, dtype=jnp.int64))
    # nn.Linear(channel, channel//reduction, bias=False): weight shape (C//RED, C)
    W1 = jax.random.normal(k3, (C // RED, C), dtype=jnp.float32) * (1.0 / np.sqrt(C))
    # nn.Linear(channel//reduction, channel, bias=False): weight shape (C, C//RED)
    W2 = jax.random.normal(k4, (C, C // RED), dtype=jnp.float32) * (1.0 / np.sqrt(C // RED))
    return {"x": x, "indices": indices, "W1": W1, "W2": W2}


def reference(x, indices, W1, W2):
    # voxel_avg_pooling: per-segment mean of x over indices
    seg_sum = jax.ops.segment_sum(x, indices, num_segments=NUM_SEG)
    counts = jnp.bincount(indices, length=NUM_SEG).astype(x.dtype)
    pooled = seg_sum / jnp.maximum(counts, 1.0)[:, None]
    # fc: Linear -> ReLU -> Linear -> Sigmoid (no bias)
    h = jax.nn.relu(pooled @ W1.T)
    s = jax.nn.sigmoid(h @ W2.T)
    # gather back per element and scale
    out = x * s[indices]
    return out

if __name__ == "__main__":
    import jax
    _d = setup_inputs()
    print(jax.jit(kernel)(*tuple(_d.values())))

</pallas_src>

<mosaic_0001>
#map = affine_map<(d0, d1) -> (0, 0)>
#map1 = affine_map<(d0, d1) -> (0, 0, 0)>
module attributes {stable_mosaic.version = 14 : i64} {
  func.func @_seg_sum(%arg0: i32, %arg1: i32, %arg2: memref<320000x128xf32, #tpu.memory_space<hbm>>, %arg3: memref<32x80x128xi32, #tpu.memory_space<hbm>>, %arg4: memref<10000x128xf32, #tpu.memory_space<hbm>>, %arg5: memref<2x10000x128xf32, #tpu.memory_space<hbm>>, %arg6: memref<128x128xf32, #tpu.memory_space<vmem>>, %arg7: memref<128x128xf32, #tpu.memory_space<vmem>>, %arg8: memref<80x128xi32, #tpu.memory_space<vmem>>, %arg9: memref<10000x128xf32, #tpu.memory_space<vmem_shared>>, %arg10: memref<!tpu.dma_semaphore, #tpu.memory_space<semaphore_mem>>, %arg11: memref<!tpu.dma_semaphore, #tpu.memory_space<semaphore_mem>>) attributes {dimension_semantics = [#tpu.dimension_semantics<core_parallel>, #tpu.dimension_semantics<subcore_parallel>], iteration_bounds = array<i64: 2, 16>, scalar_prefetch = 0 : i64, scratch_operands = 6 : i64, tpu.core_type = #tpu.core_type<sc_vector_subcore>, window_params = [{transform_indices = #map}, {transform_indices = #map1}, {transform_indices = #map}, {transform_indices = #map1}]} {
    %mul3A = arith.constant 16 : i32
    %mul3A_0 = arith.muli %arg0, %mul3A : i32
    %add3A = arith.addi %mul3A_0, %arg1 : i32
    %mul3A_1 = arith.constant 78 : i32
    %mul3A_2 = arith.muli %mul3A_1, %add3A : i32
    %sub3A = arith.constant 28 : i32
    %sub3A_3 = arith.subi %add3A, %sub3A : i32
    %max3A = arith.constant 0 : i32
    %max3A_4 = arith.maxsi %sub3A_3, %max3A : i32
    %add3A_5 = arith.addi %mul3A_2, %max3A_4 : i32
    %ge3A = arith.constant 28 : i32
    %ge3A_6 = arith.cmpi sge, %add3A, %ge3A : i32
    %jit3A = arith.constant 79 : i32
    %jit3A_7 = arith.constant 78 : i32
    %select_n3A = arith.select %ge3A_6, %jit3A, %jit3A_7 : i32
    %mul3A_8 = arith.constant 624 : i32
    %mul3A_9 = arith.muli %arg1, %mul3A_8 : i32
    "tpu.region"() ({
      %run_scoped3A = tpu.sem_alloc : memref<!tpu.dma_semaphore, #tpu.memory_space<semaphore_mem>>
      %dma_start3A_48 = arith.constant 0 : i32
      %dma_start3A_49 = tpu.memref_slice %arg9[%mul3A_9, %dma_start3A_48] : memref<10000x128xf32, #tpu.memory_space<vmem_shared>> -> memref<640x128xf32, #tpu.memory_space<vmem_shared>>
      %dma_start3A_50 = arith.constant 0 : i32
      %dma_start3A_51 = tpu.memref_slice %arg4[%mul3A_9, %dma_start3A_50] : memref<10000x128xf32, #tpu.memory_space<hbm>> -> memref<640x128xf32, #tpu.memory_space<hbm>>
      tpu.enqueue_dma source(%dma_start3A_51 : memref<640x128xf32, #tpu.memory_space<hbm>>) target(%dma_start3A_49 : memref<640x128xf32, #tpu.memory_space<vmem_shared>>) target_semaphore(%run_scoped3A : memref<!tpu.dma_semaphore, #tpu.memory_space<semaphore_mem>>)
      %dma_wait3A = arith.constant 0 : i32
      %dma_wait3A_52 = tpu.memref_slice %arg9[%mul3A_9, %dma_wait3A] : memref<10000x128xf32, #tpu.memory_space<vmem_shared>> -> memref<640x128xf32, #tpu.memory_space<vmem_shared>>
      %dma_wait3A_53 = arith.constant 0 : i32
      %dma_wait3A_54 = tpu.memref_slice %arg4[%mul3A_9, %dma_wait3A_53] : memref<10000x128xf32, #tpu.memory_space<hbm>> -> memref<640x128xf32, #tpu.memory_space<hbm>>
      tpu.wait_dma2 semaphore(%run_scoped3A : memref<!tpu.dma_semaphore, #tpu.memory_space<semaphore_mem>>) src(%dma_wait3A_54 : memref<640x128xf32, #tpu.memory_space<hbm>>) dst(%dma_wait3A_52 : memref<640x128xf32, #tpu.memory_space<vmem_shared>>)
      tpu.yield
    }) : () -> ()
    "tpu.region"() ({
      %run_scoped3A = tpu.sem_alloc : memref<!tpu.dma_semaphore, #tpu.memory_space<semaphore_mem>>
      %dma_start3A_48 = arith.constant 0 : i32
      %dma_start3A_49 = arith.constant 0 : i32
      %dma_start3A_50 = tpu.memref_slice %arg3[%add3A, %dma_start3A_48, %dma_start3A_49] : memref<32x80x128xi32, #tpu.memory_space<hbm>> -> memref<1x80x128xi32, #tpu.memory_space<hbm>>
      %dma_start3A_51 = tpu.memref_squeeze %dma_start3A_50 : memref<1x80x128xi32, #tpu.memory_space<hbm>> -> memref<80x128xi32, #tpu.memory_space<hbm>>
      %dma_start3A_52 = arith.constant 0 : i32
      %dma_start3A_53 = arith.constant 0 : i32
      %dma_start3A_54 = tpu.memref_slice %arg3[%add3A, %dma_start3A_52, %dma_start3A_53] : memref<32x80x128xi32, #tpu.memory_space<hbm>> -> memref<1x80x128xi32, #tpu.memory_space<hbm>>
      %dma_start3A_55 = tpu.memref_squeeze %dma_start3A_54 : memref<1x80x128xi32, #tpu.memory_space<hbm>> -> memref<80x128xi32, #tpu.memory_space<hbm>>
      tpu.enqueue_dma source(%dma_start3A_55 : memref<80x128xi32, #tpu.memory_space<hbm>>) target(%arg8 : memref<80x128xi32, #tpu.memory_space<vmem>>) target_semaphore(%run_scoped3A : memref<!tpu.dma_semaphore, #tpu.memory_space<semaphore_mem>>)
      %dma_wait3A = arith.constant 0 : i32
      %dma_wait3A_56 = arith.constant 0 : i32
      %dma_wait3A_57 = tpu.memref_slice %arg3[%add3A, %dma_wait3A, %dma_wait3A_56] : memref<32x80x128xi32, #tpu.memory_space<hbm>> -> memref<1x80x128xi32, #tpu.memory_space<hbm>>
      %dma_wait3A_58 = tpu.memref_squeeze %dma_wait3A_57 : memref<1x80x128xi32, #tpu.memory_space<hbm>> -> memref<80x128xi32, #tpu.memory_space<hbm>>
      %dma_wait3A_59 = arith.constant 0 : i32
      %dma_wait3A_60 = arith.constant 0 : i32
      %dma_wait3A_61 = tpu.memref_slice %arg3[%add3A, %dma_wait3A_59, %dma_wait3A_60] : memref<32x80x128xi32, #tpu.memory_space<hbm>> -> memref<1x80x128xi32, #tpu.memory_space<hbm>>
      %dma_wait3A_62 = tpu.memref_squeeze %dma_wait3A_61 : memref<1x80x128xi32, #tpu.memory_space<hbm>> -> memref<80x128xi32, #tpu.memory_space<hbm>>
      tpu.wait_dma2 semaphore(%run_scoped3A : memref<!tpu.dma_semaphore, #tpu.memory_space<semaphore_mem>>) src(%dma_wait3A_62 : memref<80x128xi32, #tpu.memory_space<hbm>>) dst(%arg8 : memref<80x128xi32, #tpu.memory_space<vmem>>)
      tpu.yield
    }) : () -> ()
    %barrier3A = arith.constant 0 : index
    tpu.barrier barrier_id(%barrier3A)
    %add3A_10 = arith.constant 0 : i32
    %add3A_11 = arith.addi %add3A_5, %add3A_10 : i32
    %mul3A_12 = arith.constant 128 : i32
    %mul3A_13 = arith.muli %add3A_11, %mul3A_12 : i32
    %dma_start3A = arith.constant 0 : i32
    %dma_start3A_14 = tpu.memref_slice %arg2[%mul3A_13, %dma_start3A] : memref<320000x128xf32, #tpu.memory_space<hbm>> -> memref<128x128xf32, #tpu.memory_space<hbm>>
    %dma_start3A_15 = arith.constant 0 : i32
    %dma_start3A_16 = tpu.memref_slice %arg2[%mul3A_13, %dma_start3A_15] : memref<320000x128xf32, #tpu.memory_space<hbm>> -> memref<128x128xf32, #tpu.memory_space<hbm>>
    tpu.enqueue_dma source(%dma_start3A_16 : memref<128x128xf32, #tpu.memory_space<hbm>>) target(%arg6 : memref<128x128xf32, #tpu.memory_space<vmem>>) target_semaphore(%arg10 : memref<!tpu.dma_semaphore, #tpu.memory_space<semaphore_mem>>)
    %add3A_17 = arith.constant 1 : i32
    %add3A_18 = arith.addi %select_n3A, %add3A_17 : i32
    %jit3A_19 = arith.constant 2 : i32
    %div3A = arith.divsi %add3A_18, %jit3A_19 : i32
    %sign3A = arith.constant 0 : i32
    %sign3A_20 = arith.cmpi sgt, %add3A_18, %sign3A : i32
    %sign3A_21 = arith.extui %sign3A_20 : i1 to i32
    %sign3A_22 = arith.constant 0 : i32
    %sign3A_23 = arith.cmpi slt, %add3A_18, %sign3A_22 : i32
    %sign3A_24 = arith.extui %sign3A_23 : i1 to i32
    %sign3A_25 = arith.subi %sign3A_21, %sign3A_24 : i32
    %sign3A_26 = arith.constant 0 : i32
    %sign3A_27 = arith.cmpi sgt, %jit3A_19, %sign3A_26 : i32
    %sign3A_28 = arith.extui %sign3A_27 : i1 to i32
    %sign3A_29 = arith.constant 0 : i32
    %sign3A_30 = arith.cmpi slt, %jit3A_19, %sign3A_29 : i32
    %sign3A_31 = arith.extui %sign3A_30 : i1 to i32
    %sign3A_32 = arith.subi %sign3A_28, %sign3A_31 : i32
    %ne3A = arith.cmpi ne, %sign3A_25, %sign3A_32 : i32
    %rem3A = arith.remsi %add3A_18, %jit3A_19 : i32
    %ne3A_33 = arith.constant 0 : i32
    %ne3A_34 = arith.cmpi ne, %rem3A, %ne3A_33 : i32
    %and3A = arith.andi %ne3A, %ne3A_34 : i1
    %sub3A_35 = arith.constant 1 : i32
    %sub3A_36 = arith.subi %div3A, %sub3A_35 : i32
    %select_n3A_37 = arith.select %and3A, %sub3A_36, %div3A : i32
    %while3A = arith.constant 0 : i32
    %while3A_38 = arith.constant 0 : i32
    %while3A_39 = arith.subi %select_n3A_37, %while3A_38 : i32
    %while3A_40 = arith.addi %while3A_38, %while3A_39 : i32
    %while3A_41 = arith.constant 1 : i32
    %while3A_42 = arith.divsi %while3A_39, %while3A_41 : i32
    %while3A_43 = arith.muli %while3A_42, %while3A_41 : i32
    %while3A_44 = arith.addi %while3A_38, %while3A_43 : i32
    %while3A_45 = arith.constant 1 : i32
    scf.for %while3A_48 = %while3A_38 to %while3A_44 step %while3A_45  : i32 {
      %mul3A_49 = arith.constant 2 : i32
      %mul3A_50 = arith.muli %mul3A_49, %while3A_48 : i32
      %add3A_51 = arith.constant 0 : i32
      %add3A_52 = arith.addi %mul3A_50, %add3A_51 : i32
      %lt3A = arith.cmpi slt, %add3A_52, %select_n3A : i32
      %convert_element_type3A = arith.extui %lt3A : i1 to i32
      %cond3A = arith.constant 0 : i32
      %cond3A_53 = arith.cmpi ne, %convert_element_type3A, %cond3A : i32
      scf.if %cond3A_53 {
        %add3A_62 = arith.addi %add3A_5, %add3A_52 : i32
        %mul3A_63 = arith.constant 128 : i32
        %mul3A_64 = arith.muli %add3A_62, %mul3A_63 : i32
        %dma_wait3A = arith.constant 0 : i32
        %dma_wait3A_65 = tpu.memref_slice %arg2[%mul3A_64, %dma_wait3A] : memref<320000x128xf32, #tpu.memory_space<hbm>> -> memref<128x128xf32, #tpu.memory_space<hbm>>
        %dma_wait3A_66 = arith.constant 0 : i32
        %dma_wait3A_67 = tpu.memref_slice %arg2[%mul3A_64, %dma_wait3A_66] : memref<320000x128xf32, #tpu.memory_space<hbm>> -> memref<128x128xf32, #tpu.memory_space<hbm>>
        tpu.wait_dma2 semaphore(%arg10 : memref<!tpu.dma_semaphore, #tpu.memory_space<semaphore_mem>>) src(%dma_wait3A_67 : memref<128x128xf32, #tpu.memory_space<hbm>>) dst(%arg6 : memref<128x128xf32, #tpu.memory_space<vmem>>)
        %add3A_68 = arith.constant 1 : i32
        %add3A_69 = arith.addi %add3A_52, %add3A_68 : i32
        %lt3A_70 = arith.cmpi slt, %add3A_69, %select_n3A : i32
        %convert_element_type3A_71 = arith.extui %lt3A_70 : i1 to i32
        %cond3A_72 = arith.constant 0 : i32
        %cond3A_73 = arith.cmpi ne, %convert_element_type3A_71, %cond3A_72 : i32
        scf.if %cond3A_73 {
          %add3A_74 = arith.constant 1 : i32
          %add3A_75 = arith.addi %add3A_52, %add3A_74 : i32
          %add3A_76 = arith.addi %add3A_5, %add3A_75 : i32
          %mul3A_77 = arith.constant 128 : i32
          %mul3A_78 = arith.muli %add3A_76, %mul3A_77 : i32
          %dma_start3A_79 = arith.constant 0 : i32
          %dma_start3A_80 = tpu.memref_slice %arg2[%mul3A_78, %dma_start3A_79] : memref<320000x128xf32, #tpu.memory_space<hbm>> -> memref<128x128xf32, #tpu.memory_space<hbm>>
          %dma_start3A_81 = arith.constant 0 : i32
          %dma_start3A_82 = tpu.memref_slice %arg2[%mul3A_78, %dma_start3A_81] : memref<320000x128xf32, #tpu.memory_space<hbm>> -> memref<128x128xf32, #tpu.memory_space<hbm>>
          tpu.enqueue_dma source(%dma_start3A_82 : memref<128x128xf32, #tpu.memory_space<hbm>>) target(%arg7 : memref<128x128xf32, #tpu.memory_space<vmem>>) target_semaphore(%arg11 : memref<!tpu.dma_semaphore, #tpu.memory_space<semaphore_mem>>)
        } else {
        }
        "tpu.region"() ({
          %run_scoped3A = tpu.sem_alloc : memref<!tpu.dma_semaphore, #tpu.memory_space<semaphore_mem>>
          %dma_start3A_74 = arith.constant 0 : i32
          %dma_start3A_75 = tpu.memref_slice %arg8[%add3A_52, %dma_start3A_74] : memref<80x128xi32, #tpu.memory_space<vmem>> -> memref<1x128xi32, #tpu.memory_space<vmem>>
          %dma_start3A_76 = tpu.memref_squeeze %dma_start3A_75 : memref<1x128xi32, #tpu.memory_space<vmem>> -> memref<128xi32, #tpu.memory_space<vmem>>
          %dma_start3A_77 = arith.constant 0 : i32
          %dma_start3A_78 = arith.constant 0 : i32
          %dma_start3A_79 = tpu.memref_slice %arg9[%dma_start3A_77, %dma_start3A_78] : memref<10000x128xf32, #tpu.memory_space<vmem_shared>> -> memref<10000x128xf32, #tpu.memory_space<vmem_shared>>
          tpu.enqueue_indirect_dma source(%arg6 : memref<128x128xf32, #tpu.memory_space<vmem>>) target(%dma_start3A_79 : memref<10000x128xf32, #tpu.memory_space<vmem_shared>>) offsets(%dma_start3A_76 : memref<128xi32, #tpu.memory_space<vmem>>) semaphore(%run_scoped3A : memref<!tpu.dma_semaphore, #tpu.memory_space<semaphore_mem>>) {add = true}
          %dma_wait3A_80 = arith.constant 0 : i32
          %dma_wait3A_81 = tpu.memref_slice %arg8[%add3A_52, %dma_wait3A_80] : memref<80x128xi32, #tpu.memory_space<vmem>> -> memref<1x128xi32, #tpu.memory_space<vmem>>
          %dma_wait3A_82 = tpu.memref_squeeze %dma_wait3A_81 : memref<1x128xi32, #tpu.memory_space<vmem>> -> memref<128xi32, #tpu.memory_space<vmem>>
          %dma_wait3A_83 = arith.constant 0 : i32
          %dma_wait3A_84 = arith.constant 0 : i32
          %dma_wait3A_85 = tpu.memref_slice %arg9[%dma_wait3A_83, %dma_wait3A_84] : memref<10000x128xf32, #tpu.memory_space<vmem_shared>> -> memref<10000x128xf32, #tpu.memory_space<vmem_shared>>
          tpu.wait_indirect_dma semaphore(%run_scoped3A : memref<!tpu.dma_semaphore, #tpu.memory_space<semaphore_mem>>) src(%arg6 : memref<128x128xf32, #tpu.memory_space<vmem>>) dst(%dma_wait3A_85 : memref<10000x128xf32, #tpu.memory_space<vmem_shared>>)
          tpu.yield
        }) : () -> ()
      } else {
      }
      %mul3A_54 = arith.constant 2 : i32
      %mul3A_55 = arith.muli %mul3A_54, %while3A_48 : i32
      %add3A_56 = arith.constant 1 : i32
      %add3A_57 = arith.addi %mul3A_55, %add3A_56 : i32
      %lt3A_58 = arith.cmpi slt, %add3A_57, %select_n3A : i32
      %convert_element_type3A_59 = arith.extui %lt3A_58 : i1 to i32
      %cond3A_60 = arith.constant 0 : i32
      %cond3A_61 = arith.cmpi ne, %convert_element_type3A_59, %cond3A_60 : i32
      scf.if %cond3A_61 {
        %add3A_62 = arith.addi %add3A_5, %add3A_57 : i32
        %mul3A_63 = arith.constant 128 : i32
        %mul3A_64 = arith.muli %add3A_62, %mul3A_63 : i32
        %dma_wait3A = arith.constant 0 : i32
        %dma_wait3A_65 = tpu.memref_slice %arg2[%mul3A_64, %dma_wait3A] : memref<320000x128xf32, #tpu.memory_space<hbm>> -> memref<128x128xf32, #tpu.memory_space<hbm>>
        %dma_wait3A_66 = arith.constant 0 : i32
        %dma_wait3A_67 = tpu.memref_slice %arg2[%mul3A_64, %dma_wait3A_66] : memref<320000x128xf32, #tpu.memory_space<hbm>> -> memref<128x128xf32, #tpu.memory_space<hbm>>
        tpu.wait_dma2 semaphore(%arg11 : memref<!tpu.dma_semaphore, #tpu.memory_space<semaphore_mem>>) src(%dma_wait3A_67 : memref<128x128xf32, #tpu.memory_space<hbm>>) dst(%arg7 : memref<128x128xf32, #tpu.memory_space<vmem>>)
        %add3A_68 = arith.constant 1 : i32
        %add3A_69 = arith.addi %add3A_57, %add3A_68 : i32
        %lt3A_70 = arith.cmpi slt, %add3A_69, %select_n3A : i32
        %convert_element_type3A_71 = arith.extui %lt3A_70 : i1 to i32
        %cond3A_72 = arith.constant 0 : i32
        %cond3A_73 = arith.cmpi ne, %convert_element_type3A_71, %cond3A_72 : i32
        scf.if %cond3A_73 {
          %add3A_74 = arith.constant 1 : i32
          %add3A_75 = arith.addi %add3A_57, %add3A_74 : i32
          %add3A_76 = arith.addi %add3A_5, %add3A_75 : i32
          %mul3A_77 = arith.constant 128 : i32
          %mul3A_78 = arith.muli %add3A_76, %mul3A_77 : i32
          %dma_start3A_79 = arith.constant 0 : i32
          %dma_start3A_80 = tpu.memref_slice %arg2[%mul3A_78, %dma_start3A_79] : memref<320000x128xf32, #tpu.memory_space<hbm>> -> memref<128x128xf32, #tpu.memory_space<hbm>>
          %dma_start3A_81 = arith.constant 0 : i32
          %dma_start3A_82 = tpu.memref_slice %arg2[%mul3A_78, %dma_start3A_81] : memref<320000x128xf32, #tpu.memory_space<hbm>> -> memref<128x128xf32, #tpu.memory_space<hbm>>
          tpu.enqueue_dma source(%dma_start3A_82 : memref<128x128xf32, #tpu.memory_space<hbm>>) target(%arg6 : memref<128x128xf32, #tpu.memory_space<vmem>>) target_semaphore(%arg10 : memref<!tpu.dma_semaphore, #tpu.memory_space<semaphore_mem>>)
        } else {
        }
        "tpu.region"() ({
          %run_scoped3A = tpu.sem_alloc : memref<!tpu.dma_semaphore, #tpu.memory_space<semaphore_mem>>
          %dma_start3A_74 = arith.constant 0 : i32
          %dma_start3A_75 = tpu.memref_slice %arg8[%add3A_57, %dma_start3A_74] : memref<80x128xi32, #tpu.memory_space<vmem>> -> memref<1x128xi32, #tpu.memory_space<vmem>>
          %dma_start3A_76 = tpu.memref_squeeze %dma_start3A_75 : memref<1x128xi32, #tpu.memory_space<vmem>> -> memref<128xi32, #tpu.memory_space<vmem>>
          %dma_start3A_77 = arith.constant 0 : i32
          %dma_start3A_78 = arith.constant 0 : i32
          %dma_start3A_79 = tpu.memref_slice %arg9[%dma_start3A_77, %dma_start3A_78] : memref<10000x128xf32, #tpu.memory_space<vmem_shared>> -> memref<10000x128xf32, #tpu.memory_space<vmem_shared>>
          tpu.enqueue_indirect_dma source(%arg7 : memref<128x128xf32, #tpu.memory_space<vmem>>) target(%dma_start3A_79 : memref<10000x128xf32, #tpu.memory_space<vmem_shared>>) offsets(%dma_start3A_76 : memref<128xi32, #tpu.memory_space<vmem>>) semaphore(%run_scoped3A : memref<!tpu.dma_semaphore, #tpu.memory_space<semaphore_mem>>) {add = true}
          %dma_wait3A_80 = arith.constant 0 : i32
          %dma_wait3A_81 = tpu.memref_slice %arg8[%add3A_57, %dma_wait3A_80] : memref<80x128xi32, #tpu.memory_space<vmem>> -> memref<1x128xi32, #tpu.memory_space<vmem>>
          %dma_wait3A_82 = tpu.memref_squeeze %dma_wait3A_81 : memref<1x128xi32, #tpu.memory_space<vmem>> -> memref<128xi32, #tpu.memory_space<vmem>>
          %dma_wait3A_83 = arith.constant 0 : i32
          %dma_wait3A_84 = arith.constant 0 : i32
          %dma_wait3A_85 = tpu.memref_slice %arg9[%dma_wait3A_83, %dma_wait3A_84] : memref<10000x128xf32, #tpu.memory_space<vmem_shared>> -> memref<10000x128xf32, #tpu.memory_space<vmem_shared>>
          tpu.wait_indirect_dma semaphore(%run_scoped3A : memref<!tpu.dma_semaphore, #tpu.memory_space<semaphore_mem>>) src(%arg7 : memref<128x128xf32, #tpu.memory_space<vmem>>) dst(%dma_wait3A_85 : memref<10000x128xf32, #tpu.memory_space<vmem_shared>>)
          tpu.yield
        }) : () -> ()
      } else {
      }
    }
    %while3A_46 = arith.constant 1 : i32
    scf.for %while3A_48 = %while3A_44 to %while3A_40 step %while3A_46  : i32 {
      %mul3A_49 = arith.constant 2 : i32
      %mul3A_50 = arith.muli %mul3A_49, %while3A_48 : i32
      %add3A_51 = arith.constant 0 : i32
      %add3A_52 = arith.addi %mul3A_50, %add3A_51 : i32
      %lt3A = arith.cmpi slt, %add3A_52, %select_n3A : i32
      %convert_element_type3A = arith.extui %lt3A : i1 to i32
      %cond3A = arith.constant 0 : i32
      %cond3A_53 = arith.cmpi ne, %convert_element_type3A, %cond3A : i32
      scf.if %cond3A_53 {
        %add3A_62 = arith.addi %add3A_5, %add3A_52 : i32
        %mul3A_63 = arith.constant 128 : i32
        %mul3A_64 = arith.muli %add3A_62, %mul3A_63 : i32
        %dma_wait3A = arith.constant 0 : i32
        %dma_wait3A_65 = tpu.memref_slice %arg2[%mul3A_64, %dma_wait3A] : memref<320000x128xf32, #tpu.memory_space<hbm>> -> memref<128x128xf32, #tpu.memory_space<hbm>>
        %dma_wait3A_66 = arith.constant 0 : i32
        %dma_wait3A_67 = tpu.memref_slice %arg2[%mul3A_64, %dma_wait3A_66] : memref<320000x128xf32, #tpu.memory_space<hbm>> -> memref<128x128xf32, #tpu.memory_space<hbm>>
        tpu.wait_dma2 semaphore(%arg10 : memref<!tpu.dma_semaphore, #tpu.memory_space<semaphore_mem>>) src(%dma_wait3A_67 : memref<128x128xf32, #tpu.memory_space<hbm>>) dst(%arg6 : memref<128x128xf32, #tpu.memory_space<vmem>>)
        %add3A_68 = arith.constant 1 : i32
        %add3A_69 = arith.addi %add3A_52, %add3A_68 : i32
        %lt3A_70 = arith.cmpi slt, %add3A_69, %select_n3A : i32
        %convert_element_type3A_71 = arith.extui %lt3A_70 : i1 to i32
        %cond3A_72 = arith.constant 0 : i32
        %cond3A_73 = arith.cmpi ne, %convert_element_type3A_71, %cond3A_72 : i32
        scf.if %cond3A_73 {
          %add3A_74 = arith.constant 1 : i32
          %add3A_75 = arith.addi %add3A_52, %add3A_74 : i32
          %add3A_76 = arith.addi %add3A_5, %add3A_75 : i32
          %mul3A_77 = arith.constant 128 : i32
          %mul3A_78 = arith.muli %add3A_76, %mul3A_77 : i32
          %dma_start3A_79 = arith.constant 0 : i32
          %dma_start3A_80 = tpu.memref_slice %arg2[%mul3A_78, %dma_start3A_79] : memref<320000x128xf32, #tpu.memory_space<hbm>> -> memref<128x128xf32, #tpu.memory_space<hbm>>
          %dma_start3A_81 = arith.constant 0 : i32
          %dma_start3A_82 = tpu.memref_slice %arg2[%mul3A_78, %dma_start3A_81] : memref<320000x128xf32, #tpu.memory_space<hbm>> -> memref<128x128xf32, #tpu.memory_space<hbm>>
          tpu.enqueue_dma source(%dma_start3A_82 : memref<128x128xf32, #tpu.memory_space<hbm>>) target(%arg7 : memref<128x128xf32, #tpu.memory_space<vmem>>) target_semaphore(%arg11 : memref<!tpu.dma_semaphore, #tpu.memory_space<semaphore_mem>>)
        } else {
        }
        "tpu.region"() ({
          %run_scoped3A = tpu.sem_alloc : memref<!tpu.dma_semaphore, #tpu.memory_space<semaphore_mem>>
          %dma_start3A_74 = arith.constant 0 : i32
          %dma_start3A_75 = tpu.memref_slice %arg8[%add3A_52, %dma_start3A_74] : memref<80x128xi32, #tpu.memory_space<vmem>> -> memref<1x128xi32, #tpu.memory_space<vmem>>
          %dma_start3A_76 = tpu.memref_squeeze %dma_start3A_75 : memref<1x128xi32, #tpu.memory_space<vmem>> -> memref<128xi32, #tpu.memory_space<vmem>>
          %dma_start3A_77 = arith.constant 0 : i32
          %dma_start3A_78 = arith.constant 0 : i32
          %dma_start3A_79 = tpu.memref_slice %arg9[%dma_start3A_77, %dma_start3A_78] : memref<10000x128xf32, #tpu.memory_space<vmem_shared>> -> memref<10000x128xf32, #tpu.memory_space<vmem_shared>>
          tpu.enqueue_indirect_dma source(%arg6 : memref<128x128xf32, #tpu.memory_space<vmem>>) target(%dma_start3A_79 : memref<10000x128xf32, #tpu.memory_space<vmem_shared>>) offsets(%dma_start3A_76 : memref<128xi32, #tpu.memory_space<vmem>>) semaphore(%run_scoped3A : memref<!tpu.dma_semaphore, #tpu.memory_space<semaphore_mem>>) {add = true}
          %dma_wait3A_80 = arith.constant 0 : i32
          %dma_wait3A_81 = tpu.memref_slice %arg8[%add3A_52, %dma_wait3A_80] : memref<80x128xi32, #tpu.memory_space<vmem>> -> memref<1x128xi32, #tpu.memory_space<vmem>>
          %dma_wait3A_82 = tpu.memref_squeeze %dma_wait3A_81 : memref<1x128xi32, #tpu.memory_space<vmem>> -> memref<128xi32, #tpu.memory_space<vmem>>
          %dma_wait3A_83 = arith.constant 0 : i32
          %dma_wait3A_84 = arith.constant 0 : i32
          %dma_wait3A_85 = tpu.memref_slice %arg9[%dma_wait3A_83, %dma_wait3A_84] : memref<10000x128xf32, #tpu.memory_space<vmem_shared>> -> memref<10000x128xf32, #tpu.memory_space<vmem_shared>>
          tpu.wait_indirect_dma semaphore(%run_scoped3A : memref<!tpu.dma_semaphore, #tpu.memory_space<semaphore_mem>>) src(%arg6 : memref<128x128xf32, #tpu.memory_space<vmem>>) dst(%dma_wait3A_85 : memref<10000x128xf32, #tpu.memory_space<vmem_shared>>)
          tpu.yield
        }) : () -> ()
      } else {
      }
      %mul3A_54 = arith.constant 2 : i32
      %mul3A_55 = arith.muli %mul3A_54, %while3A_48 : i32
      %add3A_56 = arith.constant 1 : i32
      %add3A_57 = arith.addi %mul3A_55, %add3A_56 : i32
      %lt3A_58 = arith.cmpi slt, %add3A_57, %select_n3A : i32
      %convert_element_type3A_59 = arith.extui %lt3A_58 : i1 to i32
      %cond3A_60 = arith.constant 0 : i32
      %cond3A_61 = arith.cmpi ne, %convert_element_type3A_59, %cond3A_60 : i32
      scf.if %cond3A_61 {
        %add3A_62 = arith.addi %add3A_5, %add3A_57 : i32
        %mul3A_63 = arith.constant 128 : i32
        %mul3A_64 = arith.muli %add3A_62, %mul3A_63 : i32
        %dma_wait3A = arith.constant 0 : i32
        %dma_wait3A_65 = tpu.memref_slice %arg2[%mul3A_64, %dma_wait3A] : memref<320000x128xf32, #tpu.memory_space<hbm>> -> memref<128x128xf32, #tpu.memory_space<hbm>>
        %dma_wait3A_66 = arith.constant 0 : i32
        %dma_wait3A_67 = tpu.memref_slice %arg2[%mul3A_64, %dma_wait3A_66] : memref<320000x128xf32, #tpu.memory_space<hbm>> -> memref<128x128xf32, #tpu.memory_space<hbm>>
        tpu.wait_dma2 semaphore(%arg11 : memref<!tpu.dma_semaphore, #tpu.memory_space<semaphore_mem>>) src(%dma_wait3A_67 : memref<128x128xf32, #tpu.memory_space<hbm>>) dst(%arg7 : memref<128x128xf32, #tpu.memory_space<vmem>>)
        %add3A_68 = arith.constant 1 : i32
        %add3A_69 = arith.addi %add3A_57, %add3A_68 : i32
        %lt3A_70 = arith.cmpi slt, %add3A_69, %select_n3A : i32
        %convert_element_type3A_71 = arith.extui %lt3A_70 : i1 to i32
        %cond3A_72 = arith.constant 0 : i32
        %cond3A_73 = arith.cmpi ne, %convert_element_type3A_71, %cond3A_72 : i32
        scf.if %cond3A_73 {
          %add3A_74 = arith.constant 1 : i32
          %add3A_75 = arith.addi %add3A_57, %add3A_74 : i32
          %add3A_76 = arith.addi %add3A_5, %add3A_75 : i32
          %mul3A_77 = arith.constant 128 : i32
          %mul3A_78 = arith.muli %add3A_76, %mul3A_77 : i32
          %dma_start3A_79 = arith.constant 0 : i32
          %dma_start3A_80 = tpu.memref_slice %arg2[%mul3A_78, %dma_start3A_79] : memref<320000x128xf32, #tpu.memory_space<hbm>> -> memref<128x128xf32, #tpu.memory_space<hbm>>
          %dma_start3A_81 = arith.constant 0 : i32
          %dma_start3A_82 = tpu.memref_slice %arg2[%mul3A_78, %dma_start3A_81] : memref<320000x128xf32, #tpu.memory_space<hbm>> -> memref<128x128xf32, #tpu.memory_space<hbm>>
          tpu.enqueue_dma source(%dma_start3A_82 : memref<128x128xf32, #tpu.memory_space<hbm>>) target(%arg6 : memref<128x128xf32, #tpu.memory_space<vmem>>) target_semaphore(%arg10 : memref<!tpu.dma_semaphore, #tpu.memory_space<semaphore_mem>>)
        } else {
        }
        "tpu.region"() ({
          %run_scoped3A = tpu.sem_alloc : memref<!tpu.dma_semaphore, #tpu.memory_space<semaphore_mem>>
          %dma_start3A_74 = arith.constant 0 : i32
          %dma_start3A_75 = tpu.memref_slice %arg8[%add3A_57, %dma_start3A_74] : memref<80x128xi32, #tpu.memory_space<vmem>> -> memref<1x128xi32, #tpu.memory_space<vmem>>
          %dma_start3A_76 = tpu.memref_squeeze %dma_start3A_75 : memref<1x128xi32, #tpu.memory_space<vmem>> -> memref<128xi32, #tpu.memory_space<vmem>>
          %dma_start3A_77 = arith.constant 0 : i32
          %dma_start3A_78 = arith.constant 0 : i32
          %dma_start3A_79 = tpu.memref_slice %arg9[%dma_start3A_77, %dma_start3A_78] : memref<10000x128xf32, #tpu.memory_space<vmem_shared>> -> memref<10000x128xf32, #tpu.memory_space<vmem_shared>>
          tpu.enqueue_indirect_dma source(%arg7 : memref<128x128xf32, #tpu.memory_space<vmem>>) target(%dma_start3A_79 : memref<10000x128xf32, #tpu.memory_space<vmem_shared>>) offsets(%dma_start3A_76 : memref<128xi32, #tpu.memory_space<vmem>>) semaphore(%run_scoped3A : memref<!tpu.dma_semaphore, #tpu.memory_space<semaphore_mem>>) {add = true}
          %dma_wait3A_80 = arith.constant 0 : i32
          %dma_wait3A_81 = tpu.memref_slice %arg8[%add3A_57, %dma_wait3A_80] : memref<80x128xi32, #tpu.memory_space<vmem>> -> memref<1x128xi32, #tpu.memory_space<vmem>>
          %dma_wait3A_82 = tpu.memref_squeeze %dma_wait3A_81 : memref<1x128xi32, #tpu.memory_space<vmem>> -> memref<128xi32, #tpu.memory_space<vmem>>
          %dma_wait3A_83 = arith.constant 0 : i32
          %dma_wait3A_84 = arith.constant 0 : i32
          %dma_wait3A_85 = tpu.memref_slice %arg9[%dma_wait3A_83, %dma_wait3A_84] : memref<10000x128xf32, #tpu.memory_space<vmem_shared>> -> memref<10000x128xf32, #tpu.memory_space<vmem_shared>>
          tpu.wait_indirect_dma semaphore(%run_scoped3A : memref<!tpu.dma_semaphore, #tpu.memory_space<semaphore_mem>>) src(%arg7 : memref<128x128xf32, #tpu.memory_space<vmem>>) dst(%dma_wait3A_85 : memref<10000x128xf32, #tpu.memory_space<vmem_shared>>)
          tpu.yield
        }) : () -> ()
      } else {
      }
    }
    %barrier3A_47 = arith.constant 0 : index
    tpu.barrier barrier_id(%barrier3A_47)
    "tpu.region"() ({
      %run_scoped3A = tpu.sem_alloc : memref<!tpu.dma_semaphore, #tpu.memory_space<semaphore_mem>>
      %dma_start3A_48 = arith.constant 0 : i32
      %dma_start3A_49 = tpu.memref_slice %arg5[%arg0, %mul3A_9, %dma_start3A_48] : memref<2x10000x128xf32, #tpu.memory_space<hbm>> -> memref<1x640x128xf32, #tpu.memory_space<hbm>>
      %dma_start3A_50 = tpu.memref_squeeze %dma_start3A_49 : memref<1x640x128xf32, #tpu.memory_space<hbm>> -> memref<640x128xf32, #tpu.memory_space<hbm>>
      %dma_start3A_51 = arith.constant 0 : i32
      %dma_start3A_52 = tpu.memref_slice %arg9[%mul3A_9, %dma_start3A_51] : memref<10000x128xf32, #tpu.memory_space<vmem_shared>> -> memref<640x128xf32, #tpu.memory_space<vmem_shared>>
      tpu.enqueue_dma source(%dma_start3A_52 : memref<640x128xf32, #tpu.memory_space<vmem_shared>>) target(%dma_start3A_50 : memref<640x128xf32, #tpu.memory_space<hbm>>) target_semaphore(%run_scoped3A : memref<!tpu.dma_semaphore, #tpu.memory_space<semaphore_mem>>)
      %dma_wait3A = arith.constant 0 : i32
      %dma_wait3A_53 = tpu.memref_slice %arg5[%arg0, %mul3A_9, %dma_wait3A] : memref<2x10000x128xf32, #tpu.memory_space<hbm>> -> memref<1x640x128xf32, #tpu.memory_space<hbm>>
      %dma_wait3A_54 = tpu.memref_squeeze %dma_wait3A_53 : memref<1x640x128xf32, #tpu.memory_space<hbm>> -> memref<640x128xf32, #tpu.memory_space<hbm>>
      %dma_wait3A_55 = arith.constant 0 : i32
      %dma_wait3A_56 = tpu.memref_slice %arg9[%mul3A_9, %dma_wait3A_55] : memref<10000x128xf32, #tpu.memory_space<vmem_shared>> -> memref<640x128xf32, #tpu.memory_space<vmem_shared>>
      tpu.wait_dma2 semaphore(%run_scoped3A : memref<!tpu.dma_semaphore, #tpu.memory_space<semaphore_mem>>) src(%dma_wait3A_56 : memref<640x128xf32, #tpu.memory_space<vmem_shared>>) dst(%dma_wait3A_54 : memref<640x128xf32, #tpu.memory_space<hbm>>)
      tpu.yield
    }) : () -> ()
    return
  }
}

#map = affine_map<(d0, d1) -> (0, 0)>
#map1 = affine_map<(d0, d1) -> (0, 0, 0)>
module attributes {stable_mosaic.version = 14 : i64} {
  func.func @_gather_mul(%arg0: i32, %arg1: i32, %arg2: memref<320000x128xf32, #tpu.memory_space<hbm>>, %arg3: memref<32x80x128xi32, #tpu.memory_space<hbm>>, %arg4: memref<10000x128xf32, #tpu.memory_space<hbm>>, %arg5: memref<320000x128xf32, #tpu.memory_space<hbm>>, %arg6: memref<128x128xf32, #tpu.memory_space<vmem>>, %arg7: memref<128x128xf32, #tpu.memory_space<vmem>>, %arg8: memref<128x128xf32, #tpu.memory_space<vmem>>, %arg9: memref<128x128xf32, #tpu.memory_space<vmem>>, %arg10: memref<128x128xf32, #tpu.memory_space<vmem>>, %arg11: memref<128x128xf32, #tpu.memory_space<vmem>>, %arg12: memref<80x128xi32, #tpu.memory_space<vmem>>, %arg13: memref<!tpu.dma_semaphore, #tpu.memory_space<semaphore_mem>>, %arg14: memref<!tpu.dma_semaphore, #tpu.memory_space<semaphore_mem>>, %arg15: memref<!tpu.dma_semaphore, #tpu.memory_space<semaphore_mem>>, %arg16: memref<!tpu.dma_semaphore, #tpu.memory_space<semaphore_mem>>, %arg17: memref<!tpu.dma_semaphore, #tpu.memory_space<semaphore_mem>>, %arg18: memref<!tpu.dma_semaphore, #tpu.memory_space<semaphore_mem>>) attributes {dimension_semantics = [#tpu.dimension_semantics<core_parallel>, #tpu.dimension_semantics<subcore_parallel>], iteration_bounds = array<i64: 2, 16>, scalar_prefetch = 0 : i64, scratch_operands = 13 : i64, tpu.core_type = #tpu.core_type<sc_vector_subcore>, window_params = [{transform_indices = #map}, {transform_indices = #map1}, {transform_indices = #map}, {transform_indices = #map}]} {
    %mul3A = arith.constant 16 : i32
    %mul3A_0 = arith.muli %arg0, %mul3A : i32
    %add3A = arith.addi %mul3A_0, %arg1 : i32
    %mul3A_1 = arith.constant 78 : i32
    %mul3A_2 = arith.muli %mul3A_1, %add3A : i32
    %sub3A = arith.constant 28 : i32
    %sub3A_3 = arith.subi %add3A, %sub3A : i32
    %max3A = arith.constant 0 : i32
    %max3A_4 = arith.maxsi %sub3A_3, %max3A : i32
    %add3A_5 = arith.addi %mul3A_2, %max3A_4 : i32
    %ge3A = arith.constant 28 : i32
    %ge3A_6 = arith.cmpi sge, %add3A, %ge3A : i32
    %jit3A = arith.constant 79 : i32
    %jit3A_7 = arith.constant 78 : i32
    %select_n3A = arith.select %ge3A_6, %jit3A, %jit3A_7 : i32
    "tpu.region"() ({
      %run_scoped3A = tpu.sem_alloc : memref<!tpu.dma_semaphore, #tpu.memory_space<semaphore_mem>>
      %dma_start3A_122 = arith.constant 0 : i32
      %dma_start3A_123 = arith.constant 0 : i32
      %dma_start3A_124 = tpu.memref_slice %arg3[%add3A, %dma_start3A_122, %dma_start3A_123] : memref<32x80x128xi32, #tpu.memory_space<hbm>> -> memref<1x80x128xi32, #tpu.memory_space<hbm>>
      %dma_start3A_125 = tpu.memref_squeeze %dma_start3A_124 : memref<1x80x128xi32, #tpu.memory_space<hbm>> -> memref<80x128xi32, #tpu.memory_space<hbm>>
      %dma_start3A_126 = arith.constant 0 : i32
      %dma_start3A_127 = arith.constant 0 : i32
      %dma_start3A_128 = tpu.memref_slice %arg3[%add3A, %dma_start3A_126, %dma_start3A_127] : memref<32x80x128xi32, #tpu.memory_space<hbm>> -> memref<1x80x128xi32, #tpu.memory_space<hbm>>
      %dma_start3A_129 = tpu.memref_squeeze %dma_start3A_128 : memref<1x80x128xi32, #tpu.memory_space<hbm>> -> memref<80x128xi32, #tpu.memory_space<hbm>>
      tpu.enqueue_dma source(%dma_start3A_129 : memref<80x128xi32, #tpu.memory_space<hbm>>) target(%arg12 : memref<80x128xi32, #tpu.memory_space<vmem>>) target_semaphore(%run_scoped3A : memref<!tpu.dma_semaphore, #tpu.memory_space<semaphore_mem>>)
      %dma_wait3A_130 = arith.constant 0 : i32
      %dma_wait3A_131 = arith.constant 0 : i32
      %dma_wait3A_132 = tpu.memref_slice %arg3[%add3A, %dma_wait3A_130, %dma_wait3A_131] : memref<32x80x128xi32, #tpu.memory_space<hbm>> -> memref<1x80x128xi32, #tpu.memory_space<hbm>>
      %dma_wait3A_133 = tpu.memref_squeeze %dma_wait3A_132 : memref<1x80x128xi32, #tpu.memory_space<hbm>> -> memref<80x128xi32, #tpu.memory_space<hbm>>
      %dma_wait3A_134 = arith.constant 0 : i32
      %dma_wait3A_135 = arith.constant 0 : i32
      %dma_wait3A_136 = tpu.memref_slice %arg3[%add3A, %dma_wait3A_134, %dma_wait3A_135] : memref<32x80x128xi32, #tpu.memory_space<hbm>> -> memref<1x80x128xi32, #tpu.memory_space<hbm>>
      %dma_wait3A_137 = tpu.memref_squeeze %dma_wait3A_136 : memref<1x80x128xi32, #tpu.memory_space<hbm>> -> memref<80x128xi32, #tpu.memory_space<hbm>>
      tpu.wait_dma2 semaphore(%run_scoped3A : memref<!tpu.dma_semaphore, #tpu.memory_space<semaphore_mem>>) src(%dma_wait3A_137 : memref<80x128xi32, #tpu.memory_space<hbm>>) dst(%arg12 : memref<80x128xi32, #tpu.memory_space<vmem>>)
      tpu.yield
    }) : () -> ()
    %add3A_8 = arith.constant 0 : i32
    %add3A_9 = arith.addi %add3A_5, %add3A_8 : i32
    %mul3A_10 = arith.constant 128 : i32
    %mul3A_11 = arith.muli %add3A_9, %mul3A_10 : i32
    %dma_start3A = arith.constant 0 : i32
    %dma_start3A_12 = tpu.memref_slice %arg2[%mul3A_11, %dma_start3A] : memref<320000x128xf32, #tpu.memory_space<hbm>> -> memref<128x128xf32, #tpu.memory_space<hbm>>
    %dma_start3A_13 = arith.constant 0 : i32
    %dma_start3A_14 = tpu.memref_slice %arg2[%mul3A_11, %dma_start3A_13] : memref<320000x128xf32, #tpu.memory_space<hbm>> -> memref<128x128xf32, #tpu.memory_space<hbm>>
    tpu.enqueue_dma source(%dma_start3A_14 : memref<128x128xf32, #tpu.memory_space<hbm>>) target(%arg6 : memref<128x128xf32, #tpu.memory_space<vmem>>) target_semaphore(%arg13 : memref<!tpu.dma_semaphore, #tpu.memory_space<semaphore_mem>>)
    %dma_start3A_15 = arith.constant 0 : i32
    %dma_start3A_16 = arith.constant 0 : i32
    %dma_start3A_17 = tpu.memref_slice %arg12[%dma_start3A_15, %dma_start3A_16] : memref<80x128xi32, #tpu.memory_space<vmem>> -> memref<1x128xi32, #tpu.memory_space<vmem>>
    %dma_start3A_18 = tpu.memref_squeeze %dma_start3A_17 : memref<1x128xi32, #tpu.memory_space<vmem>> -> memref<128xi32, #tpu.memory_space<vmem>>
    %dma_start3A_19 = arith.constant 0 : i32
    %dma_start3A_20 = arith.constant 0 : i32
    %dma_start3A_21 = tpu.memref_slice %arg4[%dma_start3A_19, %dma_start3A_20] : memref<10000x128xf32, #tpu.memory_space<hbm>> -> memref<10000x128xf32, #tpu.memory_space<hbm>>
    tpu.enqueue_indirect_dma source(%dma_start3A_21 : memref<10000x128xf32, #tpu.memory_space<hbm>>) target(%arg8 : memref<128x128xf32, #tpu.memory_space<vmem>>) offsets(%dma_start3A_18 : memref<128xi32, #tpu.memory_space<vmem>>) semaphore(%arg15 : memref<!tpu.dma_semaphore, #tpu.memory_space<semaphore_mem>>)
    %add3A_22 = arith.constant 1 : i32
    %add3A_23 = arith.addi %add3A_5, %add3A_22 : i32
    %mul3A_24 = arith.constant 128 : i32
    %mul3A_25 = arith.muli %add3A_23, %mul3A_24 : i32
    %dma_start3A_26 = arith.constant 0 : i32
    %dma_start3A_27 = tpu.memref_slice %arg2[%mul3A_25, %dma_start3A_26] : memref<320000x128xf32, #tpu.memory_space<hbm>> -> memref<128x128xf32, #tpu.memory_space<hbm>>
    %dma_start3A_28 = arith.constant 0 : i32
    %dma_start3A_29 = tpu.memref_slice %arg2[%mul3A_25, %dma_start3A_28] : memref<320000x128xf32, #tpu.memory_space<hbm>> -> memref<128x128xf32, #tpu.memory_space<hbm>>
    tpu.enqueue_dma source(%dma_start3A_29 : memref<128x128xf32, #tpu.memory_space<hbm>>) target(%arg7 : memref<128x128xf32, #tpu.memory_space<vmem>>) target_semaphore(%arg14 : memref<!tpu.dma_semaphore, #tpu.memory_space<semaphore_mem>>)
    %dma_start3A_30 = arith.constant 1 : i32
    %dma_start3A_31 = arith.constant 0 : i32
    %dma_start3A_32 = tpu.memref_slice %arg12[%dma_start3A_30, %dma_start3A_31] : memref<80x128xi32, #tpu.memory_space<vmem>> -> memref<1x128xi32, #tpu.memory_space<vmem>>
    %dma_start3A_33 = tpu.memref_squeeze %dma_start3A_32 : memref<1x128xi32, #tpu.memory_space<vmem>> -> memref<128xi32, #tpu.memory_space<vmem>>
    %dma_start3A_34 = arith.constant 0 : i32
    %dma_start3A_35 = arith.constant 0 : i32
    %dma_start3A_36 = tpu.memref_slice %arg4[%dma_start3A_34, %dma_start3A_35] : memref<10000x128xf32, #tpu.memory_space<hbm>> -> memref<10000x128xf32, #tpu.memory_space<hbm>>
    tpu.enqueue_indirect_dma source(%dma_start3A_36 : memref<10000x128xf32, #tpu.memory_space<hbm>>) target(%arg9 : memref<128x128xf32, #tpu.memory_space<vmem>>) offsets(%dma_start3A_33 : memref<128xi32, #tpu.memory_space<vmem>>) semaphore(%arg16 : memref<!tpu.dma_semaphore, #tpu.memory_space<semaphore_mem>>)
    %add3A_37 = arith.constant 1 : i32
    %add3A_38 = arith.addi %select_n3A, %add3A_37 : i32
    %jit3A_39 = arith.constant 2 : i32
    %div3A = arith.divsi %add3A_38, %jit3A_39 : i32
    %sign3A = arith.constant 0 : i32
    %sign3A_40 = arith.cmpi sgt, %add3A_38, %sign3A : i32
    %sign3A_41 = arith.extui %sign3A_40 : i1 to i32
    %sign3A_42 = arith.constant 0 : i32
    %sign3A_43 = arith.cmpi slt, %add3A_38, %sign3A_42 : i32
    %sign3A_44 = arith.extui %sign3A_43 : i1 to i32
    %sign3A_45 = arith.subi %sign3A_41, %sign3A_44 : i32
    %sign3A_46 = arith.constant 0 : i32
    %sign3A_47 = arith.cmpi sgt, %jit3A_39, %sign3A_46 : i32
    %sign3A_48 = arith.extui %sign3A_47 : i1 to i32
    %sign3A_49 = arith.constant 0 : i32
    %sign3A_50 = arith.cmpi slt, %jit3A_39, %sign3A_49 : i32
    %sign3A_51 = arith.extui %sign3A_50 : i1 to i32
    %sign3A_52 = arith.subi %sign3A_48, %sign3A_51 : i32
    %ne3A = arith.cmpi ne, %sign3A_45, %sign3A_52 : i32
    %rem3A = arith.remsi %add3A_38, %jit3A_39 : i32
    %ne3A_53 = arith.constant 0 : i32
    %ne3A_54 = arith.cmpi ne, %rem3A, %ne3A_53 : i32
    %and3A = arith.andi %ne3A, %ne3A_54 : i1
    %sub3A_55 = arith.constant 1 : i32
    %sub3A_56 = arith.subi %div3A, %sub3A_55 : i32
    %select_n3A_57 = arith.select %and3A, %sub3A_56, %div3A : i32
    %while3A = arith.constant 0 : i32
    %while3A_58 = arith.constant 0 : i32
    %while3A_59 = arith.subi %select_n3A_57, %while3A_58 : i32
    %while3A_60 = arith.addi %while3A_58, %while3A_59 : i32
    %while3A_61 = arith.constant 1 : i32
    %while3A_62 = arith.divsi %while3A_59, %while3A_61 : i32
    %while3A_63 = arith.muli %while3A_62, %while3A_61 : i32
    %while3A_64 = arith.addi %while3A_58, %while3A_63 : i32
    %while3A_65 = arith.constant 1 : i32
    scf.for %while3A_122 = %while3A_58 to %while3A_64 step %while3A_65  : i32 {
      %mul3A_123 = arith.constant 2 : i32
      %mul3A_124 = arith.muli %mul3A_123, %while3A_122 : i32
      %add3A_125 = arith.constant 0 : i32
      %add3A_126 = arith.addi %mul3A_124, %add3A_125 : i32
      %lt3A_127 = arith.cmpi slt, %add3A_126, %select_n3A : i32
      %convert_element_type3A = arith.extui %lt3A_127 : i1 to i32
      %cond3A = arith.constant 0 : i32
      %cond3A_128 = arith.cmpi ne, %convert_element_type3A, %cond3A : i32
      scf.if %cond3A_128 {
        %ge3A_137 = arith.constant 2 : i32
        %ge3A_138 = arith.cmpi sge, %add3A_126, %ge3A_137 : i32
        %convert_element_type3A_139 = arith.extui %ge3A_138 : i1 to i32
        %cond3A_140 = arith.constant 0 : i32
        %cond3A_141 = arith.cmpi ne, %convert_element_type3A_139, %cond3A_140 : i32
        scf.if %cond3A_141 {
          %sub3A_173 = arith.constant 2 : i32
          %sub3A_174 = arith.subi %add3A_126, %sub3A_173 : i32
          %add3A_175 = arith.addi %add3A_5, %sub3A_174 : i32
          %mul3A_176 = arith.constant 128 : i32
          %mul3A_177 = arith.muli %add3A_175, %mul3A_176 : i32
          %dma_wait3A_178 = arith.constant 0 : i32
          %dma_wait3A_179 = tpu.memref_slice %arg5[%mul3A_177, %dma_wait3A_178] : memref<320000x128xf32, #tpu.memory_space<hbm>> -> memref<128x128xf32, #tpu.memory_space<hbm>>
          %dma_wait3A_180 = arith.constant 0 : i32
          %dma_wait3A_181 = tpu.memref_slice %arg5[%mul3A_177, %dma_wait3A_180] : memref<320000x128xf32, #tpu.memory_space<hbm>> -> memref<128x128xf32, #tpu.memory_space<hbm>>
          tpu.wait_dma2 semaphore(%arg17 : memref<!tpu.dma_semaphore, #tpu.memory_space<semaphore_mem>>) src(%arg10 : memref<128x128xf32, #tpu.memory_space<vmem>>) dst(%dma_wait3A_181 : memref<128x128xf32, #tpu.memory_space<hbm>>)
        } else {
        }
        %add3A_142 = arith.addi %add3A_5, %add3A_126 : i32
        %mul3A_143 = arith.constant 128 : i32
        %mul3A_144 = arith.muli %add3A_142, %mul3A_143 : i32
        %dma_wait3A_145 = arith.constant 0 : i32
        %dma_wait3A_146 = tpu.memref_slice %arg2[%mul3A_144, %dma_wait3A_145] : memref<320000x128xf32, #tpu.memory_space<hbm>> -> memref<128x128xf32, #tpu.memory_space<hbm>>
        %dma_wait3A_147 = arith.constant 0 : i32
        %dma_wait3A_148 = tpu.memref_slice %arg2[%mul3A_144, %dma_wait3A_147] : memref<320000x128xf32, #tpu.memory_space<hbm>> -> memref<128x128xf32, #tpu.memory_space<hbm>>
        tpu.wait_dma2 semaphore(%arg13 : memref<!tpu.dma_semaphore, #tpu.memory_space<semaphore_mem>>) src(%dma_wait3A_148 : memref<128x128xf32, #tpu.memory_space<hbm>>) dst(%arg6 : memref<128x128xf32, #tpu.memory_space<vmem>>)
        %dma_wait3A_149 = arith.constant 0 : i32
        %dma_wait3A_150 = tpu.memref_slice %arg12[%add3A_126, %dma_wait3A_149] : memref<80x128xi32, #tpu.memory_space<vmem>> -> memref<1x128xi32, #tpu.memory_space<vmem>>
        %dma_wait3A_151 = tpu.memref_squeeze %dma_wait3A_150 : memref<1x128xi32, #tpu.memory_space<vmem>> -> memref<128xi32, #tpu.memory_space<vmem>>
        %dma_wait3A_152 = arith.constant 0 : i32
        %dma_wait3A_153 = arith.constant 0 : i32
        %dma_wait3A_154 = tpu.memref_slice %arg4[%dma_wait3A_152, %dma_wait3A_153] : memref<10000x128xf32, #tpu.memory_space<hbm>> -> memref<10000x128xf32, #tpu.memory_space<hbm>>
        tpu.wait_indirect_dma semaphore(%arg15 : memref<!tpu.dma_semaphore, #tpu.memory_space<semaphore_mem>>) src(%dma_wait3A_154 : memref<10000x128xf32, #tpu.memory_space<hbm>>) dst(%arg8 : memref<128x128xf32, #tpu.memory_space<vmem>>)
        %scan3A = arith.constant 0 : i32
        %scan3A_155 = arith.constant 0 : i32
        %scan3A_156 = arith.constant 128 : i32
        %scan3A_157 = arith.addi %scan3A_155, %scan3A_156 : i32
        %scan3A_158 = arith.constant 1 : i32
        scf.for %scan3A_173 = %scan3A_155 to %scan3A_157 step %scan3A_158  : i32 {
          %get3A = arith.index_cast %scan3A_173 : i32 to index
          %get3A_174 = arith.constant 0 : index
          %get3A_175 = tpu.vector_load %arg6[%get3A, %get3A_174] {strides = array<i32>} : memref<128x128xf32, #tpu.memory_space<vmem>>, vector<1x16xf32>,
          %get3A_176 = vector.shape_cast %get3A_175 : vector<1x16xf32> to vector<16xf32>
          %get3A_177 = arith.index_cast %scan3A_173 : i32 to index
          %get3A_178 = arith.constant 0 : index
          %get3A_179 = tpu.vector_load %arg8[%get3A_177, %get3A_178] {strides = array<i32>} : memref<128x128xf32, #tpu.memory_space<vmem>>, vector<1x16xf32>,
          %get3A_180 = vector.shape_cast %get3A_179 : vector<1x16xf32> to vector<16xf32>
          %mul3A_181 = arith.mulf %get3A_176, %get3A_180 : vector<16xf32>
          %swap3A = arith.index_cast %scan3A_173 : i32 to index
          %swap3A_182 = arith.constant 0 : index
          %swap3A_183 = tpu.vector_load %arg10[%swap3A, %swap3A_182] {strides = array<i32>} : memref<128x128xf32, #tpu.memory_space<vmem>>, vector<1x16xf32>,
          %swap3A_184 = vector.shape_cast %swap3A_183 : vector<1x16xf32> to vector<16xf32>
          %swap3A_185 = vector.shape_cast %mul3A_181 : vector<16xf32> to vector<1x16xf32>
          tpu.vector_store %arg10[%swap3A, %swap3A_182], %swap3A_185 {strides = array<i32>} : memref<128x128xf32, #tpu.memory_space<vmem>>, vector<1x16xf32>,
          %get3A_186 = arith.index_cast %scan3A_173 : i32 to index
          %get3A_187 = arith.constant 16 : index
          %get3A_188 = tpu.vector_load %arg6[%get3A_186, %get3A_187] {strides = array<i32>} : memref<128x128xf32, #tpu.memory_space<vmem>>, vector<1x16xf32>,
          %get3A_189 = vector.shape_cast %get3A_188 : vector<1x16xf32> to vector<16xf32>
          %get3A_190 = arith.index_cast %scan3A_173 : i32 to index
          %get3A_191 = arith.constant 16 : index
          %get3A_192 = tpu.vector_load %arg8[%get3A_190, %get3A_191] {strides = array<i32>} : memref<128x128xf32, #tpu.memory_space<vmem>>, vector<1x16xf32>,
          %get3A_193 = vector.shape_cast %get3A_192 : vector<1x16xf32> to vector<16xf32>
          %mul3A_194 = arith.mulf %get3A_189, %get3A_193 : vector<16xf32>
          %swap3A_195 = arith.index_cast %scan3A_173 : i32 to index
          %swap3A_196 = arith.constant 16 : index
          %swap3A_197 = tpu.vector_load %arg10[%swap3A_195, %swap3A_196] {strides = array<i32>} : memref<128x128xf32, #tpu.memory_space<vmem>>, vector<1x16xf32>,
          %swap3A_198 = vector.shape_cast %swap3A_197 : vector<1x16xf32> to vector<16xf32>
          %swap3A_199 = vector.shape_cast %mul3A_194 : vector<16xf32> to vector<1x16xf32>
          tpu.vector_store %arg10[%swap3A_195, %swap3A_196], %swap3A_199 {strides = array<i32>} : memref<128x128xf32, #tpu.memory_space<vmem>>, vector<1x16xf32>,
          %get3A_200 = arith.index_cast %scan3A_173 : i32 to index
          %get3A_201 = arith.constant 32 : index
          %get3A_202 = tpu.vector_load %arg6[%get3A_200, %get3A_201] {strides = array<i32>} : memref<128x128xf32, #tpu.memory_space<vmem>>, vector<1x16xf32>,
          %get3A_203 = vector.shape_cast %get3A_202 : vector<1x16xf32> to vector<16xf32>
          %get3A_204 = arith.index_cast %scan3A_173 : i32 to index
          %get3A_205 = arith.constant 32 : index
          %get3A_206 = tpu.vector_load %arg8[%get3A_204, %get3A_205] {strides = array<i32>} : memref<128x128xf32, #tpu.memory_space<vmem>>, vector<1x16xf32>,
          %get3A_207 = vector.shape_cast %get3A_206 : vector<1x16xf32> to vector<16xf32>
          %mul3A_208 = arith.mulf %get3A_203, %get3A_207 : vector<16xf32>
          %swap3A_209 = arith.index_cast %scan3A_173 : i32 to index
          %swap3A_210 = arith.constant 32 : index
          %swap3A_211 = tpu.vector_load %arg10[%swap3A_209, %swap3A_210] {strides = array<i32>} : memref<128x128xf32, #tpu.memory_space<vmem>>, vector<1x16xf32>,
          %swap3A_212 = vector.shape_cast %swap3A_211 : vector<1x16xf32> to vector<16xf32>
          %swap3A_213 = vector.shape_cast %mul3A_208 : vector<16xf32> to vector<1x16xf32>
          tpu.vector_store %arg10[%swap3A_209, %swap3A_210], %swap3A_213 {strides = array<i32>} : memref<128x128xf32, #tpu.memory_space<vmem>>, vector<1x16xf32>,
          %get3A_214 = arith.index_cast %scan3A_173 : i32 to index
          %get3A_215 = arith.constant 48 : index
          %get3A_216 = tpu.vector_load %arg6[%get3A_214, %get3A_215] {strides = array<i32>} : memref<128x128xf32, #tpu.memory_space<vmem>>, vector<1x16xf32>,
          %get3A_217 = vector.shape_cast %get3A_216 : vector<1x16xf32> to vector<16xf32>
          %get3A_218 = arith.index_cast %scan3A_173 : i32 to index
          %get3A_219 = arith.constant 48 : index
          %get3A_220 = tpu.vector_load %arg8[%get3A_218, %get3A_219] {strides = array<i32>} : memref<128x128xf32, #tpu.memory_space<vmem>>, vector<1x16xf32>,
          %get3A_221 = vector.shape_cast %get3A_220 : vector<1x16xf32> to vector<16xf32>
          %mul3A_222 = arith.mulf %get3A_217, %get3A_221 : vector<16xf32>
          %swap3A_223 = arith.index_cast %scan3A_173 : i32 to index
          %swap3A_224 = arith.constant 48 : index
          %swap3A_225 = tpu.vector_load %arg10[%swap3A_223, %swap3A_224] {strides = array<i32>} : memref<128x128xf32, #tpu.memory_space<vmem>>, vector<1x16xf32>,
          %swap3A_226 = vector.shape_cast %swap3A_225 : vector<1x16xf32> to vector<16xf32>
          %swap3A_227 = vector.shape_cast %mul3A_222 : vector<16xf32> to vector<1x16xf32>
          tpu.vector_store %arg10[%swap3A_223, %swap3A_224], %swap3A_227 {strides = array<i32>} : memref<128x128xf32, #tpu.memory_space<vmem>>, vector<1x16xf32>,
          %get3A_228 = arith.index_cast %scan3A_173 : i32 to index
          %get3A_229 = arith.constant 64 : index
          %get3A_230 = tpu.vector_load %arg6[%get3A_228, %get3A_229] {strides = array<i32>} : memref<128x128xf32, #tpu.memory_space<vmem>>, vector<1x16xf32>,
          %get3A_231 = vector.shape_cast %get3A_230 : vector<1x16xf32> to vector<16xf32>
          %get3A_232 = arith.index_cast %scan3A_173 : i32 to index
          %get3A_233 = arith.constant 64 : index
          %get3A_234 = tpu.vector_load %arg8[%get3A_232, %get3A_233] {strides = array<i32>} : memref<128x128xf32, #tpu.memory_space<vmem>>, vector<1x16xf32>,
          %get3A_235 = vector.shape_cast %get3A_234 : vector<1x16xf32> to vector<16xf32>
          %mul3A_236 = arith.mulf %get3A_231, %get3A_235 : vector<16xf32>
          %swap3A_237 = arith.index_cast %scan3A_173 : i32 to index
          %swap3A_238 = arith.constant 64 : index
          %swap3A_239 = tpu.vector_load %arg10[%swap3A_237, %swap3A_238] {strides = array<i32>} : memref<128x128xf32, #tpu.memory_space<vmem>>, vector<1x16xf32>,
          %swap3A_240 = vector.shape_cast %swap3A_239 : vector<1x16xf32> to vector<16xf32>
          %swap3A_241 = vector.shape_cast %mul3A_236 : vector<16xf32> to vector<1x16xf32>
          tpu.vector_store %arg10[%swap3A_237, %swap3A_238], %swap3A_241 {strides = array<i32>} : memref<128x128xf32, #tpu.memory_space<vmem>>, vector<1x16xf32>,
          %get3A_242 = arith.index_cast %scan3A_173 : i32 to index
          %get3A_243 = arith.constant 80 : index
          %get3A_244 = tpu.vector_load %arg6[%get3A_242, %get3A_243] {strides = array<i32>} : memref<128x128xf32, #tpu.memory_space<vmem>>, vector<1x16xf32>,
          %get3A_245 = vector.shape_cast %get3A_244 : vector<1x16xf32> to vector<16xf32>
          %get3A_246 = arith.index_cast %scan3A_173 : i32 to index
          %get3A_247 = arith.constant 80 : index
          %get3A_248 = tpu.vector_load %arg8[%get3A_246, %get3A_247] {strides = array<i32>} : memref<128x128xf32, #tpu.memory_space<vmem>>, vector<1x16xf32>,
          %get3A_249 = vector.shape_cast %get3A_248 : vector<1x16xf32> to vector<16xf32>
          %mul3A_250 = arith.mulf %get3A_245, %get3A_249 : vector<16xf32>
          %swap3A_251 = arith.index_cast %scan3A_173 : i32 to index
          %swap3A_252 = arith.constant 80 : index
          %swap3A_253 = tpu.vector_load %arg10[%swap3A_251, %swap3A_252] {strides = array<i32>} : memref<128x128xf32, #tpu.memory_space<vmem>>, vector<1x16xf32>,
          %swap3A_254 = vector.shape_cast %swap3A_253 : vector<1x16xf32> to vector<16xf32>
          %swap3A_255 = vector.shape_cast %mul3A_250 : vector<16xf32> to vector<1x16xf32>
          tpu.vector_store %arg10[%swap3A_251, %swap3A_252], %swap3A_255 {strides = array<i32>} : memref<128x128xf32, #tpu.memory_space<vmem>>, vector<1x16xf32>,
          %get3A_256 = arith.index_cast %scan3A_173 : i32 to index
          %get3A_257 = arith.constant 96 : index
          %get3A_258 = tpu.vector_load %arg6[%get3A_256, %get3A_257] {strides = array<i32>} : memref<128x128xf32, #tpu.memory_space<vmem>>, vector<1x16xf32>,
          %get3A_259 = vector.shape_cast %get3A_258 : vector<1x16xf32> to vector<16xf32>
          %get3A_260 = arith.index_cast %scan3A_173 : i32 to index
          %get3A_261 = arith.constant 96 : index
          %get3A_262 = tpu.vector_load %arg8[%get3A_260, %get3A_261] {strides = array<i32>} : memref<128x128xf32, #tpu.memory_space<vmem>>, vector<1x16xf32>,
          %get3A_263 = vector.shape_cast %get3A_262 : vector<1x16xf32> to vector<16xf32>
          %mul3A_264 = arith.mulf %get3A_259, %get3A_263 : vector<16xf32>
          %swap3A_265 = arith.index_cast %scan3A_173 : i32 to index
          %swap3A_266 = arith.constant 96 : index
          %swap3A_267 = tpu.vector_load %arg10[%swap3A_265, %swap3A_266] {strides = array<i32>} : memref<128x128xf32, #tpu.memory_space<vmem>>, vector<1x16xf32>,
          %swap3A_268 = vector.shape_cast %swap3A_267 : vector<1x16xf32> to vector<16xf32>
          %swap3A_269 = vector.shape_cast %mul3A_264 : vector<16xf32> to vector<1x16xf32>
          tpu.vector_store %arg10[%swap3A_265, %swap3A_266], %swap3A_269 {strides = array<i32>} : memref<128x128xf32, #tpu.memory_space<vmem>>, vector<1x16xf32>,
          %get3A_270 = arith.index_cast %scan3A_173 : i32 to index
          %get3A_271 = arith.constant 112 : index
          %get3A_272 = tpu.vector_load %arg6[%get3A_270, %get3A_271] {strides = array<i32>} : memref<128x128xf32, #tpu.memory_space<vmem>>, vector<1x16xf32>,
          %get3A_273 = vector.shape_cast %get3A_272 : vector<1x16xf32> to vector<16xf32>
          %get3A_274 = arith.index_cast %scan3A_173 : i32 to index
          %get3A_275 = arith.constant 112 : index
          %get3A_276 = tpu.vector_load %arg8[%get3A_274, %get3A_275] {strides = array<i32>} : memref<128x128xf32, #tpu.memory_space<vmem>>, vector<1x16xf32>,
          %get3A_277 = vector.shape_cast %get3A_276 : vector<1x16xf32> to vector<16xf32>
          %mul3A_278 = arith.mulf %get3A_273, %get3A_277 : vector<16xf32>
          %swap3A_279 = arith.index_cast %scan3A_173 : i32 to index
          %swap3A_280 = arith.constant 112 : index
          %swap3A_281 = tpu.vector_load %arg10[%swap3A_279, %swap3A_280] {strides = array<i32>} : memref<128x128xf32, #tpu.memory_space<vmem>>, vector<1x16xf32>,
          %swap3A_282 = vector.shape_cast %swap3A_281 : vector<1x16xf32> to vector<16xf32>
          %swap3A_283 = vector.shape_cast %mul3A_278 : vector<16xf32> to vector<1x16xf32>
          tpu.vector_store %arg10[%swap3A_279, %swap3A_280], %swap3A_283 {strides = array<i32>} : memref<128x128xf32, #tpu.memory_space<vmem>>, vector<1x16xf32>,
        }
        %scan3A_159 = arith.constant 128 : i32
        %add3A_160 = arith.addi %add3A_5, %add3A_126 : i32
        %mul3A_161 = arith.constant 128 : i32
        %mul3A_162 = arith.muli %add3A_160, %mul3A_161 : i32
        %dma_start3A_163 = arith.constant 0 : i32
        %dma_start3A_164 = tpu.memref_slice %arg5[%mul3A_162, %dma_start3A_163] : memref<320000x128xf32, #tpu.memory_space<hbm>> -> memref<128x128xf32, #tpu.memory_space<hbm>>
        %dma_start3A_165 = arith.constant 0 : i32
        %dma_start3A_166 = tpu.memref_slice %arg5[%mul3A_162, %dma_start3A_165] : memref<320000x128xf32, #tpu.memory_space<hbm>> -> memref<128x128xf32, #tpu.memory_space<hbm>>
        tpu.enqueue_dma source(%arg10 : memref<128x128xf32, #tpu.memory_space<vmem>>) target(%dma_start3A_166 : memref<128x128xf32, #tpu.memory_space<hbm>>) target_semaphore(%arg17 : memref<!tpu.dma_semaphore, #tpu.memory_space<semaphore_mem>>)
        %add3A_167 = arith.constant 2 : i32
        %add3A_168 = arith.addi %add3A_126, %add3A_167 : i32
        %lt3A_169 = arith.cmpi slt, %add3A_168, %select_n3A : i32
        %convert_element_type3A_170 = arith.extui %lt3A_169 : i1 to i32
        %cond3A_171 = arith.constant 0 : i32
        %cond3A_172 = arith.cmpi ne, %convert_element_type3A_170, %cond3A_171 : i32
        scf.if %cond3A_172 {
          %add3A_173 = arith.constant 2 : i32
          %add3A_174 = arith.addi %add3A_126, %add3A_173 : i32
          %add3A_175 = arith.addi %add3A_5, %add3A_174 : i32
          %mul3A_176 = arith.constant 128 : i32
          %mul3A_177 = arith.muli %add3A_175, %mul3A_176 : i32
          %dma_start3A_178 = arith.constant 0 : i32
          %dma_start3A_179 = tpu.memref_slice %arg2[%mul3A_177, %dma_start3A_178] : memref<320000x128xf32, #tpu.memory_space<hbm>> -> memref<128x128xf32, #tpu.memory_space<hbm>>
          %dma_start3A_180 = arith.constant 0 : i32
          %dma_start3A_181 = tpu.memref_slice %arg2[%mul3A_177, %dma_start3A_180] : memref<320000x128xf32, #tpu.memory_space<hbm>> -> memref<128x128xf32, #tpu.memory_space<hbm>>
          tpu.enqueue_dma source(%dma_start3A_181 : memref<128x128xf32, #tpu.memory_space<hbm>>) target(%arg6 : memref<128x128xf32, #tpu.memory_space<vmem>>) target_semaphore(%arg13 : memref<!tpu.dma_semaphore, #tpu.memory_space<semaphore_mem>>)
          %add3A_182 = arith.constant 2 : i32
          %add3A_183 = arith.addi %add3A_126, %add3A_182 : i32
          %dma_start3A_184 = arith.constant 0 : i32
          %dma_start3A_185 = tpu.memref_slice %arg12[%add3A_183, %dma_start3A_184] : memref<80x128xi32, #tpu.memory_space<vmem>> -> memref<1x128xi32, #tpu.memory_space<vmem>>
          %dma_start3A_186 = tpu.memref_squeeze %dma_start3A_185 : memref<1x128xi32, #tpu.memory_space<vmem>> -> memref<128xi32, #tpu.memory_space<vmem>>
          %dma_start3A_187 = arith.constant 0 : i32
          %dma_start3A_188 = arith.constant 0 : i32
          %dma_start3A_189 = tpu.memref_slice %arg4[%dma_start3A_187, %dma_start3A_188] : memref<10000x128xf32, #tpu.memory_space<hbm>> -> memref<10000x128xf32, #tpu.memory_space<hbm>>
          tpu.enqueue_indirect_dma source(%dma_start3A_189 : memref<10000x128xf32, #tpu.memory_space<hbm>>) target(%arg8 : memref<128x128xf32, #tpu.memory_space<vmem>>) offsets(%dma_start3A_186 : memref<128xi32, #tpu.memory_space<vmem>>) semaphore(%arg15 : memref<!tpu.dma_semaphore, #tpu.memory_space<semaphore_mem>>)
        } else {
        }
      } else {
      }
      %mul3A_129 = arith.constant 2 : i32
      %mul3A_130 = arith.muli %mul3A_129, %while3A_122 : i32
      %add3A_131 = arith.constant 1 : i32
      %add3A_132 = arith.addi %mul3A_130, %add3A_131 : i32
      %lt3A_133 = arith.cmpi slt, %add3A_132, %select_n3A : i32
      %convert_element_type3A_134 = arith.extui %lt3A_133 : i1 to i32
      %cond3A_135 = arith.constant 0 : i32
      %cond3A_136 = arith.cmpi ne, %convert_element_type3A_134, %cond3A_135 : i32
      scf.if %cond3A_136 {
        %ge3A_137 = arith.constant 2 : i32
        %ge3A_138 = arith.cmpi sge, %add3A_132, %ge3A_137 : i32
        %convert_element_type3A_139 = arith.extui %ge3A_138 : i1 to i32
        %cond3A_140 = arith.constant 0 : i32
        %cond3A_141 = arith.cmpi ne, %convert_element_type3A_139, %cond3A_140 : i32
        scf.if %cond3A_141 {
          %sub3A_173 = arith.constant 2 : i32
          %sub3A_174 = arith.subi %add3A_132, %sub3A_173 : i32
          %add3A_175 = arith.addi %add3A_5, %sub3A_174 : i32
          %mul3A_176 = arith.constant 128 : i32
          %mul3A_177 = arith.muli %add3A_175, %mul3A_176 : i32
          %dma_wait3A_178 = arith.constant 0 : i32
          %dma_wait3A_179 = tpu.memref_slice %arg5[%mul3A_177, %dma_wait3A_178] : memref<320000x128xf32, #tpu.memory_space<hbm>> -> memref<128x128xf32, #tpu.memory_space<hbm>>
          %dma_wait3A_180 = arith.constant 0 : i32
          %dma_wait3A_181 = tpu.memref_slice %arg5[%mul3A_177, %dma_wait3A_180] : memref<320000x128xf32, #tpu.memory_space<hbm>> -> memref<128x128xf32, #tpu.memory_space<hbm>>
          tpu.wait_dma2 semaphore(%arg18 : memref<!tpu.dma_semaphore, #tpu.memory_space<semaphore_mem>>) src(%arg11 : memref<128x128xf32, #tpu.memory_space<vmem>>) dst(%dma_wait3A_181 : memref<128x128xf32, #tpu.memory_space<hbm>>)
        } else {
        }
        %add3A_142 = arith.addi %add3A_5, %add3A_132 : i32
        %mul3A_143 = arith.constant 128 : i32
        %mul3A_144 = arith.muli %add3A_142, %mul3A_143 : i32
        %dma_wait3A_145 = arith.constant 0 : i32
        %dma_wait3A_146 = tpu.memref_slice %arg2[%mul3A_144, %dma_wait3A_145] : memref<320000x128xf32, #tpu.memory_space<hbm>> -> memref<128x128xf32, #tpu.memory_space<hbm>>
        %dma_wait3A_147 = arith.constant 0 : i32
        %dma_wait3A_148 = tpu.memref_slice %arg2[%mul3A_144, %dma_wait3A_147] : memref<320000x128xf32, #tpu.memory_space<hbm>> -> memref<128x128xf32, #tpu.memory_space<hbm>>
        tpu.wait_dma2 semaphore(%arg14 : memref<!tpu.dma_semaphore, #tpu.memory_space<semaphore_mem>>) src(%dma_wait3A_148 : memref<128x128xf32, #tpu.memory_space<hbm>>) dst(%arg7 : memref<128x128xf32, #tpu.memory_space<vmem>>)
        %dma_wait3A_149 = arith.constant 0 : i32
        %dma_wait3A_150 = tpu.memref_slice %arg12[%add3A_132, %dma_wait3A_149] : memref<80x128xi32, #tpu.memory_space<vmem>> -> memref<1x128xi32, #tpu.memory_space<vmem>>
        %dma_wait3A_151 = tpu.memref_squeeze %dma_wait3A_150 : memref<1x128xi32, #tpu.memory_space<vmem>> -> memref<128xi32, #tpu.memory_space<vmem>>
        %dma_wait3A_152 = arith.constant 0 : i32
        %dma_wait3A_153 = arith.constant 0 : i32
        %dma_wait3A_154 = tpu.memref_slice %arg4[%dma_wait3A_152, %dma_wait3A_153] : memref<10000x128xf32, #tpu.memory_space<hbm>> -> memref<10000x128xf32, #tpu.memory_space<hbm>>
        tpu.wait_indirect_dma semaphore(%arg16 : memref<!tpu.dma_semaphore, #tpu.memory_space<semaphore_mem>>) src(%dma_wait3A_154 : memref<10000x128xf32, #tpu.memory_space<hbm>>) dst(%arg9 : memref<128x128xf32, #tpu.memory_space<vmem>>)
        %scan3A = arith.constant 0 : i32
        %scan3A_155 = arith.constant 0 : i32
        %scan3A_156 = arith.constant 128 : i32
        %scan3A_157 = arith.addi %scan3A_155, %scan3A_156 : i32
        %scan3A_158 = arith.constant 1 : i32
        scf.for %scan3A_173 = %scan3A_155 to %scan3A_157 step %scan3A_158  : i32 {
          %get3A = arith.index_cast %scan3A_173 : i32 to index
          %get3A_174 = arith.constant 0 : index
          %get3A_175 = tpu.vector_load %arg7[%get3A, %get3A_174] {strides = array<i32>} : memref<128x128xf32, #tpu.memory_space<vmem>>, vector<1x16xf32>,
          %get3A_176 = vector.shape_cast %get3A_175 : vector<1x16xf32> to vector<16xf32>
          %get3A_177 = arith.index_cast %scan3A_173 : i32 to index
          %get3A_178 = arith.constant 0 : index
          %get3A_179 = tpu.vector_load %arg9[%get3A_177, %get3A_178] {strides = array<i32>} : memref<128x128xf32, #tpu.memory_space<vmem>>, vector<1x16xf32>,
          %get3A_180 = vector.shape_cast %get3A_179 : vector<1x16xf32> to vector<16xf32>
          %mul3A_181 = arith.mulf %get3A_176, %get3A_180 : vector<16xf32>
          %swap3A = arith.index_cast %scan3A_173 : i32 to index
          %swap3A_182 = arith.constant 0 : index
          %swap3A_183 = tpu.vector_load %arg11[%swap3A, %swap3A_182] {strides = array<i32>} : memref<128x128xf32, #tpu.memory_space<vmem>>, vector<1x16xf32>,
          %swap3A_184 = vector.shape_cast %swap3A_183 : vector<1x16xf32> to vector<16xf32>
          %swap3A_185 = vector.shape_cast %mul3A_181 : vector<16xf32> to vector<1x16xf32>
          tpu.vector_store %arg11[%swap3A, %swap3A_182], %swap3A_185 {strides = array<i32>} : memref<128x128xf32, #tpu.memory_space<vmem>>, vector<1x16xf32>,
          %get3A_186 = arith.index_cast %scan3A_173 : i32 to index
          %get3A_187 = arith.constant 16 : index
          %get3A_188 = tpu.vector_load %arg7[%get3A_186, %get3A_187] {strides = array<i32>} : memref<128x128xf32, #tpu.memory_space<vmem>>, vector<1x16xf32>,
          %get3A_189 = vector.shape_cast %get3A_188 : vector<1x16xf32> to vector<16xf32>
          %get3A_190 = arith.index_cast %scan3A_173 : i32 to index
          %get3A_191 = arith.constant 16 : index
          %get3A_192 = tpu.vector_load %arg9[%get3A_190, %get3A_191] {strides = array<i32>} : memref<128x128xf32, #tpu.memory_space<vmem>>, vector<1x16xf32>,
          %get3A_193 = vector.shape_cast %get3A_192 : vector<1x16xf32> to vector<16xf32>
          %mul3A_194 = arith.mulf %get3A_189, %get3A_193 : vector<16xf32>
          %swap3A_195 = arith.index_cast %scan3A_173 : i32 to index
          %swap3A_196 = arith.constant 16 : index
          %swap3A_197 = tpu.vector_load %arg11[%swap3A_195, %swap3A_196] {strides = array<i32>} : memref<128x128xf32, #tpu.memory_space<vmem>>, vector<1x16xf32>,
          %swap3A_198 = vector.shape_cast %swap3A_197 : vector<1x16xf32> to vector<16xf32>
          %swap3A_199 = vector.shape_cast %mul3A_194 : vector<16xf32> to vector<1x16xf32>
          tpu.vector_store %arg11[%swap3A_195, %swap3A_196], %swap3A_199 {strides = array<i32>} : memref<128x128xf32, #tpu.memory_space<vmem>>, vector<1x16xf32>,
          %get3A_200 = arith.index_cast %scan3A_173 : i32 to index
          %get3A_201 = arith.constant 32 : index
          %get3A_202 = tpu.vector_load %arg7[%get3A_200, %get3A_201] {strides = array<i32>} : memref<128x128xf32, #tpu.memory_space<vmem>>, vector<1x16xf32>,
          %get3A_203 = vector.shape_cast %get3A_202 : vector<1x16xf32> to vector<16xf32>
          %get3A_204 = arith.index_cast %scan3A_173 : i32 to index
          %get3A_205 = arith.constant 32 : index
          %get3A_206 = tpu.vector_load %arg9[%get3A_204, %get3A_205] {strides = array<i32>} : memref<128x128xf32, #tpu.memory_space<vmem>>, vector<1x16xf32>,
          %get3A_207 = vector.shape_cast %get3A_206 : vector<1x16xf32> to vector<16xf32>
          %mul3A_208 = arith.mulf %get3A_203, %get3A_207 : vector<16xf32>
          %swap3A_209 = arith.index_cast %scan3A_173 : i32 to index
          %swap3A_210 = arith.constant 32 : index
          %swap3A_211 = tpu.vector_load %arg11[%swap3A_209, %swap3A_210] {strides = array<i32>} : memref<128x128xf32, #tpu.memory_space<vmem>>, vector<1x16xf32>,
          %swap3A_212 = vector.shape_cast %swap3A_211 : vector<1x16xf32> to vector<16xf32>
          %swap3A_213 = vector.shape_cast %mul3A_208 : vector<16xf32> to vector<1x16xf32>
          tpu.vector_store %arg11[%swap3A_209, %swap3A_210], %swap3A_213 {strides = array<i32>} : memref<128x128xf32, #tpu.memory_space<vmem>>, vector<1x16xf32>,
          %get3A_214 = arith.index_cast %scan3A_173 : i32 to index
          %get3A_215 = arith.constant 48 : index
          %get3A_216 = tpu.vector_load %arg7[%get3A_214, %get3A_215] {strides = array<i32>} : memref<128x128xf32, #tpu.memory_space<vmem>>, vector<1x16xf32>,
          %get3A_217 = vector.shape_cast %get3A_216 : vector<1x16xf32> to vector<16xf32>
          %get3A_218 = arith.index_cast %scan3A_173 : i32 to index
          %get3A_219 = arith.constant 48 : index
          %get3A_220 = tpu.vector_load %arg9[%get3A_218, %get3A_219] {strides = array<i32>} : memref<128x128xf32, #tpu.memory_space<vmem>>, vector<1x16xf32>,
          %get3A_221 = vector.shape_cast %get3A_220 : vector<1x16xf32> to vector<16xf32>
          %mul3A_222 = arith.mulf %get3A_217, %get3A_221 : vector<16xf32>
          %swap3A_223 = arith.index_cast %scan3A_173 : i32 to index
          %swap3A_224 = arith.constant 48 : index
          %swap3A_225 = tpu.vector_load %arg11[%swap3A_223, %swap3A_224] {strides = array<i32>} : memref<128x128xf32, #tpu.memory_space<vmem>>, vector<1x16xf32>,
          %swap3A_226 = vector.shape_cast %swap3A_225 : vector<1x16xf32> to vector<16xf32>
          %swap3A_227 = vector.shape_cast %mul3A_222 : vector<16xf32> to vector<1x16xf32>
          tpu.vector_store %arg11[%swap3A_223, %swap3A_224], %swap3A_227 {strides = array<i32>} : memref<128x128xf32, #tpu.memory_space<vmem>>, vector<1x16xf32>,
          %get3A_228 = arith.index_cast %scan3A_173 : i32 to index
          %get3A_229 = arith.constant 64 : index
          %get3A_230 = tpu.vector_load %arg7[%get3A_228, %get3A_229] {strides = array<i32>} : memref<128x128xf32, #tpu.memory_space<vmem>>, vector<1x16xf32>,
          %get3A_231 = vector.shape_cast %get3A_230 : vector<1x16xf32> to vector<16xf32>
          %get3A_232 = arith.index_cast %scan3A_173 : i32 to index
          %get3A_233 = arith.constant 64 : index
          %get3A_234 = tpu.vector_load %arg9[%get3A_232, %get3A_233] {strides = array<i32>} : memref<128x128xf32, #tpu.memory_space<vmem>>, vector<1x16xf32>,
          %get3A_235 = vector.shape_cast %get3A_234 : vector<1x16xf32> to vector<16xf32>
          %mul3A_236 = arith.mulf %get3A_231, %get3A_235 : vector<16xf32>
          %swap3A_237 = arith.index_cast %scan3A_173 : i32 to index
          %swap3A_238 = arith.constant 64 : index
          %swap3A_239 = tpu.vector_load %arg11[%swap3A_237, %swap3A_238] {strides = array<i32>} : memref<128x128xf32, #tpu.memory_space<vmem>>, vector<1x16xf32>,
          %swap3A_240 = vector.shape_cast %swap3A_239 : vector<1x16xf32> to vector<16xf32>
          %swap3A_241 = vector.shape_cast %mul3A_236 : vector<16xf32> to vector<1x16xf32>
          tpu.vector_store %arg11[%swap3A_237, %swap3A_238], %swap3A_241 {strides = array<i32>} : memref<128x128xf32, #tpu.memory_space<vmem>>, vector<1x16xf32>,
          %get3A_242 = arith.index_cast %scan3A_173 : i32 to index
          %get3A_243 = arith.constant 80 : index
          %get3A_244 = tpu.vector_load %arg7[%get3A_242, %get3A_243] {strides = array<i32>} : memref<128x128xf32, #tpu.memory_space<vmem>>, vector<1x16xf32>,
          %get3A_245 = vector.shape_cast %get3A_244 : vector<1x16xf32> to vector<16xf32>
          %get3A_246 = arith.index_cast %scan3A_173 : i32 to index
          %get3A_247 = arith.constant 80 : index
          %get3A_248 = tpu.vector_load %arg9[%get3A_246, %get3A_247] {strides = array<i32>} : memref<128x128xf32, #tpu.memory_space<vmem>>, vector<1x16xf32>,
          %get3A_249 = vector.shape_cast %get3A_248 : vector<1x16xf32> to vector<16xf32>
          %mul3A_250 = arith.mulf %get3A_245, %get3A_249 : vector<16xf32>
          %swap3A_251 = arith.index_cast %scan3A_173 : i32 to index
          %swap3A_252 = arith.constant 80 : index
          %swap3A_253 = tpu.vector_load %arg11[%swap3A_251, %swap3A_252] {strides = array<i32>} : memref<128x128xf32, #tpu.memory_space<vmem>>, vector<1x16xf32>,
          %swap3A_254 = vector.shape_cast %swap3A_253 : vector<1x16xf32> to vector<16xf32>
          %swap3A_255 = vector.shape_cast %mul3A_250 : vector<16xf32> to vector<1x16xf32>
          tpu.vector_store %arg11[%swap3A_251, %swap3A_252], %swap3A_255 {strides = array<i32>} : memref<128x128xf32, #tpu.memory_space<vmem>>, vector<1x16xf32>,
          %get3A_256 = arith.index_cast %scan3A_173 : i32 to index
          %get3A_257 = arith.constant 96 : index
          %get3A_258 = tpu.vector_load %arg7[%get3A_256, %get3A_257] {strides = array<i32>} : memref<128x128xf32, #tpu.memory_space<vmem>>, vector<1x16xf32>,
          %get3A_259 = vector.shape_cast %get3A_258 : vector<1x16xf32> to vector<16xf32>
          %get3A_260 = arith.index_cast %scan3A_173 : i32 to index
          %get3A_261 = arith.constant 96 : index
          %get3A_262 = tpu.vector_load %arg9[%get3A_260, %get3A_261] {strides = array<i32>} : memref<128x128xf32, #tpu.memory_space<vmem>>, vector<1x16xf32>,
          %get3A_263 = vector.shape_cast %get3A_262 : vector<1x16xf32> to vector<16xf32>
          %mul3A_264 = arith.mulf %get3A_259, %get3A_263 : vector<16xf32>
          %swap3A_265 = arith.index_cast %scan3A_173 : i32 to index
          %swap3A_266 = arith.constant 96 : index
          %swap3A_267 = tpu.vector_load %arg11[%swap3A_265, %swap3A_266] {strides = array<i32>} : memref<128x128xf32, #tpu.memory_space<vmem>>, vector<1x16xf32>,
          %swap3A_268 = vector.shape_cast %swap3A_267 : vector<1x16xf32> to vector<16xf32>
          %swap3A_269 = vector.shape_cast %mul3A_264 : vector<16xf32> to vector<1x16xf32>
          tpu.vector_store %arg11[%swap3A_265, %swap3A_266], %swap3A_269 {strides = array<i32>} : memref<128x128xf32, #tpu.memory_space<vmem>>, vector<1x16xf32>,
          %get3A_270 = arith.index_cast %scan3A_173 : i32 to index
          %get3A_271 = arith.constant 112 : index
          %get3A_272 = tpu.vector_load %arg7[%get3A_270, %get3A_271] {strides = array<i32>} : memref<128x128xf32, #tpu.memory_space<vmem>>, vector<1x16xf32>,
          %get3A_273 = vector.shape_cast %get3A_272 : vector<1x16xf32> to vector<16xf32>
          %get3A_274 = arith.index_cast %scan3A_173 : i32 to index
          %get3A_275 = arith.constant 112 : index
          %get3A_276 = tpu.vector_load %arg9[%get3A_274, %get3A_275] {strides = array<i32>} : memref<128x128xf32, #tpu.memory_space<vmem>>, vector<1x16xf32>,
          %get3A_277 = vector.shape_cast %get3A_276 : vector<1x16xf32> to vector<16xf32>
          %mul3A_278 = arith.mulf %get3A_273, %get3A_277 : vector<16xf32>
          %swap3A_279 = arith.index_cast %scan3A_173 : i32 to index
          %swap3A_280 = arith.constant 112 : index
          %swap3A_281 = tpu.vector_load %arg11[%swap3A_279, %swap3A_280] {strides = array<i32>} : memref<128x128xf32, #tpu.memory_space<vmem>>, vector<1x16xf32>,
          %swap3A_282 = vector.shape_cast %swap3A_281 : vector<1x16xf32> to vector<16xf32>
          %swap3A_283 = vector.shape_cast %mul3A_278 : vector<16xf32> to vector<1x16xf32>
          tpu.vector_store %arg11[%swap3A_279, %swap3A_280], %swap3A_283 {strides = array<i32>} : memref<128x128xf32, #tpu.memory_space<vmem>>, vector<1x16xf32>,
        }
        %scan3A_159 = arith.constant 128 : i32
        %add3A_160 = arith.addi %add3A_5, %add3A_132 : i32
        %mul3A_161 = arith.constant 128 : i32
        %mul3A_162 = arith.muli %add3A_160, %mul3A_161 : i32
        %dma_start3A_163 = arith.constant 0 : i32
        %dma_start3A_164 = tpu.memref_slice %arg5[%mul3A_162, %dma_start3A_163] : memref<320000x128xf32, #tpu.memory_space<hbm>> -> memref<128x128xf32, #tpu.memory_space<hbm>>
        %dma_start3A_165 = arith.constant 0 : i32
        %dma_start3A_166 = tpu.memref_slice %arg5[%mul3A_162, %dma_start3A_165] : memref<320000x128xf32, #tpu.memory_space<hbm>> -> memref<128x128xf32, #tpu.memory_space<hbm>>
        tpu.enqueue_dma source(%arg11 : memref<128x128xf32, #tpu.memory_space<vmem>>) target(%dma_start3A_166 : memref<128x128xf32, #tpu.memory_space<hbm>>) target_semaphore(%arg18 : memref<!tpu.dma_semaphore, #tpu.memory_space<semaphore_mem>>)
        %add3A_167 = arith.constant 2 : i32
        %add3A_168 = arith.addi %add3A_132, %add3A_167 : i32
        %lt3A_169 = arith.cmpi slt, %add3A_168, %select_n3A : i32
        %convert_element_type3A_170 = arith.extui %lt3A_169 : i1 to i32
        %cond3A_171 = arith.constant 0 : i32
        %cond3A_172 = arith.cmpi ne, %convert_element_type3A_170, %cond3A_171 : i32
        scf.if %cond3A_172 {
          %add3A_173 = arith.constant 2 : i32
          %add3A_174 = arith.addi %add3A_132, %add3A_173 : i32
          %add3A_175 = arith.addi %add3A_5, %add3A_174 : i32
          %mul3A_176 = arith.constant 128 : i32
          %mul3A_177 = arith.muli %add3A_175, %mul3A_176 : i32
          %dma_start3A_178 = arith.constant 0 : i32
          %dma_start3A_179 = tpu.memref_slice %arg2[%mul3A_177, %dma_start3A_178] : memref<320000x128xf32, #tpu.memory_space<hbm>> -> memref<128x128xf32, #tpu.memory_space<hbm>>
          %dma_start3A_180 = arith.constant 0 : i32
          %dma_start3A_181 = tpu.memref_slice %arg2[%mul3A_177, %dma_start3A_180] : memref<320000x128xf32, #tpu.memory_space<hbm>> -> memref<128x128xf32, #tpu.memory_space<hbm>>
          tpu.enqueue_dma source(%dma_start3A_181 : memref<128x128xf32, #tpu.memory_space<hbm>>) target(%arg7 : memref<128x128xf32, #tpu.memory_space<vmem>>) target_semaphore(%arg14 : memref<!tpu.dma_semaphore, #tpu.memory_space<semaphore_mem>>)
          %add3A_182 = arith.constant 2 : i32
          %add3A_183 = arith.addi %add3A_132, %add3A_182 : i32
          %dma_start3A_184 = arith.constant 0 : i32
          %dma_start3A_185 = tpu.memref_slice %arg12[%add3A_183, %dma_start3A_184] : memref<80x128xi32, #tpu.memory_space<vmem>> -> memref<1x128xi32, #tpu.memory_space<vmem>>
          %dma_start3A_186 = tpu.memref_squeeze %dma_start3A_185 : memref<1x128xi32, #tpu.memory_space<vmem>> -> memref<128xi32, #tpu.memory_space<vmem>>
          %dma_start3A_187 = arith.constant 0 : i32
          %dma_start3A_188 = arith.constant 0 : i32
          %dma_start3A_189 = tpu.memref_slice %arg4[%dma_start3A_187, %dma_start3A_188] : memref<10000x128xf32, #tpu.memory_space<hbm>> -> memref<10000x128xf32, #tpu.memory_space<hbm>>
          tpu.enqueue_indirect_dma source(%dma_start3A_189 : memref<10000x128xf32, #tpu.memory_space<hbm>>) target(%arg9 : memref<128x128xf32, #tpu.memory_space<vmem>>) offsets(%dma_start3A_186 : memref<128xi32, #tpu.memory_space<vmem>>) semaphore(%arg16 : memref<!tpu.dma_semaphore, #tpu.memory_space<semaphore_mem>>)
        } else {
        }
      } else {
      }
    }
    %while3A_66 = arith.constant 1 : i32
    scf.for %while3A_122 = %while3A_64 to %while3A_60 step %while3A_66  : i32 {
      %mul3A_123 = arith.constant 2 : i32
      %mul3A_124 = arith.muli %mul3A_123, %while3A_122 : i32
      %add3A_125 = arith.constant 0 : i32
      %add3A_126 = arith.addi %mul3A_124, %add3A_125 : i32
      %lt3A_127 = arith.cmpi slt, %add3A_126, %select_n3A : i32
      %convert_element_type3A = arith.extui %lt3A_127 : i1 to i32
      %cond3A = arith.constant 0 : i32
      %cond3A_128 = arith.cmpi ne, %convert_element_type3A, %cond3A : i32
      scf.if %cond3A_128 {
        %ge3A_137 = arith.constant 2 : i32
        %ge3A_138 = arith.cmpi sge, %add3A_126, %ge3A_137 : i32
        %convert_element_type3A_139 = arith.extui %ge3A_138 : i1 to i32
        %cond3A_140 = arith.constant 0 : i32
        %cond3A_141 = arith.cmpi ne, %convert_element_type3A_139, %cond3A_140 : i32
        scf.if %cond3A_141 {
          %sub3A_173 = arith.constant 2 : i32
          %sub3A_174 = arith.subi %add3A_126, %sub3A_173 : i32
          %add3A_175 = arith.addi %add3A_5, %sub3A_174 : i32
          %mul3A_176 = arith.constant 128 : i32
          %mul3A_177 = arith.muli %add3A_175, %mul3A_176 : i32
          %dma_wait3A_178 = arith.constant 0 : i32
          %dma_wait3A_179 = tpu.memref_slice %arg5[%mul3A_177, %dma_wait3A_178] : memref<320000x128xf32, #tpu.memory_space<hbm>> -> memref<128x128xf32, #tpu.memory_space<hbm>>
          %dma_wait3A_180 = arith.constant 0 : i32
          %dma_wait3A_181 = tpu.memref_slice %arg5[%mul3A_177, %dma_wait3A_180] : memref<320000x128xf32, #tpu.memory_space<hbm>> -> memref<128x128xf32, #tpu.memory_space<hbm>>
          tpu.wait_dma2 semaphore(%arg17 : memref<!tpu.dma_semaphore, #tpu.memory_space<semaphore_mem>>) src(%arg10 : memref<128x128xf32, #tpu.memory_space<vmem>>) dst(%dma_wait3A_181 : memref<128x128xf32, #tpu.memory_space<hbm>>)
        } else {
        }
        %add3A_142 = arith.addi %add3A_5, %add3A_126 : i32
        %mul3A_143 = arith.constant 128 : i32
        %mul3A_144 = arith.muli %add3A_142, %mul3A_143 : i32
        %dma_wait3A_145 = arith.constant 0 : i32
        %dma_wait3A_146 = tpu.memref_slice %arg2[%mul3A_144, %dma_wait3A_145] : memref<320000x128xf32, #tpu.memory_space<hbm>> -> memref<128x128xf32, #tpu.memory_space<hbm>>
        %dma_wait3A_147 = arith.constant 0 : i32
        %dma_wait3A_148 = tpu.memref_slice %arg2[%mul3A_144, %dma_wait3A_147] : memref<320000x128xf32, #tpu.memory_space<hbm>> -> memref<128x128xf32, #tpu.memory_space<hbm>>
        tpu.wait_dma2 semaphore(%arg13 : memref<!tpu.dma_semaphore, #tpu.memory_space<semaphore_mem>>) src(%dma_wait3A_148 : memref<128x128xf32, #tpu.memory_space<hbm>>) dst(%arg6 : memref<128x128xf32, #tpu.memory_space<vmem>>)
        %dma_wait3A_149 = arith.constant 0 : i32
        %dma_wait3A_150 = tpu.memref_slice %arg12[%add3A_126, %dma_wait3A_149] : memref<80x128xi32, #tpu.memory_space<vmem>> -> memref<1x128xi32, #tpu.memory_space<vmem>>
        %dma_wait3A_151 = tpu.memref_squeeze %dma_wait3A_150 : memref<1x128xi32, #tpu.memory_space<vmem>> -> memref<128xi32, #tpu.memory_space<vmem>>
        %dma_wait3A_152 = arith.constant 0 : i32
        %dma_wait3A_153 = arith.constant 0 : i32
        %dma_wait3A_154 = tpu.memref_slice %arg4[%dma_wait3A_152, %dma_wait3A_153] : memref<10000x128xf32, #tpu.memory_space<hbm>> -> memref<10000x128xf32, #tpu.memory_space<hbm>>
        tpu.wait_indirect_dma semaphore(%arg15 : memref<!tpu.dma_semaphore, #tpu.memory_space<semaphore_mem>>) src(%dma_wait3A_154 : memref<10000x128xf32, #tpu.memory_space<hbm>>) dst(%arg8 : memref<128x128xf32, #tpu.memory_space<vmem>>)
        %scan3A = arith.constant 0 : i32
        %scan3A_155 = arith.constant 0 : i32
        %scan3A_156 = arith.constant 128 : i32
        %scan3A_157 = arith.addi %scan3A_155, %scan3A_156 : i32
        %scan3A_158 = arith.constant 1 : i32
        scf.for %scan3A_173 = %scan3A_155 to %scan3A_157 step %scan3A_158  : i32 {
          %get3A = arith.index_cast %scan3A_173 : i32 to index
          %get3A_174 = arith.constant 0 : index
          %get3A_175 = tpu.vector_load %arg6[%get3A, %get3A_174] {strides = array<i32>} : memref<128x128xf32, #tpu.memory_space<vmem>>, vector<1x16xf32>,
          %get3A_176 = vector.shape_cast %get3A_175 : vector<1x16xf32> to vector<16xf32>
          %get3A_177 = arith.index_cast %scan3A_173 : i32 to index
          %get3A_178 = arith.constant 0 : index
          %get3A_179 = tpu.vector_load %arg8[%get3A_177, %get3A_178] {strides = array<i32>} : memref<128x128xf32, #tpu.memory_space<vmem>>, vector<1x16xf32>,
          %get3A_180 = vector.shape_cast %get3A_179 : vector<1x16xf32> to vector<16xf32>
          %mul3A_181 = arith.mulf %get3A_176, %get3A_180 : vector<16xf32>
          %swap3A = arith.index_cast %scan3A_173 : i32 to index
          %swap3A_182 = arith.constant 0 : index
          %swap3A_183 = tpu.vector_load %arg10[%swap3A, %swap3A_182] {strides = array<i32>} : memref<128x128xf32, #tpu.memory_space<vmem>>, vector<1x16xf32>,
          %swap3A_184 = vector.shape_cast %swap3A_183 : vector<1x16xf32> to vector<16xf32>
          %swap3A_185 = vector.shape_cast %mul3A_181 : vector<16xf32> to vector<1x16xf32>
          tpu.vector_store %arg10[%swap3A, %swap3A_182], %swap3A_185 {strides = array<i32>} : memref<128x128xf32, #tpu.memory_space<vmem>>, vector<1x16xf32>,
          %get3A_186 = arith.index_cast %scan3A_173 : i32 to index
          %get3A_187 = arith.constant 16 : index
          %get3A_188 = tpu.vector_load %arg6[%get3A_186, %get3A_187] {strides = array<i32>} : memref<128x128xf32, #tpu.memory_space<vmem>>, vector<1x16xf32>,
          %get3A_189 = vector.shape_cast %get3A_188 : vector<1x16xf32> to vector<16xf32>
          %get3A_190 = arith.index_cast %scan3A_173 : i32 to index
          %get3A_191 = arith.constant 16 : index
          %get3A_192 = tpu.vector_load %arg8[%get3A_190, %get3A_191] {strides = array<i32>} : memref<128x128xf32, #tpu.memory_space<vmem>>, vector<1x16xf32>,
          %get3A_193 = vector.shape_cast %get3A_192 : vector<1x16xf32> to vector<16xf32>
          %mul3A_194 = arith.mulf %get3A_189, %get3A_193 : vector<16xf32>
          %swap3A_195 = arith.index_cast %scan3A_173 : i32 to index
          %swap3A_196 = arith.constant 16 : index
          %swap3A_197 = tpu.vector_load %arg10[%swap3A_195, %swap3A_196] {strides = array<i32>} : memref<128x128xf32, #tpu.memory_space<vmem>>, vector<1x16xf32>,
          %swap3A_198 = vector.shape_cast %swap3A_197 : vector<1x16xf32> to vector<16xf32>
          %swap3A_199 = vector.shape_cast %mul3A_194 : vector<16xf32> to vector<1x16xf32>
          tpu.vector_store %arg10[%swap3A_195, %swap3A_196], %swap3A_199 {strides = array<i32>} : memref<128x128xf32, #tpu.memory_space<vmem>>, vector<1x16xf32>,
          %get3A_200 = arith.index_cast %scan3A_173 : i32 to index
          %get3A_201 = arith.constant 32 : index
          %get3A_202 = tpu.vector_load %arg6[%get3A_200, %get3A_201] {strides = array<i32>} : memref<128x128xf32, #tpu.memory_space<vmem>>, vector<1x16xf32>,
          %get3A_203 = vector.shape_cast %get3A_202 : vector<1x16xf32> to vector<16xf32>
          %get3A_204 = arith.index_cast %scan3A_173 : i32 to index
          %get3A_205 = arith.constant 32 : index
          %get3A_206 = tpu.vector_load %arg8[%get3A_204, %get3A_205] {strides = array<i32>} : memref<128x128xf32, #tpu.memory_space<vmem>>, vector<1x16xf32>,
          %get3A_207 = vector.shape_cast %get3A_206 : vector<1x16xf32> to vector<16xf32>
          %mul3A_208 = arith.mulf %get3A_203, %get3A_207 : vector<16xf32>
          %swap3A_209 = arith.index_cast %scan3A_173 : i32 to index
          %swap3A_210 = arith.constant 32 : index
          %swap3A_211 = tpu.vector_load %arg10[%swap3A_209, %swap3A_210] {strides = array<i32>} : memref<128x128xf32, #tpu.memory_space<vmem>>, vector<1x16xf32>,
          %swap3A_212 = vector.shape_cast %swap3A_211 : vector<1x16xf32> to vector<16xf32>
          %swap3A_213 = vector.shape_cast %mul3A_208 : vector<16xf32> to vector<1x16xf32>
          tpu.vector_store %arg10[%swap3A_209, %swap3A_210], %swap3A_213 {strides = array<i32>} : memref<128x128xf32, #tpu.memory_space<vmem>>, vector<1x16xf32>,
          %get3A_214 = arith.index_cast %scan3A_173 : i32 to index
          %get3A_215 = arith.constant 48 : index
          %get3A_216 = tpu.vector_load %arg6[%get3A_214, %get3A_215] {strides = array<i32>} : memref<128x128xf32, #tpu.memory_space<vmem>>, vector<1x16xf32>,
          %get3A_217 = vector.shape_cast %get3A_216 : vector<1x16xf32> to vector<16xf32>
          %get3A_218 = arith.index_cast %scan3A_173 : i32 to index
          %get3A_219 = arith.constant 48 : index
          %get3A_220 = tpu.vector_load %arg8[%get3A_218, %get3A_219] {strides = array<i32>} : memref<128x128xf32, #tpu.memory_space<vmem>>, vector<1x16xf32>,
          %get3A_221 = vector.shape_cast %get3A_220 : vector<1x16xf32> to vector<16xf32>
          %mul3A_222 = arith.mulf %get3A_217, %get3A_221 : vector<16xf32>
          %swap3A_223 = arith.index_cast %scan3A_173 : i32 to index
          %swap3A_224 = arith.constant 48 : index
          %swap3A_225 = tpu.vector_load %arg10[%swap3A_223, %swap3A_224] {strides = array<i32>} : memref<128x128xf32, #tpu.memory_space<vmem>>, vector<1x16xf32>,
          %swap3A_226 = vector.shape_cast %swap3A_225 : vector<1x16xf32> to vector<16xf32>
          %swap3A_227 = vector.shape_cast %mul3A_222 : vector<16xf32> to vector<1x16xf32>
          tpu.vector_store %arg10[%swap3A_223, %swap3A_224], %swap3A_227 {strides = array<i32>} : memref<128x128xf32, #tpu.memory_space<vmem>>, vector<1x16xf32>,
          %get3A_228 = arith.index_cast %scan3A_173 : i32 to index
          %get3A_229 = arith.constant 64 : index
          %get3A_230 = tpu.vector_load %arg6[%get3A_228, %get3A_229] {strides = array<i32>} : memref<128x128xf32, #tpu.memory_space<vmem>>, vector<1x16xf32>,
          %get3A_231 = vector.shape_cast %get3A_230 : vector<1x16xf32> to vector<16xf32>
          %get3A_232 = arith.index_cast %scan3A_173 : i32 to index
          %get3A_233 = arith.constant 64 : index
          %get3A_234 = tpu.vector_load %arg8[%get3A_232, %get3A_233] {strides = array<i32>} : memref<128x128xf32, #tpu.memory_space<vmem>>, vector<1x16xf32>,
          %get3A_235 = vector.shape_cast %get3A_234 : vector<1x16xf32> to vector<16xf32>
          %mul3A_236 = arith.mulf %get3A_231, %get3A_235 : vector<16xf32>
          %swap3A_237 = arith.index_cast %scan3A_173 : i32 to index
          %swap3A_238 = arith.constant 64 : index
          %swap3A_239 = tpu.vector_load %arg10[%swap3A_237, %swap3A_238] {strides = array<i32>} : memref<128x128xf32, #tpu.memory_space<vmem>>, vector<1x16xf32>,
          %swap3A_240 = vector.shape_cast %swap3A_239 : vector<1x16xf32> to vector<16xf32>
          %swap3A_241 = vector.shape_cast %mul3A_236 : vector<16xf32> to vector<1x16xf32>
          tpu.vector_store %arg10[%swap3A_237, %swap3A_238], %swap3A_241 {strides = array<i32>} : memref<128x128xf32, #tpu.memory_space<vmem>>, vector<1x16xf32>,
          %get3A_242 = arith.index_cast %scan3A_173 : i32 to index
          %get3A_243 = arith.constant 80 : index
          %get3A_244 = tpu.vector_load %arg6[%get3A_242, %get3A_243] {strides = array<i32>} : memref<128x128xf32, #tpu.memory_space<vmem>>, vector<1x16xf32>,
          %get3A_245 = vector.shape_cast %get3A_244 : vector<1x16xf32> to vector<16xf32>
          %get3A_246 = arith.index_cast %scan3A_173 : i32 to index
          %get3A_247 = arith.constant 80 : index
          %get3A_248 = tpu.vector_load %arg8[%get3A_246, %get3A_247] {strides = array<i32>} : memref<128x128xf32, #tpu.memory_space<vmem>>, vector<1x16xf32>,
          %get3A_249 = vector.shape_cast %get3A_248 : vector<1x16xf32> to vector<16xf32>
          %mul3A_250 = arith.mulf %get3A_245, %get3A_249 : vector<16xf32>
          %swap3A_251 = arith.index_cast %scan3A_173 : i32 to index
          %swap3A_252 = arith.constant 80 : index
          %swap3A_253 = tpu.vector_load %arg10[%swap3A_251, %swap3A_252] {strides = array<i32>} : memref<128x128xf32, #tpu.memory_space<vmem>>, vector<1x16xf32>,
          %swap3A_254 = vector.shape_cast %swap3A_253 : vector<1x16xf32> to vector<16xf32>
          %swap3A_255 = vector.shape_cast %mul3A_250 : vector<16xf32> to vector<1x16xf32>
          tpu.vector_store %arg10[%swap3A_251, %swap3A_252], %swap3A_255 {strides = array<i32>} : memref<128x128xf32, #tpu.memory_space<vmem>>, vector<1x16xf32>,
          %get3A_256 = arith.index_cast %scan3A_173 : i32 to index
          %get3A_257 = arith.constant 96 : index
          %get3A_258 = tpu.vector_load %arg6[%get3A_256, %get3A_257] {strides = array<i32>} : memref<128x128xf32, #tpu.memory_space<vmem>>, vector<1x16xf32>,
          %get3A_259 = vector.shape_cast %get3A_258 : vector<1x16xf32> to vector<16xf32>
          %get3A_260 = arith.index_cast %scan3A_173 : i32 to index
          %get3A_261 = arith.constant 96 : index
          %get3A_262 = tpu.vector_load %arg8[%get3A_260, %get3A_261] {strides = array<i32>} : memref<128x128xf32, #tpu.memory_space<vmem>>, vector<1x16xf32>,
          %get3A_263 = vector.shape_cast %get3A_262 : vector<1x16xf32> to vector<16xf32>
          %mul3A_264 = arith.mulf %get3A_259, %get3A_263 : vector<16xf32>
          %swap3A_265 = arith.index_cast %scan3A_173 : i32 to index
          %swap3A_266 = arith.constant 96 : index
          %swap3A_267 = tpu.vector_load %arg10[%swap3A_265, %swap3A_266] {strides = array<i32>} : memref<128x128xf32, #tpu.memory_space<vmem>>, vector<1x16xf32>,
          %swap3A_268 = vector.shape_cast %swap3A_267 : vector<1x16xf32> to vector<16xf32>
          %swap3A_269 = vector.shape_cast %mul3A_264 : vector<16xf32> to vector<1x16xf32>
          tpu.vector_store %arg10[%swap3A_265, %swap3A_266], %swap3A_269 {strides = array<i32>} : memref<128x128xf32, #tpu.memory_space<vmem>>, vector<1x16xf32>,
          %get3A_270 = arith.index_cast %scan3A_173 : i32 to index
          %get3A_271 = arith.constant 112 : index
          %get3A_272 = tpu.vector_load %arg6[%get3A_270, %get3A_271] {strides = array<i32>} : memref<128x128xf32, #tpu.memory_space<vmem>>, vector<1x16xf32>,
          %get3A_273 = vector.shape_cast %get3A_272 : vector<1x16xf32> to vector<16xf32>
          %get3A_274 = arith.index_cast %scan3A_173 : i32 to index
          %get3A_275 = arith.constant 112 : index
          %get3A_276 = tpu.vector_load %arg8[%get3A_274, %get3A_275] {strides = array<i32>} : memref<128x128xf32, #tpu.memory_space<vmem>>, vector<1x16xf32>,
          %get3A_277 = vector.shape_cast %get3A_276 : vector<1x16xf32> to vector<16xf32>
          %mul3A_278 = arith.mulf %get3A_273, %get3A_277 : vector<16xf32>
          %swap3A_279 = arith.index_cast %scan3A_173 : i32 to index
          %swap3A_280 = arith.constant 112 : index
          %swap3A_281 = tpu.vector_load %arg10[%swap3A_279, %swap3A_280] {strides = array<i32>} : memref<128x128xf32, #tpu.memory_space<vmem>>, vector<1x16xf32>,
          %swap3A_282 = vector.shape_cast %swap3A_281 : vector<1x16xf32> to vector<16xf32>
          %swap3A_283 = vector.shape_cast %mul3A_278 : vector<16xf32> to vector<1x16xf32>
          tpu.vector_store %arg10[%swap3A_279, %swap3A_280], %swap3A_283 {strides = array<i32>} : memref<128x128xf32, #tpu.memory_space<vmem>>, vector<1x16xf32>,
        }
        %scan3A_159 = arith.constant 128 : i32
        %add3A_160 = arith.addi %add3A_5, %add3A_126 : i32
        %mul3A_161 = arith.constant 128 : i32
        %mul3A_162 = arith.muli %add3A_160, %mul3A_161 : i32
        %dma_start3A_163 = arith.constant 0 : i32
        %dma_start3A_164 = tpu.memref_slice %arg5[%mul3A_162, %dma_start3A_163] : memref<320000x128xf32, #tpu.memory_space<hbm>> -> memref<128x128xf32, #tpu.memory_space<hbm>>
        %dma_start3A_165 = arith.constant 0 : i32
        %dma_start3A_166 = tpu.memref_slice %arg5[%mul3A_162, %dma_start3A_165] : memref<320000x128xf32, #tpu.memory_space<hbm>> -> memref<128x128xf32, #tpu.memory_space<hbm>>
        tpu.enqueue_dma source(%arg10 : memref<128x128xf32, #tpu.memory_space<vmem>>) target(%dma_start3A_166 : memref<128x128xf32, #tpu.memory_space<hbm>>) target_semaphore(%arg17 : memref<!tpu.dma_semaphore, #tpu.memory_space<semaphore_mem>>)
        %add3A_167 = arith.constant 2 : i32
        %add3A_168 = arith.addi %add3A_126, %add3A_167 : i32
        %lt3A_169 = arith.cmpi slt, %add3A_168, %select_n3A : i32
        %convert_element_type3A_170 = arith.extui %lt3A_169 : i1 to i32
        %cond3A_171 = arith.constant 0 : i32
        %cond3A_172 = arith.cmpi ne, %convert_element_type3A_170, %cond3A_171 : i32
        scf.if %cond3A_172 {
          %add3A_173 = arith.constant 2 : i32
          %add3A_174 = arith.addi %add3A_126, %add3A_173 : i32
          %add3A_175 = arith.addi %add3A_5, %add3A_174 : i32
          %mul3A_176 = arith.constant 128 : i32
          %mul3A_177 = arith.muli %add3A_175, %mul3A_176 : i32
          %dma_start3A_178 = arith.constant 0 : i32
          %dma_start3A_179 = tpu.memref_slice %arg2[%mul3A_177, %dma_start3A_178] : memref<320000x128xf32, #tpu.memory_space<hbm>> -> memref<128x128xf32, #tpu.memory_space<hbm>>
          %dma_start3A_180 = arith.constant 0 : i32
          %dma_start3A_181 = tpu.memref_slice %arg2[%mul3A_177, %dma_start3A_180] : memref<320000x128xf32, #tpu.memory_space<hbm>> -> memref<128x128xf32, #tpu.memory_space<hbm>>
          tpu.enqueue_dma source(%dma_start3A_181 : memref<128x128xf32, #tpu.memory_space<hbm>>) target(%arg6 : memref<128x128xf32, #tpu.memory_space<vmem>>) target_semaphore(%arg13 : memref<!tpu.dma_semaphore, #tpu.memory_space<semaphore_mem>>)
          %add3A_182 = arith.constant 2 : i32
          %add3A_183 = arith.addi %add3A_126, %add3A_182 : i32
          %dma_start3A_184 = arith.constant 0 : i32
          %dma_start3A_185 = tpu.memref_slice %arg12[%add3A_183, %dma_start3A_184] : memref<80x128xi32, #tpu.memory_space<vmem>> -> memref<1x128xi32, #tpu.memory_space<vmem>>
          %dma_start3A_186 = tpu.memref_squeeze %dma_start3A_185 : memref<1x128xi32, #tpu.memory_space<vmem>> -> memref<128xi32, #tpu.memory_space<vmem>>
          %dma_start3A_187 = arith.constant 0 : i32
          %dma_start3A_188 = arith.constant 0 : i32
          %dma_start3A_189 = tpu.memref_slice %arg4[%dma_start3A_187, %dma_start3A_188] : memref<10000x128xf32, #tpu.memory_space<hbm>> -> memref<10000x128xf32, #tpu.memory_space<hbm>>
          tpu.enqueue_indirect_dma source(%dma_start3A_189 : memref<10000x128xf32, #tpu.memory_space<hbm>>) target(%arg8 : memref<128x128xf32, #tpu.memory_space<vmem>>) offsets(%dma_start3A_186 : memref<128xi32, #tpu.memory_space<vmem>>) semaphore(%arg15 : memref<!tpu.dma_semaphore, #tpu.memory_space<semaphore_mem>>)
        } else {
        }
      } else {
      }
      %mul3A_129 = arith.constant 2 : i32
      %mul3A_130 = arith.muli %mul3A_129, %while3A_122 : i32
      %add3A_131 = arith.constant 1 : i32
      %add3A_132 = arith.addi %mul3A_130, %add3A_131 : i32
      %lt3A_133 = arith.cmpi slt, %add3A_132, %select_n3A : i32
      %convert_element_type3A_134 = arith.extui %lt3A_133 : i1 to i32
      %cond3A_135 = arith.constant 0 : i32
      %cond3A_136 = arith.cmpi ne, %convert_element_type3A_134, %cond3A_135 : i32
      scf.if %cond3A_136 {
        %ge3A_137 = arith.constant 2 : i32
        %ge3A_138 = arith.cmpi sge, %add3A_132, %ge3A_137 : i32
        %convert_element_type3A_139 = arith.extui %ge3A_138 : i1 to i32
        %cond3A_140 = arith.constant 0 : i32
        %cond3A_141 = arith.cmpi ne, %convert_element_type3A_139, %cond3A_140 : i32
        scf.if %cond3A_141 {
          %sub3A_173 = arith.constant 2 : i32
          %sub3A_174 = arith.subi %add3A_132, %sub3A_173 : i32
          %add3A_175 = arith.addi %add3A_5, %sub3A_174 : i32
          %mul3A_176 = arith.constant 128 : i32
          %mul3A_177 = arith.muli %add3A_175, %mul3A_176 : i32
          %dma_wait3A_178 = arith.constant 0 : i32
          %dma_wait3A_179 = tpu.memref_slice %arg5[%mul3A_177, %dma_wait3A_178] : memref<320000x128xf32, #tpu.memory_space<hbm>> -> memref<128x128xf32, #tpu.memory_space<hbm>>
          %dma_wait3A_180 = arith.constant 0 : i32
          %dma_wait3A_181 = tpu.memref_slice %arg5[%mul3A_177, %dma_wait3A_180] : memref<320000x128xf32, #tpu.memory_space<hbm>> -> memref<128x128xf32, #tpu.memory_space<hbm>>
          tpu.wait_dma2 semaphore(%arg18 : memref<!tpu.dma_semaphore, #tpu.memory_space<semaphore_mem>>) src(%arg11 : memref<128x128xf32, #tpu.memory_space<vmem>>) dst(%dma_wait3A_181 : memref<128x128xf32, #tpu.memory_space<hbm>>)
        } else {
        }
        %add3A_142 = arith.addi %add3A_5, %add3A_132 : i32
        %mul3A_143 = arith.constant 128 : i32
        %mul3A_144 = arith.muli %add3A_142, %mul3A_143 : i32
        %dma_wait3A_145 = arith.constant 0 : i32
        %dma_wait3A_146 = tpu.memref_slice %arg2[%mul3A_144, %dma_wait3A_145] : memref<320000x128xf32, #tpu.memory_space<hbm>> -> memref<128x128xf32, #tpu.memory_space<hbm>>
        %dma_wait3A_147 = arith.constant 0 : i32
        %dma_wait3A_148 = tpu.memref_slice %arg2[%mul3A_144, %dma_wait3A_147] : memref<320000x128xf32, #tpu.memory_space<hbm>> -> memref<128x128xf32, #tpu.memory_space<hbm>>
        tpu.wait_dma2 semaphore(%arg14 : memref<!tpu.dma_semaphore, #tpu.memory_space<semaphore_mem>>) src(%dma_wait3A_148 : memref<128x128xf32, #tpu.memory_space<hbm>>) dst(%arg7 : memref<128x128xf32, #tpu.memory_space<vmem>>)
        %dma_wait3A_149 = arith.constant 0 : i32
        %dma_wait3A_150 = tpu.memref_slice %arg12[%add3A_132, %dma_wait3A_149] : memref<80x128xi32, #tpu.memory_space<vmem>> -> memref<1x128xi32, #tpu.memory_space<vmem>>
        %dma_wait3A_151 = tpu.memref_squeeze %dma_wait3A_150 : memref<1x128xi32, #tpu.memory_space<vmem>> -> memref<128xi32, #tpu.memory_space<vmem>>
        %dma_wait3A_152 = arith.constant 0 : i32
        %dma_wait3A_153 = arith.constant 0 : i32
        %dma_wait3A_154 = tpu.memref_slice %arg4[%dma_wait3A_152, %dma_wait3A_153] : memref<10000x128xf32, #tpu.memory_space<hbm>> -> memref<10000x128xf32, #tpu.memory_space<hbm>>
        tpu.wait_indirect_dma semaphore(%arg16 : memref<!tpu.dma_semaphore, #tpu.memory_space<semaphore_mem>>) src(%dma_wait3A_154 : memref<10000x128xf32, #tpu.memory_space<hbm>>) dst(%arg9 : memref<128x128xf32, #tpu.memory_space<vmem>>)
        %scan3A = arith.constant 0 : i32
        %scan3A_155 = arith.constant 0 : i32
        %scan3A_156 = arith.constant 128 : i32
        %scan3A_157 = arith.addi %scan3A_155, %scan3A_156 : i32
        %scan3A_158 = arith.constant 1 : i32
        scf.for %scan3A_173 = %scan3A_155 to %scan3A_157 step %scan3A_158  : i32 {
          %get3A = arith.index_cast %scan3A_173 : i32 to index
          %get3A_174 = arith.constant 0 : index
          %get3A_175 = tpu.vector_load %arg7[%get3A, %get3A_174] {strides = array<i32>} : memref<128x128xf32, #tpu.memory_space<vmem>>, vector<1x16xf32>,
          %get3A_176 = vector.shape_cast %get3A_175 : vector<1x16xf32> to vector<16xf32>
          %get3A_177 = arith.index_cast %scan3A_173 : i32 to index
          %get3A_178 = arith.constant 0 : index
          %get3A_179 = tpu.vector_load %arg9[%get3A_177, %get3A_178] {strides = array<i32>} : memref<128x128xf32, #tpu.memory_space<vmem>>, vector<1x16xf32>,
          %get3A_180 = vector.shape_cast %get3A_179 : vector<1x16xf32> to vector<16xf32>
          %mul3A_181 = arith.mulf %get3A_176, %get3A_180 : vector<16xf32>
          %swap3A = arith.index_cast %scan3A_173 : i32 to index
          %swap3A_182 = arith.constant 0 : index
          %swap3A_183 = tpu.vector_load %arg11[%swap3A, %swap3A_182] {strides = array<i32>} : memref<128x128xf32, #tpu.memory_space<vmem>>, vector<1x16xf32>,
          %swap3A_184 = vector.shape_cast %swap3A_183 : vector<1x16xf32> to vector<16xf32>
          %swap3A_185 = vector.shape_cast %mul3A_181 : vector<16xf32> to vector<1x16xf32>
          tpu.vector_store %arg11[%swap3A, %swap3A_182], %swap3A_185 {strides = array<i32>} : memref<128x128xf32, #tpu.memory_space<vmem>>, vector<1x16xf32>,
          %get3A_186 = arith.index_cast %scan3A_173 : i32 to index
          %get3A_187 = arith.constant 16 : index
          %get3A_188 = tpu.vector_load %arg7[%get3A_186, %get3A_187] {strides = array<i32>} : memref<128x128xf32, #tpu.memory_space<vmem>>, vector<1x16xf32>,
          %get3A_189 = vector.shape_cast %get3A_188 : vector<1x16xf32> to vector<16xf32>
          %get3A_190 = arith.index_cast %scan3A_173 : i32 to index
          %get3A_191 = arith.constant 16 : index
          %get3A_192 = tpu.vector_load %arg9[%get3A_190, %get3A_191] {strides = array<i32>} : memref<128x128xf32, #tpu.memory_space<vmem>>, vector<1x16xf32>,
          %get3A_193 = vector.shape_cast %get3A_192 : vector<1x16xf32> to vector<16xf32>
          %mul3A_194 = arith.mulf %get3A_189, %get3A_193 : vector<16xf32>
          %swap3A_195 = arith.index_cast %scan3A_173 : i32 to index
          %swap3A_196 = arith.constant 16 : index
          %swap3A_197 = tpu.vector_load %arg11[%swap3A_195, %swap3A_196] {strides = array<i32>} : memref<128x128xf32, #tpu.memory_space<vmem>>, vector<1x16xf32>,
          %swap3A_198 = vector.shape_cast %swap3A_197 : vector<1x16xf32> to vector<16xf32>
          %swap3A_199 = vector.shape_cast %mul3A_194 : vector<16xf32> to vector<1x16xf32>
          tpu.vector_store %arg11[%swap3A_195, %swap3A_196], %swap3A_199 {strides = array<i32>} : memref<128x128xf32, #tpu.memory_space<vmem>>, vector<1x16xf32>,
          %get3A_200 = arith.index_cast %scan3A_173 : i32 to index
          %get3A_201 = arith.constant 32 : index
          %get3A_202 = tpu.vector_load %arg7[%get3A_200, %get3A_201] {strides = array<i32>} : memref<128x128xf32, #tpu.memory_space<vmem>>, vector<1x16xf32>,
          %get3A_203 = vector.shape_cast %get3A_202 : vector<1x16xf32> to vector<16xf32>
          %get3A_204 = arith.index_cast %scan3A_173 : i32 to index
          %get3A_205 = arith.constant 32 : index
          %get3A_206 = tpu.vector_load %arg9[%get3A_204, %get3A_205] {strides = array<i32>} : memref<128x128xf32, #tpu.memory_space<vmem>>, vector<1x16xf32>,
          %get3A_207 = vector.shape_cast %get3A_206 : vector<1x16xf32> to vector<16xf32>
          %mul3A_208 = arith.mulf %get3A_203, %get3A_207 : vector<16xf32>
          %swap3A_209 = arith.index_cast %scan3A_173 : i32 to index
          %swap3A_210 = arith.constant 32 : index
          %swap3A_211 = tpu.vector_load %arg11[%swap3A_209, %swap3A_210] {strides = array<i32>} : memref<128x128xf32, #tpu.memory_space<vmem>>, vector<1x16xf32>,
          %swap3A_212 = vector.shape_cast %swap3A_211 : vector<1x16xf32> to vector<16xf32>
          %swap3A_213 = vector.shape_cast %mul3A_208 : vector<16xf32> to vector<1x16xf32>
          tpu.vector_store %arg11[%swap3A_209, %swap3A_210], %swap3A_213 {strides = array<i32>} : memref<128x128xf32, #tpu.memory_space<vmem>>, vector<1x16xf32>,
          %get3A_214 = arith.index_cast %scan3A_173 : i32 to index
          %get3A_215 = arith.constant 48 : index
          %get3A_216 = tpu.vector_load %arg7[%get3A_214, %get3A_215] {strides = array<i32>} : memref<128x128xf32, #tpu.memory_space<vmem>>, vector<1x16xf32>,
          %get3A_217 = vector.shape_cast %get3A_216 : vector<1x16xf32> to vector<16xf32>
          %get3A_218 = arith.index_cast %scan3A_173 : i32 to index
          %get3A_219 = arith.constant 48 : index
          %get3A_220 = tpu.vector_load %arg9[%get3A_218, %get3A_219] {strides = array<i32>} : memref<128x128xf32, #tpu.memory_space<vmem>>, vector<1x16xf32>,
          %get3A_221 = vector.shape_cast %get3A_220 : vector<1x16xf32> to vector<16xf32>
          %mul3A_222 = arith.mulf %get3A_217, %get3A_221 : vector<16xf32>
          %swap3A_223 = arith.index_cast %scan3A_173 : i32 to index
          %swap3A_224 = arith.constant 48 : index
          %swap3A_225 = tpu.vector_load %arg11[%swap3A_223, %swap3A_224] {strides = array<i32>} : memref<128x128xf32, #tpu.memory_space<vmem>>, vector<1x16xf32>,
          %swap3A_226 = vector.shape_cast %swap3A_225 : vector<1x16xf32> to vector<16xf32>
          %swap3A_227 = vector.shape_cast %mul3A_222 : vector<16xf32> to vector<1x16xf32>
          tpu.vector_store %arg11[%swap3A_223, %swap3A_224], %swap3A_227 {strides = array<i32>} : memref<128x128xf32, #tpu.memory_space<vmem>>, vector<1x16xf32>,
          %get3A_228 = arith.index_cast %scan3A_173 : i32 to index
          %get3A_229 = arith.constant 64 : index
          %get3A_230 = tpu.vector_load %arg7[%get3A_228, %get3A_229] {strides = array<i32>} : memref<128x128xf32, #tpu.memory_space<vmem>>, vector<1x16xf32>,
          %get3A_231 = vector.shape_cast %get3A_230 : vector<1x16xf32> to vector<16xf32>
          %get3A_232 = arith.index_cast %scan3A_173 : i32 to index
          %get3A_233 = arith.constant 64 : index
          %get3A_234 = tpu.vector_load %arg9[%get3A_232, %get3A_233] {strides = array<i32>} : memref<128x128xf32, #tpu.memory_space<vmem>>, vector<1x16xf32>,
          %get3A_235 = vector.shape_cast %get3A_234 : vector<1x16xf32> to vector<16xf32>
          %mul3A_236 = arith.mulf %get3A_231, %get3A_235 : vector<16xf32>
          %swap3A_237 = arith.index_cast %scan3A_173 : i32 to index
          %swap3A_238 = arith.constant 64 : index
          %swap3A_239 = tpu.vector_load %arg11[%swap3A_237, %swap3A_238] {strides = array<i32>} : memref<128x128xf32, #tpu.memory_space<vmem>>, vector<1x16xf32>,
          %swap3A_240 = vector.shape_cast %swap3A_239 : vector<1x16xf32> to vector<16xf32>
          %swap3A_241 = vector.shape_cast %mul3A_236 : vector<16xf32> to vector<1x16xf32>
          tpu.vector_store %arg11[%swap3A_237, %swap3A_238], %swap3A_241 {strides = array<i32>} : memref<128x128xf32, #tpu.memory_space<vmem>>, vector<1x16xf32>,
          %get3A_242 = arith.index_cast %scan3A_173 : i32 to index
          %get3A_243 = arith.constant 80 : index
          %get3A_244 = tpu.vector_load %arg7[%get3A_242, %get3A_243] {strides = array<i32>} : memref<128x128xf32, #tpu.memory_space<vmem>>, vector<1x16xf32>,
          %get3A_245 = vector.shape_cast %get3A_244 : vector<1x16xf32> to vector<16xf32>
          %get3A_246 = arith.index_cast %scan3A_173 : i32 to index
          %get3A_247 = arith.constant 80 : index
          %get3A_248 = tpu.vector_load %arg9[%get3A_246, %get3A_247] {strides = array<i32>} : memref<128x128xf32, #tpu.memory_space<vmem>>, vector<1x16xf32>,
          %get3A_249 = vector.shape_cast %get3A_248 : vector<1x16xf32> to vector<16xf32>
          %mul3A_250 = arith.mulf %get3A_245, %get3A_249 : vector<16xf32>
          %swap3A_251 = arith.index_cast %scan3A_173 : i32 to index
          %swap3A_252 = arith.constant 80 : index
          %swap3A_253 = tpu.vector_load %arg11[%swap3A_251, %swap3A_252] {strides = array<i32>} : memref<128x128xf32, #tpu.memory_space<vmem>>, vector<1x16xf32>,
          %swap3A_254 = vector.shape_cast %swap3A_253 : vector<1x16xf32> to vector<16xf32>
          %swap3A_255 = vector.shape_cast %mul3A_250 : vector<16xf32> to vector<1x16xf32>
          tpu.vector_store %arg11[%swap3A_251, %swap3A_252], %swap3A_255 {strides = array<i32>} : memref<128x128xf32, #tpu.memory_space<vmem>>, vector<1x16xf32>,
          %get3A_256 = arith.index_cast %scan3A_173 : i32 to index
          %get3A_257 = arith.constant 96 : index
          %get3A_258 = tpu.vector_load %arg7[%get3A_256, %get3A_257] {strides = array<i32>} : memref<128x128xf32, #tpu.memory_space<vmem>>, vector<1x16xf32>,
          %get3A_259 = vector.shape_cast %get3A_258 : vector<1x16xf32> to vector<16xf32>
          %get3A_260 = arith.index_cast %scan3A_173 : i32 to index
          %get3A_261 = arith.constant 96 : index
          %get3A_262 = tpu.vector_load %arg9[%get3A_260, %get3A_261] {strides = array<i32>} : memref<128x128xf32, #tpu.memory_space<vmem>>, vector<1x16xf32>,
          %get3A_263 = vector.shape_cast %get3A_262 : vector<1x16xf32> to vector<16xf32>
          %mul3A_264 = arith.mulf %get3A_259, %get3A_263 : vector<16xf32>
          %swap3A_265 = arith.index_cast %scan3A_173 : i32 to index
          %swap3A_266 = arith.constant 96 : index
          %swap3A_267 = tpu.vector_load %arg11[%swap3A_265, %swap3A_266] {strides = array<i32>} : memref<128x128xf32, #tpu.memory_space<vmem>>, vector<1x16xf32>,
          %swap3A_268 = vector.shape_cast %swap3A_267 : vector<1x16xf32> to vector<16xf32>
          %swap3A_269 = vector.shape_cast %mul3A_264 : vector<16xf32> to vector<1x16xf32>
          tpu.vector_store %arg11[%swap3A_265, %swap3A_266], %swap3A_269 {strides = array<i32>} : memref<128x128xf32, #tpu.memory_space<vmem>>, vector<1x16xf32>,
          %get3A_270 = arith.index_cast %scan3A_173 : i32 to index
          %get3A_271 = arith.constant 112 : index
          %get3A_272 = tpu.vector_load %arg7[%get3A_270, %get3A_271] {strides = array<i32>} : memref<128x128xf32, #tpu.memory_space<vmem>>, vector<1x16xf32>,
          %get3A_273 = vector.shape_cast %get3A_272 : vector<1x16xf32> to vector<16xf32>
          %get3A_274 = arith.index_cast %scan3A_173 : i32 to index
          %get3A_275 = arith.constant 112 : index
          %get3A_276 = tpu.vector_load %arg9[%get3A_274, %get3A_275] {strides = array<i32>} : memref<128x128xf32, #tpu.memory_space<vmem>>, vector<1x16xf32>,
          %get3A_277 = vector.shape_cast %get3A_276 : vector<1x16xf32> to vector<16xf32>
          %mul3A_278 = arith.mulf %get3A_273, %get3A_277 : vector<16xf32>
          %swap3A_279 = arith.index_cast %scan3A_173 : i32 to index
          %swap3A_280 = arith.constant 112 : index
          %swap3A_281 = tpu.vector_load %arg11[%swap3A_279, %swap3A_280] {strides = array<i32>} : memref<128x128xf32, #tpu.memory_space<vmem>>, vector<1x16xf32>,
          %swap3A_282 = vector.shape_cast %swap3A_281 : vector<1x16xf32> to vector<16xf32>
          %swap3A_283 = vector.shape_cast %mul3A_278 : vector<16xf32> to vector<1x16xf32>
          tpu.vector_store %arg11[%swap3A_279, %swap3A_280], %swap3A_283 {strides = array<i32>} : memref<128x128xf32, #tpu.memory_space<vmem>>, vector<1x16xf32>,
        }
        %scan3A_159 = arith.constant 128 : i32
        %add3A_160 = arith.addi %add3A_5, %add3A_132 : i32
        %mul3A_161 = arith.constant 128 : i32
        %mul3A_162 = arith.muli %add3A_160, %mul3A_161 : i32
        %dma_start3A_163 = arith.constant 0 : i32
        %dma_start3A_164 = tpu.memref_slice %arg5[%mul3A_162, %dma_start3A_163] : memref<320000x128xf32, #tpu.memory_space<hbm>> -> memref<128x128xf32, #tpu.memory_space<hbm>>
        %dma_start3A_165 = arith.constant 0 : i32
        %dma_start3A_166 = tpu.memref_slice %arg5[%mul3A_162, %dma_start3A_165] : memref<320000x128xf32, #tpu.memory_space<hbm>> -> memref<128x128xf32, #tpu.memory_space<hbm>>
        tpu.enqueue_dma source(%arg11 : memref<128x128xf32, #tpu.memory_space<vmem>>) target(%dma_start3A_166 : memref<128x128xf32, #tpu.memory_space<hbm>>) target_semaphore(%arg18 : memref<!tpu.dma_semaphore, #tpu.memory_space<semaphore_mem>>)
        %add3A_167 = arith.constant 2 : i32
        %add3A_168 = arith.addi %add3A_132, %add3A_167 : i32
        %lt3A_169 = arith.cmpi slt, %add3A_168, %select_n3A : i32
        %convert_element_type3A_170 = arith.extui %lt3A_169 : i1 to i32
        %cond3A_171 = arith.constant 0 : i32
        %cond3A_172 = arith.cmpi ne, %convert_element_type3A_170, %cond3A_171 : i32
        scf.if %cond3A_172 {
          %add3A_173 = arith.constant 2 : i32
          %add3A_174 = arith.addi %add3A_132, %add3A_173 : i32
          %add3A_175 = arith.addi %add3A_5, %add3A_174 : i32
          %mul3A_176 = arith.constant 128 : i32
          %mul3A_177 = arith.muli %add3A_175, %mul3A_176 : i32
          %dma_start3A_178 = arith.constant 0 : i32
          %dma_start3A_179 = tpu.memref_slice %arg2[%mul3A_177, %dma_start3A_178] : memref<320000x128xf32, #tpu.memory_space<hbm>> -> memref<128x128xf32, #tpu.memory_space<hbm>>
          %dma_start3A_180 = arith.constant 0 : i32
          %dma_start3A_181 = tpu.memref_slice %arg2[%mul3A_177, %dma_start3A_180] : memref<320000x128xf32, #tpu.memory_space<hbm>> -> memref<128x128xf32, #tpu.memory_space<hbm>>
          tpu.enqueue_dma source(%dma_start3A_181 : memref<128x128xf32, #tpu.memory_space<hbm>>) target(%arg7 : memref<128x128xf32, #tpu.memory_space<vmem>>) target_semaphore(%arg14 : memref<!tpu.dma_semaphore, #tpu.memory_space<semaphore_mem>>)
          %add3A_182 = arith.constant 2 : i32
          %add3A_183 = arith.addi %add3A_132, %add3A_182 : i32
          %dma_start3A_184 = arith.constant 0 : i32
          %dma_start3A_185 = tpu.memref_slice %arg12[%add3A_183, %dma_start3A_184] : memref<80x128xi32, #tpu.memory_space<vmem>> -> memref<1x128xi32, #tpu.memory_space<vmem>>
          %dma_start3A_186 = tpu.memref_squeeze %dma_start3A_185 : memref<1x128xi32, #tpu.memory_space<vmem>> -> memref<128xi32, #tpu.memory_space<vmem>>
          %dma_start3A_187 = arith.constant 0 : i32
          %dma_start3A_188 = arith.constant 0 : i32
          %dma_start3A_189 = tpu.memref_slice %arg4[%dma_start3A_187, %dma_start3A_188] : memref<10000x128xf32, #tpu.memory_space<hbm>> -> memref<10000x128xf32, #tpu.memory_space<hbm>>
          tpu.enqueue_indirect_dma source(%dma_start3A_189 : memref<10000x128xf32, #tpu.memory_space<hbm>>) target(%arg9 : memref<128x128xf32, #tpu.memory_space<vmem>>) offsets(%dma_start3A_186 : memref<128xi32, #tpu.memory_space<vmem>>) semaphore(%arg16 : memref<!tpu.dma_semaphore, #tpu.memory_space<semaphore_mem>>)
        } else {
        }
      } else {
      }
    }
    %sub3A_67 = arith.constant 1 : i32
    %sub3A_68 = arith.subi %select_n3A, %sub3A_67 : i32
    %jit3A_69 = arith.constant 2 : i32
    %eq3A = arith.constant 0 : i32
    %eq3A_70 = arith.cmpi eq, %jit3A_69, %eq3A : i32
    %jit3A_71 = arith.constant 1 : i32
    %select_n3A_72 = arith.select %eq3A_70, %jit3A_71, %jit3A_69 : i32
    %rem3A_73 = arith.remsi %sub3A_68, %select_n3A_72 : i32
    %ne3A_74 = arith.constant 0 : i32
    %ne3A_75 = arith.cmpi ne, %rem3A_73, %ne3A_74 : i32
    %lt3A = arith.constant 0 : i32
    %lt3A_76 = arith.cmpi slt, %rem3A_73, %lt3A : i32
    %lt3A_77 = arith.constant 0 : i32
    %lt3A_78 = arith.cmpi slt, %select_n3A_72, %lt3A_77 : i32
    %ne3A_79 = arith.xori %lt3A_76, %lt3A_78 : i1
    %and3A_80 = arith.andi %ne3A_79, %ne3A_75 : i1
    %add3A_81 = arith.addi %rem3A_73, %select_n3A_72 : i32
    %select_n3A_82 = arith.select %and3A_80, %add3A_81, %rem3A_73 : i32
    %eq3A_83 = arith.constant 0 : i32
    %eq3A_84 = arith.cmpi eq, %select_n3A_82, %eq3A_83 : i32
    %sub3A_85 = arith.constant 1 : i32
    %sub3A_86 = arith.subi %sub3A_68, %sub3A_85 : i32
    %select_n3A_87 = arith.select %eq3A_84, %sub3A_68, %sub3A_86 : i32
    %add3A_88 = arith.addi %add3A_5, %select_n3A_87 : i32
    %mul3A_89 = arith.constant 128 : i32
    %mul3A_90 = arith.muli %add3A_88, %mul3A_89 : i32
    %dma_wait3A = arith.constant 0 : i32
    %dma_wait3A_91 = tpu.memref_slice %arg5[%mul3A_90, %dma_wait3A] : memref<320000x128xf32, #tpu.memory_space<hbm>> -> memref<128x128xf32, #tpu.memory_space<hbm>>
    %dma_wait3A_92 = arith.constant 0 : i32
    %dma_wait3A_93 = tpu.memref_slice %arg5[%mul3A_90, %dma_wait3A_92] : memref<320000x128xf32, #tpu.memory_space<hbm>> -> memref<128x128xf32, #tpu.memory_space<hbm>>
    tpu.wait_dma2 semaphore(%arg17 : memref<!tpu.dma_semaphore, #tpu.memory_space<semaphore_mem>>) src(%arg10 : memref<128x128xf32, #tpu.memory_space<vmem>>) dst(%dma_wait3A_93 : memref<128x128xf32, #tpu.memory_space<hbm>>)
    %jit3A_94 = arith.constant 2 : i32
    %eq3A_95 = arith.constant 0 : i32
    %eq3A_96 = arith.cmpi eq, %jit3A_94, %eq3A_95 : i32
    %jit3A_97 = arith.constant 1 : i32
    %select_n3A_98 = arith.select %eq3A_96, %jit3A_97, %jit3A_94 : i32
    %rem3A_99 = arith.remsi %sub3A_68, %select_n3A_98 : i32
    %ne3A_100 = arith.constant 0 : i32
    %ne3A_101 = arith.cmpi ne, %rem3A_99, %ne3A_100 : i32
    %lt3A_102 = arith.constant 0 : i32
    %lt3A_103 = arith.cmpi slt, %rem3A_99, %lt3A_102 : i32
    %lt3A_104 = arith.constant 0 : i32
    %lt3A_105 = arith.cmpi slt, %select_n3A_98, %lt3A_104 : i32
    %ne3A_106 = arith.xori %lt3A_103, %lt3A_105 : i1
    %and3A_107 = arith.andi %ne3A_106, %ne3A_101 : i1
    %add3A_108 = arith.addi %rem3A_99, %select_n3A_98 : i32
    %select_n3A_109 = arith.select %and3A_107, %add3A_108, %rem3A_99 : i32
    %eq3A_110 = arith.constant 1 : i32
    %eq3A_111 = arith.cmpi eq, %select_n3A_109, %eq3A_110 : i32
    %sub3A_112 = arith.constant 1 : i32
    %sub3A_113 = arith.subi %sub3A_68, %sub3A_112 : i32
    %select_n3A_114 = arith.select %eq3A_111, %sub3A_68, %sub3A_113 : i32
    %add3A_115 = arith.addi %add3A_5, %select_n3A_114 : i32
    %mul3A_116 = arith.constant 128 : i32
    %mul3A_117 = arith.muli %add3A_115, %mul3A_116 : i32
    %dma_wait3A_118 = arith.constant 0 : i32
    %dma_wait3A_119 = tpu.memref_slice %arg5[%mul3A_117, %dma_wait3A_118] : memref<320000x128xf32, #tpu.memory_space<hbm>> -> memref<128x128xf32, #tpu.memory_space<hbm>>
    %dma_wait3A_120 = arith.constant 0 : i32
    %dma_wait3A_121 = tpu.memref_slice %arg5[%mul3A_117, %dma_wait3A_120] : memref<320000x128xf32, #tpu.memory_space<hbm>> -> memref<128x128xf32, #tpu.memory_space<hbm>>
    tpu.wait_dma2 semaphore(%arg18 : memref<!tpu.dma_semaphore, #tpu.memory_space<semaphore_mem>>) src(%arg11 : memref<128x128xf32, #tpu.memory_space<vmem>>) dst(%dma_wait3A_121 : memref<128x128xf32, #tpu.memory_space<hbm>>)
    return
  }
}

#map = affine_map<(d0, d1) -> (0, 0, 0)>
#map1 = affine_map<(d0, d1) -> (0)>
module attributes {stable_mosaic.version = 14 : i64} {
  func.func @_seg_cnt(%arg0: i32, %arg1: i32, %arg2: memref<32x80x128xi32, #tpu.memory_space<hbm>>, %arg3: memref<20000xf32, #tpu.memory_space<hbm>>, %arg4: memref<128xf32, #tpu.memory_space<vmem>>, %arg5: memref<80x128xi32, #tpu.memory_space<vmem>>, %arg6: memref<640xf32, #tpu.memory_space<vmem>>, %arg7: memref<10000xf32, #tpu.memory_space<vmem_shared>>) attributes {dimension_semantics = [#tpu.dimension_semantics<core_parallel>, #tpu.dimension_semantics<subcore_parallel>], iteration_bounds = array<i64: 2, 16>, scalar_prefetch = 0 : i64, scratch_operands = 4 : i64, tpu.core_type = #tpu.core_type<sc_vector_subcore>, window_params = [{transform_indices = #map}, {transform_indices = #map1}]} {
    %mul3A = arith.constant 16 : i32
    %mul3A_0 = arith.muli %arg0, %mul3A : i32
    %add3A = arith.addi %mul3A_0, %arg1 : i32
    %mul3A_1 = arith.constant 78 : i32
    %mul3A_2 = arith.muli %mul3A_1, %add3A : i32
    %sub3A = arith.constant 28 : i32
    %sub3A_3 = arith.subi %add3A, %sub3A : i32
    %max3A = arith.constant 0 : i32
    %max3A_4 = arith.maxsi %sub3A_3, %max3A : i32
    %add3A_5 = arith.addi %mul3A_2, %max3A_4 : i32
    %ge3A = arith.constant 28 : i32
    %ge3A_6 = arith.cmpi sge, %add3A, %ge3A : i32
    %jit3A = arith.constant 79 : i32
    %jit3A_7 = arith.constant 78 : i32
    %select_n3A = arith.select %ge3A_6, %jit3A, %jit3A_7 : i32
    %mul3A_8 = arith.constant 624 : i32
    %mul3A_9 = arith.muli %arg1, %mul3A_8 : i32
    %scan3A = arith.constant 0 : i32
    %scan3A_10 = arith.constant 0 : i32
    %scan3A_11 = arith.constant 8 : i32
    %scan3A_12 = arith.addi %scan3A_10, %scan3A_11 : i32
    %scan3A_13 = arith.constant 1 : i32
    scf.for %scan3A_44 = %scan3A_10 to %scan3A_12 step %scan3A_13  : i32 {
      %broadcast_in_dim3A = arith.constant 0.000000e+00 : f32
      %broadcast_in_dim3A_45 = vector.broadcast %broadcast_in_dim3A : f32 to vector<16xf32>
      %mul3A_46 = arith.constant 16 : i32
      %mul3A_47 = arith.muli %scan3A_44, %mul3A_46 : i32
      %swap3A = arith.index_cast %mul3A_47 : i32 to index
      %swap3A_48 = tpu.vector_load %arg4[%swap3A] {strides = array<i32>} : memref<128xf32, #tpu.memory_space<vmem>>, vector<16xf32>,
      %swap3A_49 = vector.shape_cast %swap3A_48 : vector<16xf32> to vector<16xf32>
      %swap3A_50 = vector.shape_cast %broadcast_in_dim3A_45 : vector<16xf32> to vector<16xf32>
      tpu.vector_store %arg4[%swap3A], %swap3A_50 {strides = array<i32>} : memref<128xf32, #tpu.memory_space<vmem>>, vector<16xf32>,
    }
    %scan3A_14 = arith.constant 8 : i32
    %add3A_15 = arith.constant 0 : i32
    %add3A_16 = arith.addi %mul3A_9, %add3A_15 : i32
    "tpu.region"() ({
      %run_scoped3A = tpu.sem_alloc : memref<!tpu.dma_semaphore, #tpu.memory_space<semaphore_mem>>
      %dma_start3A = tpu.memref_slice %arg7[%add3A_16] : memref<10000xf32, #tpu.memory_space<vmem_shared>> -> memref<128xf32, #tpu.memory_space<vmem_shared>>
      %dma_start3A_44 = tpu.memref_slice %arg7[%add3A_16] : memref<10000xf32, #tpu.memory_space<vmem_shared>> -> memref<128xf32, #tpu.memory_space<vmem_shared>>
      tpu.enqueue_dma source(%arg4 : memref<128xf32, #tpu.memory_space<vmem>>) target(%dma_start3A_44 : memref<128xf32, #tpu.memory_space<vmem_shared>>) target_semaphore(%run_scoped3A : memref<!tpu.dma_semaphore, #tpu.memory_space<semaphore_mem>>)
      %dma_wait3A = tpu.memref_slice %arg7[%add3A_16] : memref<10000xf32, #tpu.memory_space<vmem_shared>> -> memref<128xf32, #tpu.memory_space<vmem_shared>>
      %dma_wait3A_45 = tpu.memref_slice %arg7[%add3A_16] : memref<10000xf32, #tpu.memory_space<vmem_shared>> -> memref<128xf32, #tpu.memory_space<vmem_shared>>
      tpu.wait_dma2 semaphore(%run_scoped3A : memref<!tpu.dma_semaphore, #tpu.memory_space<semaphore_mem>>) src(%arg4 : memref<128xf32, #tpu.memory_space<vmem>>) dst(%dma_wait3A_45 : memref<128xf32, #tpu.memory_space<vmem_shared>>)
      tpu.yield
    }) : () -> ()
    %add3A_17 = arith.constant 128 : i32
    %add3A_18 = arith.addi %mul3A_9, %add3A_17 : i32
    "tpu.region"() ({
      %run_scoped3A = tpu.sem_alloc : memref<!tpu.dma_semaphore, #tpu.memory_space<semaphore_mem>>
      %dma_start3A = tpu.memref_slice %arg7[%add3A_18] : memref<10000xf32, #tpu.memory_space<vmem_shared>> -> memref<128xf32, #tpu.memory_space<vmem_shared>>
      %dma_start3A_44 = tpu.memref_slice %arg7[%add3A_18] : memref<10000xf32, #tpu.memory_space<vmem_shared>> -> memref<128xf32, #tpu.memory_space<vmem_shared>>
      tpu.enqueue_dma source(%arg4 : memref<128xf32, #tpu.memory_space<vmem>>) target(%dma_start3A_44 : memref<128xf32, #tpu.memory_space<vmem_shared>>) target_semaphore(%run_scoped3A : memref<!tpu.dma_semaphore, #tpu.memory_space<semaphore_mem>>)
      %dma_wait3A = tpu.memref_slice %arg7[%add3A_18] : memref<10000xf32, #tpu.memory_space<vmem_shared>> -> memref<128xf32, #tpu.memory_space<vmem_shared>>
      %dma_wait3A_45 = tpu.memref_slice %arg7[%add3A_18] : memref<10000xf32, #tpu.memory_space<vmem_shared>> -> memref<128xf32, #tpu.memory_space<vmem_shared>>
      tpu.wait_dma2 semaphore(%run_scoped3A : memref<!tpu.dma_semaphore, #tpu.memory_space<semaphore_mem>>) src(%arg4 : memref<128xf32, #tpu.memory_space<vmem>>) dst(%dma_wait3A_45 : memref<128xf32, #tpu.memory_space<vmem_shared>>)
      tpu.yield
    }) : () -> ()
    %add3A_19 = arith.constant 256 : i32
    %add3A_20 = arith.addi %mul3A_9, %add3A_19 : i32
    "tpu.region"() ({
      %run_scoped3A = tpu.sem_alloc : memref<!tpu.dma_semaphore, #tpu.memory_space<semaphore_mem>>
      %dma_start3A = tpu.memref_slice %arg7[%add3A_20] : memref<10000xf32, #tpu.memory_space<vmem_shared>> -> memref<128xf32, #tpu.memory_space<vmem_shared>>
      %dma_start3A_44 = tpu.memref_slice %arg7[%add3A_20] : memref<10000xf32, #tpu.memory_space<vmem_shared>> -> memref<128xf32, #tpu.memory_space<vmem_shared>>
      tpu.enqueue_dma source(%arg4 : memref<128xf32, #tpu.memory_space<vmem>>) target(%dma_start3A_44 : memref<128xf32, #tpu.memory_space<vmem_shared>>) target_semaphore(%run_scoped3A : memref<!tpu.dma_semaphore, #tpu.memory_space<semaphore_mem>>)
      %dma_wait3A = tpu.memref_slice %arg7[%add3A_20] : memref<10000xf32, #tpu.memory_space<vmem_shared>> -> memref<128xf32, #tpu.memory_space<vmem_shared>>
      %dma_wait3A_45 = tpu.memref_slice %arg7[%add3A_20] : memref<10000xf32, #tpu.memory_space<vmem_shared>> -> memref<128xf32, #tpu.memory_space<vmem_shared>>
      tpu.wait_dma2 semaphore(%run_scoped3A : memref<!tpu.dma_semaphore, #tpu.memory_space<semaphore_mem>>) src(%arg4 : memref<128xf32, #tpu.memory_space<vmem>>) dst(%dma_wait3A_45 : memref<128xf32, #tpu.memory_space<vmem_shared>>)
      tpu.yield
    }) : () -> ()
    %add3A_21 = arith.constant 384 : i32
    %add3A_22 = arith.addi %mul3A_9, %add3A_21 : i32
    "tpu.region"() ({
      %run_scoped3A = tpu.sem_alloc : memref<!tpu.dma_semaphore, #tpu.memory_space<semaphore_mem>>
      %dma_start3A = tpu.memref_slice %arg7[%add3A_22] : memref<10000xf32, #tpu.memory_space<vmem_shared>> -> memref<128xf32, #tpu.memory_space<vmem_shared>>
      %dma_start3A_44 = tpu.memref_slice %arg7[%add3A_22] : memref<10000xf32, #tpu.memory_space<vmem_shared>> -> memref<128xf32, #tpu.memory_space<vmem_shared>>
      tpu.enqueue_dma source(%arg4 : memref<128xf32, #tpu.memory_space<vmem>>) target(%dma_start3A_44 : memref<128xf32, #tpu.memory_space<vmem_shared>>) target_semaphore(%run_scoped3A : memref<!tpu.dma_semaphore, #tpu.memory_space<semaphore_mem>>)
      %dma_wait3A = tpu.memref_slice %arg7[%add3A_22] : memref<10000xf32, #tpu.memory_space<vmem_shared>> -> memref<128xf32, #tpu.memory_space<vmem_shared>>
      %dma_wait3A_45 = tpu.memref_slice %arg7[%add3A_22] : memref<10000xf32, #tpu.memory_space<vmem_shared>> -> memref<128xf32, #tpu.memory_space<vmem_shared>>
      tpu.wait_dma2 semaphore(%run_scoped3A : memref<!tpu.dma_semaphore, #tpu.memory_space<semaphore_mem>>) src(%arg4 : memref<128xf32, #tpu.memory_space<vmem>>) dst(%dma_wait3A_45 : memref<128xf32, #tpu.memory_space<vmem_shared>>)
      tpu.yield
    }) : () -> ()
    %add3A_23 = arith.constant 512 : i32
    %add3A_24 = arith.addi %mul3A_9, %add3A_23 : i32
    "tpu.region"() ({
      %run_scoped3A = tpu.sem_alloc : memref<!tpu.dma_semaphore, #tpu.memory_space<semaphore_mem>>
      %dma_start3A = tpu.memref_slice %arg7[%add3A_24] : memref<10000xf32, #tpu.memory_space<vmem_shared>> -> memref<128xf32, #tpu.memory_space<vmem_shared>>
      %dma_start3A_44 = tpu.memref_slice %arg7[%add3A_24] : memref<10000xf32, #tpu.memory_space<vmem_shared>> -> memref<128xf32, #tpu.memory_space<vmem_shared>>
      tpu.enqueue_dma source(%arg4 : memref<128xf32, #tpu.memory_space<vmem>>) target(%dma_start3A_44 : memref<128xf32, #tpu.memory_space<vmem_shared>>) target_semaphore(%run_scoped3A : memref<!tpu.dma_semaphore, #tpu.memory_space<semaphore_mem>>)
      %dma_wait3A = tpu.memref_slice %arg7[%add3A_24] : memref<10000xf32, #tpu.memory_space<vmem_shared>> -> memref<128xf32, #tpu.memory_space<vmem_shared>>
      %dma_wait3A_45 = tpu.memref_slice %arg7[%add3A_24] : memref<10000xf32, #tpu.memory_space<vmem_shared>> -> memref<128xf32, #tpu.memory_space<vmem_shared>>
      tpu.wait_dma2 semaphore(%run_scoped3A : memref<!tpu.dma_semaphore, #tpu.memory_space<semaphore_mem>>) src(%arg4 : memref<128xf32, #tpu.memory_space<vmem>>) dst(%dma_wait3A_45 : memref<128xf32, #tpu.memory_space<vmem_shared>>)
      tpu.yield
    }) : () -> ()
    %scan3A_25 = arith.constant 0 : i32
    %scan3A_26 = arith.constant 0 : i32
    %scan3A_27 = arith.constant 8 : i32
    %scan3A_28 = arith.addi %scan3A_26, %scan3A_27 : i32
    %scan3A_29 = arith.constant 1 : i32
    scf.for %scan3A_44 = %scan3A_26 to %scan3A_28 step %scan3A_29  : i32 {
      %broadcast_in_dim3A = arith.constant 1.000000e+00 : f32
      %broadcast_in_dim3A_45 = vector.broadcast %broadcast_in_dim3A : f32 to vector<16xf32>
      %mul3A_46 = arith.constant 16 : i32
      %mul3A_47 = arith.muli %scan3A_44, %mul3A_46 : i32
      %swap3A = arith.index_cast %mul3A_47 : i32 to index
      %swap3A_48 = tpu.vector_load %arg4[%swap3A] {strides = array<i32>} : memref<128xf32, #tpu.memory_space<vmem>>, vector<16xf32>,
      %swap3A_49 = vector.shape_cast %swap3A_48 : vector<16xf32> to vector<16xf32>
      %swap3A_50 = vector.shape_cast %broadcast_in_dim3A_45 : vector<16xf32> to vector<16xf32>
      tpu.vector_store %arg4[%swap3A], %swap3A_50 {strides = array<i32>} : memref<128xf32, #tpu.memory_space<vmem>>, vector<16xf32>,
    }
    %scan3A_30 = arith.constant 8 : i32
    "tpu.region"() ({
      %run_scoped3A = tpu.sem_alloc : memref<!tpu.dma_semaphore, #tpu.memory_space<semaphore_mem>>
      %dma_start3A = arith.constant 0 : i32
      %dma_start3A_44 = arith.constant 0 : i32
      %dma_start3A_45 = tpu.memref_slice %arg2[%add3A, %dma_start3A, %dma_start3A_44] : memref<32x80x128xi32, #tpu.memory_space<hbm>> -> memref<1x80x128xi32, #tpu.memory_space<hbm>>
      %dma_start3A_46 = tpu.memref_squeeze %dma_start3A_45 : memref<1x80x128xi32, #tpu.memory_space<hbm>> -> memref<80x128xi32, #tpu.memory_space<hbm>>
      %dma_start3A_47 = arith.constant 0 : i32
      %dma_start3A_48 = arith.constant 0 : i32
      %dma_start3A_49 = tpu.memref_slice %arg2[%add3A, %dma_start3A_47, %dma_start3A_48] : memref<32x80x128xi32, #tpu.memory_space<hbm>> -> memref<1x80x128xi32, #tpu.memory_space<hbm>>
      %dma_start3A_50 = tpu.memref_squeeze %dma_start3A_49 : memref<1x80x128xi32, #tpu.memory_space<hbm>> -> memref<80x128xi32, #tpu.memory_space<hbm>>
      tpu.enqueue_dma source(%dma_start3A_50 : memref<80x128xi32, #tpu.memory_space<hbm>>) target(%arg5 : memref<80x128xi32, #tpu.memory_space<vmem>>) target_semaphore(%run_scoped3A : memref<!tpu.dma_semaphore, #tpu.memory_space<semaphore_mem>>)
      %dma_wait3A = arith.constant 0 : i32
      %dma_wait3A_51 = arith.constant 0 : i32
      %dma_wait3A_52 = tpu.memref_slice %arg2[%add3A, %dma_wait3A, %dma_wait3A_51] : memref<32x80x128xi32, #tpu.memory_space<hbm>> -> memref<1x80x128xi32, #tpu.memory_space<hbm>>
      %dma_wait3A_53 = tpu.memref_squeeze %dma_wait3A_52 : memref<1x80x128xi32, #tpu.memory_space<hbm>> -> memref<80x128xi32, #tpu.memory_space<hbm>>
      %dma_wait3A_54 = arith.constant 0 : i32
      %dma_wait3A_55 = arith.constant 0 : i32
      %dma_wait3A_56 = tpu.memref_slice %arg2[%add3A, %dma_wait3A_54, %dma_wait3A_55] : memref<32x80x128xi32, #tpu.memory_space<hbm>> -> memref<1x80x128xi32, #tpu.memory_space<hbm>>
      %dma_wait3A_57 = tpu.memref_squeeze %dma_wait3A_56 : memref<1x80x128xi32, #tpu.memory_space<hbm>> -> memref<80x128xi32, #tpu.memory_space<hbm>>
      tpu.wait_dma2 semaphore(%run_scoped3A : memref<!tpu.dma_semaphore, #tpu.memory_space<semaphore_mem>>) src(%dma_wait3A_57 : memref<80x128xi32, #tpu.memory_space<hbm>>) dst(%arg5 : memref<80x128xi32, #tpu.memory_space<vmem>>)
      tpu.yield
    }) : () -> ()
    %barrier3A = arith.constant 0 : index
    tpu.barrier barrier_id(%barrier3A)
    %while3A = arith.constant 0 : i32
    %while3A_31 = arith.constant 0 : i32
    %while3A_32 = arith.subi %select_n3A, %while3A_31 : i32
    %while3A_33 = arith.addi %while3A_31, %while3A_32 : i32
    %while3A_34 = arith.constant 1 : i32
    %while3A_35 = arith.divsi %while3A_32, %while3A_34 : i32
    %while3A_36 = arith.muli %while3A_35, %while3A_34 : i32
    %while3A_37 = arith.addi %while3A_31, %while3A_36 : i32
    %while3A_38 = arith.constant 1 : i32
    scf.for %while3A_44 = %while3A_31 to %while3A_37 step %while3A_38  : i32 {
      "tpu.region"() ({
        %run_scoped3A = tpu.sem_alloc : memref<!tpu.dma_semaphore, #tpu.memory_space<semaphore_mem>>
        %dma_start3A = arith.constant 0 : i32
        %dma_start3A_45 = tpu.memref_slice %arg5[%while3A_44, %dma_start3A] : memref<80x128xi32, #tpu.memory_space<vmem>> -> memref<1x128xi32, #tpu.memory_space<vmem>>
        %dma_start3A_46 = tpu.memref_squeeze %dma_start3A_45 : memref<1x128xi32, #tpu.memory_space<vmem>> -> memref<128xi32, #tpu.memory_space<vmem>>
        %dma_start3A_47 = arith.constant 0 : i32
        %dma_start3A_48 = tpu.memref_slice %arg7[%dma_start3A_47] : memref<10000xf32, #tpu.memory_space<vmem_shared>> -> memref<10000xf32, #tpu.memory_space<vmem_shared>>
        tpu.enqueue_indirect_dma source(%arg4 : memref<128xf32, #tpu.memory_space<vmem>>) target(%dma_start3A_48 : memref<10000xf32, #tpu.memory_space<vmem_shared>>) offsets(%dma_start3A_46 : memref<128xi32, #tpu.memory_space<vmem>>) semaphore(%run_scoped3A : memref<!tpu.dma_semaphore, #tpu.memory_space<semaphore_mem>>) {add = true}
        %dma_wait3A = arith.constant 0 : i32
        %dma_wait3A_49 = tpu.memref_slice %arg5[%while3A_44, %dma_wait3A] : memref<80x128xi32, #tpu.memory_space<vmem>> -> memref<1x128xi32, #tpu.memory_space<vmem>>
        %dma_wait3A_50 = tpu.memref_squeeze %dma_wait3A_49 : memref<1x128xi32, #tpu.memory_space<vmem>> -> memref<128xi32, #tpu.memory_space<vmem>>
        %dma_wait3A_51 = arith.constant 0 : i32
        %dma_wait3A_52 = tpu.memref_slice %arg7[%dma_wait3A_51] : memref<10000xf32, #tpu.memory_space<vmem_shared>> -> memref<10000xf32, #tpu.memory_space<vmem_shared>>
        tpu.wait_indirect_dma semaphore(%run_scoped3A : memref<!tpu.dma_semaphore, #tpu.memory_space<semaphore_mem>>) src(%arg4 : memref<128xf32, #tpu.memory_space<vmem>>) dst(%dma_wait3A_52 : memref<10000xf32, #tpu.memory_space<vmem_shared>>)
        tpu.yield
      }) : () -> ()
    }
    %while3A_39 = arith.constant 1 : i32
    scf.for %while3A_44 = %while3A_37 to %while3A_33 step %while3A_39  : i32 {
      "tpu.region"() ({
        %run_scoped3A = tpu.sem_alloc : memref<!tpu.dma_semaphore, #tpu.memory_space<semaphore_mem>>
        %dma_start3A = arith.constant 0 : i32
        %dma_start3A_45 = tpu.memref_slice %arg5[%while3A_44, %dma_start3A] : memref<80x128xi32, #tpu.memory_space<vmem>> -> memref<1x128xi32, #tpu.memory_space<vmem>>
        %dma_start3A_46 = tpu.memref_squeeze %dma_start3A_45 : memref<1x128xi32, #tpu.memory_space<vmem>> -> memref<128xi32, #tpu.memory_space<vmem>>
        %dma_start3A_47 = arith.constant 0 : i32
        %dma_start3A_48 = tpu.memref_slice %arg7[%dma_start3A_47] : memref<10000xf32, #tpu.memory_space<vmem_shared>> -> memref<10000xf32, #tpu.memory_space<vmem_shared>>
        tpu.enqueue_indirect_dma source(%arg4 : memref<128xf32, #tpu.memory_space<vmem>>) target(%dma_start3A_48 : memref<10000xf32, #tpu.memory_space<vmem_shared>>) offsets(%dma_start3A_46 : memref<128xi32, #tpu.memory_space<vmem>>) semaphore(%run_scoped3A : memref<!tpu.dma_semaphore, #tpu.memory_space<semaphore_mem>>) {add = true}
        %dma_wait3A = arith.constant 0 : i32
        %dma_wait3A_49 = tpu.memref_slice %arg5[%while3A_44, %dma_wait3A] : memref<80x128xi32, #tpu.memory_space<vmem>> -> memref<1x128xi32, #tpu.memory_space<vmem>>
        %dma_wait3A_50 = tpu.memref_squeeze %dma_wait3A_49 : memref<1x128xi32, #tpu.memory_space<vmem>> -> memref<128xi32, #tpu.memory_space<vmem>>
        %dma_wait3A_51 = arith.constant 0 : i32
        %dma_wait3A_52 = tpu.memref_slice %arg7[%dma_wait3A_51] : memref<10000xf32, #tpu.memory_space<vmem_shared>> -> memref<10000xf32, #tpu.memory_space<vmem_shared>>
        tpu.wait_indirect_dma semaphore(%run_scoped3A : memref<!tpu.dma_semaphore, #tpu.memory_space<semaphore_mem>>) src(%arg4 : memref<128xf32, #tpu.memory_space<vmem>>) dst(%dma_wait3A_52 : memref<10000xf32, #tpu.memory_space<vmem_shared>>)
        tpu.yield
      }) : () -> ()
    }
    %barrier3A_40 = arith.constant 0 : index
    tpu.barrier barrier_id(%barrier3A_40)
    "tpu.region"() ({
      %run_scoped3A = tpu.sem_alloc : memref<!tpu.dma_semaphore, #tpu.memory_space<semaphore_mem>>
      %dma_start3A = tpu.memref_slice %arg7[%mul3A_9] : memref<10000xf32, #tpu.memory_space<vmem_shared>> -> memref<640xf32, #tpu.memory_space<vmem_shared>>
      %dma_start3A_44 = tpu.memref_slice %arg7[%mul3A_9] : memref<10000xf32, #tpu.memory_space<vmem_shared>> -> memref<640xf32, #tpu.memory_space<vmem_shared>>
      tpu.enqueue_dma source(%dma_start3A_44 : memref<640xf32, #tpu.memory_space<vmem_shared>>) target(%arg6 : memref<640xf32, #tpu.memory_space<vmem>>) target_semaphore(%run_scoped3A : memref<!tpu.dma_semaphore, #tpu.memory_space<semaphore_mem>>)
      %dma_wait3A = tpu.memref_slice %arg7[%mul3A_9] : memref<10000xf32, #tpu.memory_space<vmem_shared>> -> memref<640xf32, #tpu.memory_space<vmem_shared>>
      %dma_wait3A_45 = tpu.memref_slice %arg7[%mul3A_9] : memref<10000xf32, #tpu.memory_space<vmem_shared>> -> memref<640xf32, #tpu.memory_space<vmem_shared>>
      tpu.wait_dma2 semaphore(%run_scoped3A : memref<!tpu.dma_semaphore, #tpu.memory_space<semaphore_mem>>) src(%dma_wait3A_45 : memref<640xf32, #tpu.memory_space<vmem_shared>>) dst(%arg6 : memref<640xf32, #tpu.memory_space<vmem>>)
      tpu.yield
    }) : () -> ()
    %mul3A_41 = arith.constant 10000 : i32
    %mul3A_42 = arith.muli %arg0, %mul3A_41 : i32
    %add3A_43 = arith.addi %mul3A_42, %mul3A_9 : i32
    "tpu.region"() ({
      %run_scoped3A = tpu.sem_alloc : memref<!tpu.dma_semaphore, #tpu.memory_space<semaphore_mem>>
      %dma_start3A = tpu.memref_slice %arg3[%add3A_43] : memref<20000xf32, #tpu.memory_space<hbm>> -> memref<640xf32, #tpu.memory_space<hbm>>
      %dma_start3A_44 = tpu.memref_slice %arg3[%add3A_43] : memref<20000xf32, #tpu.memory_space<hbm>> -> memref<640xf32, #tpu.memory_space<hbm>>
      tpu.enqueue_dma source(%arg6 : memref<640xf32, #tpu.memory_space<vmem>>) target(%dma_start3A_44 : memref<640xf32, #tpu.memory_space<hbm>>) target_semaphore(%run_scoped3A : memref<!tpu.dma_semaphore, #tpu.memory_space<semaphore_mem>>)
      %dma_wait3A = tpu.memref_slice %arg3[%add3A_43] : memref<20000xf32, #tpu.memory_space<hbm>> -> memref<640xf32, #tpu.memory_space<hbm>>
      %dma_wait3A_45 = tpu.memref_slice %arg3[%add3A_43] : memref<20000xf32, #tpu.memory_space<hbm>> -> memref<640xf32, #tpu.memory_space<hbm>>
      tpu.wait_dma2 semaphore(%run_scoped3A : memref<!tpu.dma_semaphore, #tpu.memory_space<semaphore_mem>>) src(%arg6 : memref<640xf32, #tpu.memory_space<vmem>>) dst(%dma_wait3A_45 : memref<640xf32, #tpu.memory_space<hbm>>)
      tpu.yield
    }) : () -> ()
    return
  }
}

module attributes {stable_mosaic.version = 14 : i64} {
  func.func @_mlp_body(%arg0: memref<2x10000x128xf32, #tpu.memory_space<vmem>>, %arg1: memref<2x10000x1xf32, #tpu.memory_space<vmem>>, %arg2: memref<32x128xf32, #tpu.memory_space<vmem>>, %arg3: memref<128x32xf32, #tpu.memory_space<vmem>>, %arg4: memref<10000x128xf32, #tpu.memory_space<vmem>>) attributes {dimension_semantics = [], scalar_prefetch = 0 : i64, scratch_operands = 0 : i64, tpu.core_type = #tpu.core_type<tc>} {
    %get3A = arith.constant 0 : index
    %get3A_0 = arith.constant 0 : index
    %get3A_1 = arith.constant 0 : index
    %get3A_2 = vector.load %arg0[%get3A, %get3A_0, %get3A_1] : memref<2x10000x128xf32, #tpu.memory_space<vmem>>, vector<1x10000x128xf32>
    %get3A_3 = vector.shape_cast %get3A_2 : vector<1x10000x128xf32> to vector<10000x128xf32>
    %get3A_4 = arith.constant 1 : index
    %get3A_5 = arith.constant 0 : index
    %get3A_6 = arith.constant 0 : index
    %get3A_7 = vector.load %arg0[%get3A_4, %get3A_5, %get3A_6] : memref<2x10000x128xf32, #tpu.memory_space<vmem>>, vector<1x10000x128xf32>
    %get3A_8 = vector.shape_cast %get3A_7 : vector<1x10000x128xf32> to vector<10000x128xf32>
    %add3A = arith.addf %get3A_3, %get3A_8 : vector<10000x128xf32>
    %get3A_9 = arith.constant 0 : index
    %get3A_10 = arith.constant 0 : index
    %get3A_11 = arith.constant 0 : index
    %get3A_12 = vector.load %arg1[%get3A_9, %get3A_10, %get3A_11] : memref<2x10000x1xf32, #tpu.memory_space<vmem>>, vector<1x10000x1xf32>
    %get3A_13 = vector.shape_cast %get3A_12 : vector<1x10000x1xf32> to vector<10000x1xf32>
    %get3A_14 = arith.constant 1 : index
    %get3A_15 = arith.constant 0 : index
    %get3A_16 = arith.constant 0 : index
    %get3A_17 = vector.load %arg1[%get3A_14, %get3A_15, %get3A_16] : memref<2x10000x1xf32, #tpu.memory_space<vmem>>, vector<1x10000x1xf32>
    %get3A_18 = vector.shape_cast %get3A_17 : vector<1x10000x1xf32> to vector<10000x1xf32>
    %add3A_19 = arith.addf %get3A_13, %get3A_18 : vector<10000x1xf32>
    %max3A = arith.constant 1.000000e+00 : f32
    %max3A_20 = vector.broadcast %max3A : f32 to vector<10000x1xf32>
    %max3A_21 = arith.maximumf %add3A_19, %max3A_20 : vector<10000x1xf32>
    %div3A = vector.broadcast %max3A_21 : vector<10000x1xf32> to vector<10000x128xf32>
    %div3A_22 = arith.divf %add3A, %div3A : vector<10000x128xf32>
    %get3A_23 = arith.constant 0 : index
    %get3A_24 = arith.constant 0 : index
    %get3A_25 = vector.load %arg2[%get3A_23, %get3A_24] : memref<32x128xf32, #tpu.memory_space<vmem>>, vector<32x128xf32>
    %dot_general3A = arith.constant dense<0.000000e+00> : vector<10000x32xf32>
    %dot_general3A_26 = tpu.matmul %div3A_22, %get3A_25, %dot_general3A {dimension_numbers = #tpu.dot_dimension_numbers<[1], [1], [0], [0], [0, 0, 1, 0], [], []>, transpose_lhs_hint = false} : vector<10000x128xf32>, vector<32x128xf32>, vector<10000x32xf32> -> vector<10000x32xf32>
    %max3A_27 = arith.constant 0.000000e+00 : f32
    %max3A_28 = vector.broadcast %max3A_27 : f32 to vector<10000x32xf32>
    %max3A_29 = arith.maximumf %dot_general3A_26, %max3A_28 : vector<10000x32xf32>
    %get3A_30 = arith.constant 0 : index
    %get3A_31 = arith.constant 0 : index
    %get3A_32 = vector.load %arg3[%get3A_30, %get3A_31] : memref<128x32xf32, #tpu.memory_space<vmem>>, vector<128x32xf32>
    %dot_general3A_33 = arith.constant dense<0.000000e+00> : vector<10000x128xf32>
    %dot_general3A_34 = tpu.matmul %max3A_29, %get3A_32, %dot_general3A_33 {dimension_numbers = #tpu.dot_dimension_numbers<[1], [1], [0], [0], [0, 0, 1, 0], [], []>, transpose_lhs_hint = false} : vector<10000x32xf32>, vector<128x32xf32>, vector<10000x128xf32> -> vector<10000x128xf32>
    %logistic3A = arith.negf %dot_general3A_34 : vector<10000x128xf32>
    %logistic3A_35 = math.exp %logistic3A : vector<10000x128xf32>
    %logistic3A_36 = arith.constant 1.000000e+00 : f32
    %logistic3A_37 = vector.broadcast %logistic3A_36 : f32 to vector<10000x128xf32>
    %logistic3A_38 = arith.addf %logistic3A_37, %logistic3A_35 : vector<10000x128xf32>
    %logistic3A_39 = arith.divf %logistic3A_37, %logistic3A_38 : vector<10000x128xf32>
    %swap3A = arith.constant 0 : index
    %swap3A_40 = arith.constant 0 : index
    %swap3A_41 = vector.load %arg4[%swap3A, %swap3A_40] : memref<10000x128xf32, #tpu.memory_space<vmem>>, vector<10000x128xf32>
    tpu.vector_store %arg4[%swap3A, %swap3A_40], %logistic3A_39 {strides = array<i32>} : memref<10000x128xf32, #tpu.memory_space<vmem>>, vector<10000x128xf32>,
    return
  }
}

</mosaic_0001>

<sc_bundles>
// kernel: kernel.12.cloned.1.call-start
scs
__scs_entry_jumppad:
0x0: {  	(pc) =	sbr.rel $0x88, $3  }
0x1: {  	(tag) =	ssettag $0x0;
	lr =	simm.s32 $0x1  }
0x2: {  	[smem:$0x3F9D] =	sst lr;
	_ =	strace $0xD0000000  }
0x3: {  	_ = 	snop  }
0x4: {  	_ = 	snop  }
0x5: {  	_ = 	snop  }
0x6: {  	_ = 	snop  }
0x7: {  	_ = 	snop  }
__scs_overlays_trampoline_lowered:
0x8: {  	[smem:$0x3FAC] =	sst s0  }
0x9: {  	[smem:$0x3FAD] =	sst s1  }
0xa: {  	[smem:$0x3FAE] =	sst s2  }
0xb: {  	[smem:$0x3FAF] =	sst s3  }
0xc: {  	[smem:$0x3FB0] =	sst s4  }
0xd: {  	[smem:$0x3FB1] =	sst s5  }
0xe: {  	[smem:$0x3FB2] =	sst s6  }
0xf: {  	[smem:$0x3FB3] =	sst s7  }
0x10: {  	[smem:$0x3FB4] =	sst s8  }
0x11: {  	[smem:$0x3FB5] =	sst s9;
	s0 =	simm.s32 @!p0 $0x0  }
0x12: {  	s1 =	sld [smem:$0x3F9B];
	s0 =	simm.s32 @p0 $0x1  }
0x13: {  	[smem:$0x3FB6] =	sst s0;
	s0 =	simm.s32 @!p1 $0x0  }
0x14: {  	s2 =	sld [smem:$0x3F9A];
	s0 =	simm.s32 @p1 $0x1  }
0x15: {  	[smem:$0x3FB7] =	sst s0;
	s0 =	simm.s32 @!p2 $0x0  }
0x16: {  	s3 =	sld [smem:$0x3FDB];
	s0 =	simm.s32 @p2 $0x1  }
0x17: {  	s4 =	simm.s32 $0x1BF5;
	[smem:$0x3FB9] =	sst s0  }
0x18: {  	s0 =	sld [smem:$0x3F9C];
	_ =	swait.ge [sflag:s4], $0x0  }
0x19: {  	s7 =	sld [smem:$0x3F9D]  }
0x1a: {  	s8 =	sadd.s32 $0xFFFFE003, lr  }
0x1b: {  	s9 =	sadd.s32 $0xFFFFFEF7, lr;
	s5 =	simm.s32 $0xFFFFFFFF;
	p2 =	slt.u32 s8, $0xFFFFF086  }
0x1c: {  	p1 =	slt.u32 s9, $0xF7A;
	s5 =	simm.s32 @!p2 $0x0  }
0x1d: {  	s5 =	simm.s32 @p1 $0x1;
	p0 =	seq.s32 s7, s2  }
0x1e: {  	s7 =	smul.u32 @!p0 $0xF7A, s2;
	p2 =	seq.s32 @!p0 s5, $0x0  }
0x1f: {  	s9 =	smul.u32 $0xF7A, s1;
	s8 =	simm.s32 @!p0 $0x1BF5;
	p2 =	por !p2, p0  }
0x20: {  	[sflag:s8] =	ssyncset.s32 @!p0 $0xFFFFF086;
	s6 =	sadd.s32 @!p0 s3, s7;
	s7 =	simm.s32 @!p0 $0x108  }
0x21: {  	s3 =	sadd.s32 s3, s9;
	s6 =	sadd.s32 @!p0 $0x88, s6;
	s7 =	simm.s32 @p2 $0x1082  }
0x22: {  	[simem:s7], [sflag:s8] =	dma.local @!p0 [hbm:s6], $0xF7A  }
0x23: {  	s9 =	sor.u32 $0xD0000000, s2;
	s6 =	simm.s32 $0x108;
	_ =	swait.ge @!p0 [sflag:s8], $0x0  }
0x24: {  	s3 =	sadd.s32 $0x88, s3;
	s6 =	simm.s32 @!p1 $0x1082;
	[sflag:s4] =	ssyncset.s32 $0xFFFFF086  }
0x25: {  	[simem:s6], [sflag:s4] =	dma.local [hbm:s3], $0xF7A  }
0x26: {  	[smem:$0x3F9D] =	sst s1;
	(tag) =	ssettag s2;
	_ =	strace s9  }
0x27: {  	s1 =	sld [smem:$0x3FAD]  }
0x28: {  	s2 =	sld [smem:$0x3FAE]  }
0x29: {  	s4 =	sld [smem:$0x3FB0]  }
0x2a: {  	p0 =	seq.s32 s5, $0x0;
	s5 =	sld [smem:$0x3FB1]  }
0x2b: {  	s6 =	sld [smem:$0x3FB2]  }
0x2c: {  	s7 =	sld [smem:$0x3FB3]  }
0x2d: {  	s3 =	simm.s32 $0x108;
	s8 =	sld [smem:$0x3FB4]  }
0x2e: {  	s3 =	simm.s32 @!p0 $0x1082;
	s9 =	sld [smem:$0x3FB5]  }
0x2f: {  	lr =	sadd.s32 s0, s3;
	s0 =	sld [smem:$0x3FAC]  }
0x30: {  	s3 =	sld [smem:$0x3FAF]  }
0x31: {  	[smem:$0x3FB8] =	sst s10  }
0x32: {  	s10 =	sld [smem:$0x3FB6];
	_ =	sdelay $0x3  }
0x33: {  	p0 =	seq.s32 s10, $0x1;
	s10 =	sld [smem:$0x3FB8];
	_ =	sdelay $0x3  }
0x34: {  	[smem:$0x3FB8] =	sst s10  }
0x35: {  	s10 =	sld [smem:$0x3FB7];
	_ =	sdelay $0x3  }
0x36: {  	p1 =	seq.s32 s10, $0x1;
	s10 =	sld [smem:$0x3FB8];
	_ =	sdelay $0x3  }
0x37: {  	[smem:$0x3FB8] =	sst s10  }
0x38: {  	s10 =	sld [smem:$0x3FB9]  }
0x39: {  	_ = 	snop;
	(pc) =	sbr.ind lr, $3  }
0x3a: {  	_ = 	snop  }
0x3b: {  	_ = 	snop  }
0x3c: {  	p2 =	seq.s32 s10, $0x1;
	s10 =	sld [smem:$0x3FB8]  }
0x3d: {  	_ =	shalt  }
0x3e: {  	_ =	shalt  }
0x3f: {  	_ =	shalt  }
0x40: {  	_ =	shalt  }
0x41: {  	_ =	shalt  }
0x42: {  	_ =	shalt  }
0x43: {  	_ =	shalt  }
0x44: {  	_ =	shalt  }
0x45: {  	_ =	shalt  }
0x46: {  	_ =	shalt  }
0x47: {  	_ =	shalt  }
0x48: {  	_ =	shalt  }
0x49: {  	_ =	shalt  }
0x4a: {  	_ =	shalt  }
0x4b: {  	_ =	shalt  }
0x4c: {  	_ =	shalt  }
0x4d: {  	_ =	shalt  }
0x4e: {  	_ =	shalt  }
0x4f: {  	_ =	shalt  }
0x50: {  	_ =	shalt  }
0x51: {  	_ =	shalt  }
0x52: {  	_ =	shalt  }
0x53: {  	_ =	shalt  }
0x54: {  	_ =	shalt  }
0x55: {  	_ =	shalt  }
0x56: {  	_ =	shalt  }
0x57: {  	_ =	shalt  }
0x58: {  	_ =	shalt  }
0x59: {  	_ =	shalt  }
0x5a: {  	_ =	shalt  }
0x5b: {  	_ =	shalt  }
0x5c: {  	_ =	shalt  }
0x5d: {  	_ =	shalt  }
0x5e: {  	_ =	shalt  }
0x5f: {  	_ =	shalt  }
0x60: {  	_ =	shalt  }
0x61: {  	_ =	shalt  }
0x62: {  	_ =	shalt  }
0x63: {  	_ =	shalt  }
0x64: {  	_ =	shalt  }
0x65: {  	_ =	shalt  }
0x66: {  	_ =	shalt  }
0x67: {  	_ =	shalt  }
0x68: {  	_ =	shalt  }
0x69: {  	_ =	shalt  }
0x6a: {  	_ =	shalt  }
0x6b: {  	_ =	shalt  }
0x6c: {  	_ =	shalt  }
0x6d: {  	_ =	shalt  }
0x6e: {  	_ =	shalt  }
0x6f: {  	_ =	shalt  }
0x70: {  	_ =	shalt  }
0x71: {  	_ =	shalt  }
0x72: {  	_ =	shalt  }
0x73: {  	_ =	shalt  }
0x74: {  	_ =	shalt  }
0x75: {  	_ =	shalt  }
0x76: {  	_ =	shalt  }
0x77: {  	_ =	shalt  }
0x78: {  	_ =	shalt  }
0x79: {  	_ =	shalt  }
0x7a: {  	_ =	shalt  }
0x7b: {  	_ =	shalt  }
0x7c: {  	_ =	shalt  }
0x7d: {  	_ =	shalt  }
0x7e: {  	_ =	shalt  }
0x7f: {  	_ =	shalt  }
0x80: {  	_ =	shalt  }
0x81: {  	_ =	shalt  }
0x82: {  	_ =	shalt  }
0x83: {  	_ =	shalt  }
0x84: {  	_ =	shalt  }
0x85: {  	_ =	shalt  }
0x86: {  	_ =	shalt  }
0x87: {  	_ =	shalt  }
.Lfunc_end0:
.L_simem_size_0:
called_computation.2_lowered:
.L_overlay_start_0:
0x88: {  	s2 =	sld [smem:$0x3FD9]  }
0x89: {  	s3 =	sld [smem:$0x3FFE];
	_ =	sdelay $0x1  }
0x8a: {  	s1 =	srdreg.scid  }
0x8b: {  	s0 =	sand.u32 $0x1, s1  }
0x8c: {  	s17 =	sshll.u32 s0, $0xA;
	s2 =	sadd.s32 s3, s2  }
0x8d: {  	s2 =	sadd.s32 s2, s17  }
0x8e: {  	[smem:$0x3FC4] =	sst s2  }
0x8f: {  	_ = 	snop  }
0x90: {  	s2 =	sld [smem:$0x3FC9]  }
0x91: {  	s18 =	sld [smem:$0x3FD0];
	(tm) =	ssettm $0x1  }
0x92: {  	s4 =	sld [smem:$0x3FFB];
	_ =	sdelay $0x3  }
0x93: {  	_ =	strace s4  }
0x94: {  	s4 =	sld [smem:$0x3FFC];
	_ =	sdelay $0x3  }
0x95: {  	_ =	strace s4  }
0x96: {  	s4 =	sld [smem:$0x3FFD];
	_ =	sdelay $0x3  }
0x97: {  	_ =	strace s4  }
0x98: {  	_ =	strace $0x8FFFFFFF  }
0x99: {  	s19 =	sld [smem:$0x3FDB];
	_ =	sdelay $0x1  }
0x9a: {  	s5 =	simm.s32 $_scs_section_size  }
0x9b: {  	s6 =	simm.s32 $_size__tile_overlayer_lowered;
	s7 =	simm.s32 $_tile_overlayer_lowered  }
0x9c: {  	s22 =	simm.s32 $0x1BFF;
	s21 =	sshll.u32 s7, $0x1;
	s4 =	sadd.s32 s5, s19  }
0x9d: {  	s8 =	simm.s32 $0x0;
	s20 =	sshll.u32 s6, $0x1;
	s6 =	sadd.s32 s21, s4  }
0x9e: {  	[timem:s8], [sflag:s22] =	dma.local [hbm:s6], s20  }
0x9f: {  	_ =	swait.ge [sflag:s22], s20  }
0xa0: {  	s5 =	ssub.s32 $0x0, s20;
	[sflag:s22] =	ssyncset.done $0x0  }
0xa1: {  	[sflag:s22] =	ssyncadd.s32 s5;
	_ =	sdelay $0x1  }
0xa2: {  	s23 =	simm.s32 $0x1B8B  }
0xa3: {  	_ =	swait.ge [sflag:s23], $0x1  }
0xa4: {  	[sflag:s23] =	ssyncset.done $0x0  }
0xa5: {  	s25 =	simm.s32 $0x1B8E;
	s24 =	sld [smem:$0x3FFE];
	[sflag:s23] =	ssyncadd.s32 $0xFFFFFFFF  }
0xa6: {  	s26 =	simm.s32 $execute0_lowered;
	[smem:$0x3FD2] =	sst s25  }
0xa7: {  	s6 =	sshll.u32 s26, $0x1;
	_ =	strace $0x8000004C;
	[dreg:$0x1] =	wrdreg $0xFFFFFFFF  }
0xa8: {  	s28 =	simm.s32 $_size_execute0_lowered;
	s4 =	sadd.s32 s4, s6;
	[dreg:$0x0] =	wrdreg $0x0  }
0xa9: {  	s6 =	sshll.u32 s28, $0x1;
	[dreg:$0x2] =	wrdreg s4  }
0xaa: {  	[dreg:$0x3] =	wrdreg s6  }
0xab: {  	[dreg:$0x4] =	wrdreg $0xC0  }
0xac: {  	_ =	task [dreg:s8], $0x5FFFF  }
0xad: {  	[dreg:$0x1] =	wrdreg $0xFFFFFFFF  }
0xae: {  	[dreg:$0x0] =	wrdreg $0x60  }
0xaf: {  	[dreg:$0x2] =	wrdreg s2  }
0xb0: {  	[dreg:$0x3] =	wrdreg s24  }
0xb1: {  	[dreg:$0x4] =	wrdreg s18  }
0xb2: {  	[dreg:$0x5] =	wrdreg $0x9  }
0xb3: {  	_ =	task.clear_ibuf [dreg:s8], $0x6FFFF;
	_ =	strace $0x9000004C  }
0xb4: {  	s29 =	simm.s32 $0x9;
	_ =	strace $0x8000004E  }
0xb5: {  	_ =	swait.ge [sflag:s29], $0x1  }
0xb6: {  	[sflag:s29] =	ssyncadd.s32 $0xFFFFFFFF  }
0xb7: {  	_ =	strace $0x9000004E  }
0xb8: {  	_ =	sfence  }
0xb9: {  	s30 =	sld [smem:$0x0];
	_ =	sdelay $0x2  }
0xba: {  	s31 =	sshll.u32 s1, $0xD;
	s1 =	sshrl.u32 s1, $0x2  }
0xbb: {  	s3 =	sand.u32 $0x4000, s31;
	s1 =	sadd.s32 s1, s30  }
0xbc: {  	s0 =	sor.u32 s3, s0;
	s1 =	sshll.u32 s1, $0x11  }
0xbd: {  	s0 =	sor.u32 s1, s0  }
0xbe: {  	s0 =	sadd.s32 $0x8F2B, s0  }
0xbf: {  	[sflag:s0] =	ssyncadd.remote.s32 $0x1  }
0xc0: {  	_ =	sfence.sel $0xFFFF  }
0xc1: {  	[dreg:$0x0] =	wrdreg $0xFFFFFFFF;
	(pc) =	sbr.abs _section_cstart, $3  }
0xc2: {  	[dreg:$0x1] =	wrdreg $0xFFFFFFFF  }
0xc3: {  	_ =	task.clear_ibuf [dreg:s8], $0x2FFFF;
	_ =	strace $0x9FFFFFFF  }
0xc4: {  	(tm) =	ssettm $0x7FFFFFFF  }
0xc5: {  	_ =	shalt  }
tec
execute0_lowered:
.L_overlay_start_1:
0x0: {  	(tag) =	ssettag $0x1  }
0x1: {  	s0 =	srdreg.scid;
	s1 =	rddreg [dreg:$0x0]  }
0x2: {  	s2 =	rddreg [dreg:$0x1];
	s5 =	stileid.u32  }
0x3: {  	s3 =	rddreg [dreg:$0x2];
	s13 =	simm.s32 $0x18000;
	s14 =	simm.s32 $0x7  }
0x4: {  	s15 =	simm.s32 $0x80;
	s18 =	simm.s32 $0x18080;
	s19 =	simm.s32 $0xC000  }
0x5: {  	s20 =	simm.s32 $0x1;
	s21 =	simm.s32 $0x3;
	s22 =	simm.s32 $0x10000  }
0x6: {  	s23 =	simm.s32 $0x2;
	s24 =	simm.s32 $0x4;
	s0 =	sand.u32 $0x1, s0  }
0x7: {  	s25 =	simm.s32 $0x14000;
	s28 =	simm.s32 $0x6;
	s4 =	sshll.u32 s0, $0x4  }
0x8: {  	s29 =	simm.s32 $0x0;
	s0 =	ssub.s32 $0x2, s0;
	s7 =	sor.u32 s5, s4  }
0x9: {  	s4 =	simm.s32 $0x0;
	s26 =	sshrl.u32 s0, $0x1;
	s5 =	smul.u32 $0x500, s7  }
0xa: {  	[smem:$0x7FF] =	sst s4;
	s6 =	smul.u32 $0x4E, s7;
	s8 =	smax.u32 s7, $0x1C  }
0xb: {  	p0 =	sgt.u32 s7, $0x1B;
	s7 =	simm.s32 $0x4F;
	s0 =	ssub.s32 s0, s26  }
.Ltmp0:
0xc: {  	s26 =	simm.s32 $0x5;
	s6 =	sadd.s32 s6, s8;
	(pc) =	sbr.rel .LBB2_1-.Ltmp0, $4  }
0xd: {  	_ =	strace $0x8000004D;
	s7 =	simm.s32 @!p0 $0x4E;
	s6 =	sadd.s32 $0xFFFFFFE4, s6  }
0xe: {  	s12 =	smax.u32 s0, $0x1;
	s9 =	sadd.s32 s5, s2;
	s30 =	sshll.u32 s6, $0xB  }
0xf: {  	s5 =	sadd.s32 $0xB800, s2;
	s31 =	sadd.s32 $0x1, s7;
	s8 =	sadd.s32 s1, s30  }
0x10: {  	s9 =	sadd.s32 $0x1800, s9;
	s11 =	sshrl.u32 s31, $0x1;
	s10 =	sadd.s32 $0x800, s8  }
.LBB2_11:
0x11: {  	s29 =	sadd.s32 $0x1, s29  }
0x12: {  	_ =	swait.ge [sflag:s26], $0x4000;
	p0 =	sne.s32 s29, s12  }
.Ltmp1:
0x13: {  	[sflag:s26] =	ssyncset.done $0x0;
	(pc) =	sbr.rel @!p0 .LBB2_12-.Ltmp1, $4  }
0x14: {  	[sflag:s26] =	ssyncadd.s32 $0xFFFFC000  }
0x15: {  	_ =	swait.ge [sflag:s28], $0x4000  }
0x16: {  	[sflag:s28] =	ssyncset.done $0x0  }
0x17: {  	[sflag:s28] =	ssyncadd.s32 $0xFFFFC000  }
.LBB2_1:
0x18: {  	[tilespmem:s13], [sflag:$0x7] =	stream.linear.gather [hbm4b:s9+s4], $0x2800, $0x38;
	[tilespmem:$0x1A800] =	vst v63  }
0x19: {  	_ =	swait.ge [sflag:s14], $0x2800  }
0x1a: {  	[sflag:s14] =	ssyncset.done $0x0  }
0x1b: {  	[sflag:s14] =	ssyncadd.s32 $0xFFFFD800  }
0x1c: {  	[tilespmem:s4], [sflag:$0x1] =	stream.linear.gather [hbm4b:s8+s4], $0x4000, $0x38;
	[tilespmem:$0x1A800] =	vst v63  }
0x1d: {  	s0 =	simm.s32 $0x8000  }
0x1e: {  	[tilespmem:s0], [sflag:$0x3] =	stream.indirect.gather [hbm4b:s5+s15], $0x80, s13, s15, $0xb8;
	[tilespmem:$0x1A800] =	vst v63  }
.Ltmp2:
0x1f: {  	_ = 	snop;
	(pc) =	sbr.rel .LBB2_2-.Ltmp2, $4  }
0x20: {  	s31 =	simm.s32 $0x4000  }
0x21: {  	[tilespmem:s31], [sflag:$0x2] =	stream.linear.gather [hbm4b:s10+s4], $0x4000, $0x38;
	[tilespmem:$0x1A800] =	vst v63  }
0x22: {  	s30 =	simm.s32 $0x0  }
0x23: {  	[tilespmem:s19], [sflag:$0x4] =	stream.indirect.gather [hbm4b:s5+s15], $0x80, s18, s15, $0xb8;
	[tilespmem:$0x1A800] =	vst v63  }
.LBB2_10:
0x24: {  	s30 =	sadd.s32 $0x1, s30  }
0x25: {  	p0 =	sne.s32 s30, s11  }
.Ltmp3:
0x26: {  	_ = 	snop;
	(pc) =	sbr.rel @!p0 .LBB2_11-.Ltmp3, $1  }
0x27: {  	_ =	sdelay $0x3  }
.LBB2_2:
0x28: {  	s31 =	sshll.u32 s30, $0x1  }
0x29: {  	p1 =	sge.u32 s31, s7  }
.Ltmp4:
0x2a: {  	_ = 	snop;
	(pc) =	sbr.rel @p1 .LBB2_6-.Ltmp4, $2  }
0x2b: {  	_ =	sdelay $0x2  }
0x2c: {  	p0 =	seq.s32 s30, $0x0  }
0x2d: {  	s0 =	simm.s32 @!p0 $0x5  }
0x2e: {  	_ =	swait.ge @!p0 [sflag:s0], $0x4000  }
0x2f: {  	[sflag:s0] =	ssyncset.done @!p0 $0x0  }
0x30: {  	[sflag:s0] =	ssyncadd.s32 @!p0 $0xFFFFC000  }
0x31: {  	_ =	swait.ge [sflag:s20], $0x4000  }
0x32: {  	[sflag:s20] =	ssyncset.done $0x0  }
0x33: {  	[sflag:s20] =	ssyncadd.s32 $0xFFFFC000  }
0x34: {  	_ =	swait.ge [sflag:s21], $0x4000  }
0x35: {  	[sflag:s21] =	ssyncset.done $0x0  }
0x36: {  	s2 =	simm.s32 $0x0;
	[sflag:s21] =	ssyncadd.s32 $0xFFFFC000  }
0x37: {  	v0 =	vld [tilespmem:s2+$0x70]  }
0x38: {  	v1 =	vld [tilespmem:s2+$0x8070]  }
0x39: {  	v2 =	vld [tilespmem:s2+$0x0]  }
0x3a: {  	v3 =	vld [tilespmem:s2+$0x8000]  }
0x3b: {  	v4 =	vld [tilespmem:s2+$0x10]  }
0x3c: {  	v5 =	vld [tilespmem:s2+$0x8010]  }
0x3d: {  	v6 =	vld [tilespmem:s2+$0x20]  }
0x3e: {  	v7 =	vld [tilespmem:s2+$0x30]  }
0x3f: {  	v0 =	vmul.f32 v1, v0;
	v1 =	vld [tilespmem:s2+$0x8020]  }
0x40: {  	v8 =	vld [tilespmem:s2+$0x8030]  }
0x41: {  	v9 =	vld [tilespmem:s2+$0x8040];
	v2 =	vmul.f32 v3, v2  }
0x42: {  	[tilespmem:s2+$0x10070] =	vst v0;
	v0 =	vmul.f32 v5, v4;
	v5 =	vld [tilespmem:s2+$0x40]  }
0x43: {  	v3 =	vld [tilespmem:s2+$0x8050];
	[tilespmem:s2+$0x10000] =	vst v2  }
0x44: {  	v2 =	vld [tilespmem:s2+$0x50];
	[tilespmem:s2+$0x10010] =	vst v0;
	v0 =	vmul.f32 v1, v6  }
0x45: {  	v4 =	vld [tilespmem:s2+$0x8060];
	v6 =	vmul.f32 v8, v7  }
0x46: {  	s0 =	simm.s32 $0x80;
	[tilespmem:s2+$0x10020] =	vst v0;
	v0 =	vld [tilespmem:s2+$0x60]  }
0x47: {  	s16 =	simm.s32 $0x400;
	v5 =	vmul.f32 v9, v5;
	v1 =	vld [tilespmem:s0+$0x70];
	[tilespmem:s2+$0x10030] =	vst v6  }
.LBB2_4:
0x48: {  	p1 =	sne.s32 s16, $0xFE00;
	v6 =	vld [tilespmem:s0+$0x8070]  }
0x49: {  	v7 =	vld [tilespmem:s0+$0x0];
	[tilespmem:s2+$0x10040] =	vst v5;
	v2 =	vmul.f32 v3, v2  }
0x4a: {  	v3 =	vld [tilespmem:s0+$0x8000]  }
0x4b: {  	v5 =	vld [tilespmem:s0+$0x10];
	[tilespmem:s2+$0x10050] =	vst v2;
	v0 =	vmul.f32 v4, v0  }
0x4c: {  	v2 =	vld [tilespmem:s0+$0x8010]  }
0x4d: {  	v4 =	vld [tilespmem:s0+$0x20];
	v1 =	vmul.f32 v6, v1;
	[tilespmem:s2+$0x10060] =	vst v0;
	s2 =	smov.u32 s0  }
0x4e: {  	v0 =	vld [tilespmem:s2+$0x8020]  }
0x4f: {  	v3 =	vmul.f32 v3, v7;
	v6 =	vld [tilespmem:s2+$0x30];
	[tilespmem:s2+$0x10070] =	vst v1  }
0x50: {  	v1 =	vld [tilespmem:s2+$0x8030]  }
0x51: {  	[tilespmem:s2+$0x10000] =	vst v3;
	v2 =	vmul.f32 v2, v5;
	v5 =	vld [tilespmem:s2+$0x40]  }
0x52: {  	v7 =	vld [tilespmem:s2+$0x8040]  }
.Ltmp5:
0x53: {  	[tilespmem:s2+$0x10010] =	vst v2;
	v0 =	vmul.f32 v0, v4;
	v2 =	vld [tilespmem:s2+$0x50];
	(pc) =	sbr.rel @p1 .LBB2_4-.Ltmp5, $4  }
0x54: {  	v3 =	vld [tilespmem:s2+$0x8050]  }
0x55: {  	[tilespmem:s2+$0x10020] =	vst v0;
	v6 =	vmul.f32 v1, v6;
	v0 =	vld [tilespmem:s2+$0x60]  }
0x56: {  	s0 =	sshra.s32 s16, $0x2;
	v4 =	vld [tilespmem:s2+$0x8060]  }
0x57: {  	s16 =	sadd.s32 $0x200, s16;
	v1 =	vld [tilespmem:s0+$0x70];
	[tilespmem:s2+$0x10030] =	vst v6;
	v5 =	vmul.f32 v7, v5  }
0x58: {  	v6 =	vld [tilespmem:s0+$0x8070]  }
0x59: {  	v7 =	vld [tilespmem:s0+$0x0];
	[tilespmem:s2+$0x10040] =	vst v5;
	v2 =	vmul.f32 v3, v2  }
0x5a: {  	v51 =	vld [tilespmem:s0+$0x8000]  }
0x5b: {  	v5 =	vld [tilespmem:s0+$0x10];
	[tilespmem:s2+$0x10050] =	vst v2;
	v0 =	vmul.f32 v4, v0  }
0x5c: {  	v2 =	vld [tilespmem:s0+$0x8010]  }
0x5d: {  	v52 =	vld [tilespmem:s0+$0x20];
	[tilespmem:s2+$0x10060] =	vst v0  }
0x5e: {  	v54 =	vld [tilespmem:s0+$0x8020]  }
0x5f: {  	v55 =	vld [tilespmem:s0+$0x30]  }
0x60: {  	v56 =	vld [tilespmem:s0+$0x8030]  }
0x61: {  	v57 =	vld [tilespmem:s0+$0x40]  }
0x62: {  	v58 =	vld [tilespmem:s0+$0x8040]  }
0x63: {  	v59 =	vld [tilespmem:s0+$0x50]  }
0x64: {  	v53 =	vmul.f32 v6, v1;
	v60 =	vld [tilespmem:s0+$0x8050]  }
0x65: {  	v61 =	vld [tilespmem:s0+$0x60];
	v3 =	vmul.f32 v51, v7  }
0x66: {  	v62 =	vld [tilespmem:s0+$0x8060];
	[tilespmem:s0+$0x10070] =	vst v53;
	v2 =	vmul.f32 v2, v5  }
0x67: {  	[tilespmem:s0+$0x10000] =	vst v3;
	v1 =	vmul.f32 v54, v52  }
0x68: {  	[tilespmem:s0+$0x10010] =	vst v2;
	v0 =	vmul.f32 v56, v55  }
0x69: {  	v3 =	vmul.f32 v58, v57;
	[tilespmem:s0+$0x10020] =	vst v1  }
0x6a: {  	s16 =	sadd.s32 s6, s31;
	v63 =	vmul.f32 v60, v59;
	[tilespmem:s0+$0x10030] =	vst v0  }
0x6b: {  	s2 =	sshll.u32 s16, $0xB;
	[tilespmem:s0+$0x10040] =	vst v3;
	v1 =	vmul.f32 v62, v61  }
0x6c: {  	s2 =	sand.u32 $0x1FFFF800, s2;
	[tilespmem:s0+$0x10050] =	vst v63  }
0x6d: {  	s17 =	sadd.s32 s3, s2;
	[tilespmem:s0+$0x10060] =	vst v1;
	s0 =	sadd.s32 $0x2, s31  }
0x6e: {  	[hbm4b:s17+s4] =	stream.linear.scatter [tilespmem:s22], [sflag:$0x5], $0x4000, $0x38;
	[tilespmem:$0x1A800] =	vst v63  }
0x6f: {  	p1 =	sge.u32 s0, s7  }
0x70: {  	s2 =	sadd.s32 @!p1 s6, s0  }
0x71: {  	s2 =	sshll.u32 @!p1 s2, $0xB  }
0x72: {  	s0 =	sshll.u32 @!p1 s0, $0x7;
	s2 =	sand.u32 @!p1 $0x1FFFF800, s2  }
0x73: {  	s16 =	simm.s32 @!p1 $0x0;
	s0 =	sand.u32 @!p1 $0x3FFFFF80, s0;
	s2 =	sadd.s32 @!p1 s1, s2  }
0x74: {  	[tilespmem:s16], [sflag:$0x1] =	stream.linear.gather @!p1 [hbm4b:s2+s16], $0x4000, $0x38;
	[tilespmem:$0x1A800] =	vst v63  }
0x75: {  	s0 =	sadd.s32 @!p1 $0x18000, s0;
	s2 =	simm.s32 @!p1 $0x80;
	s16 =	simm.s32 @!p1 $0x8000  }
0x76: {  	[tilespmem:s16], [sflag:$0x3] =	stream.indirect.gather @!p1 [hbm4b:s5+s2], $0x80, s0, s2, $0xb8;
	[tilespmem:$0x1A800] =	vst v63  }
.LBB2_6:
0x77: {  	s2 =	sor.u32 $0x1, s31  }
0x78: {  	p1 =	sge.u32 s2, s7  }
.Ltmp6:
0x79: {  	_ = 	snop;
	(pc) =	sbr.rel @p1 .LBB2_10-.Ltmp6, $1  }
0x7a: {  	_ =	sdelay $0x3  }
0x7b: {  	s0 =	simm.s32 @!p0 $0x6  }
0x7c: {  	_ =	swait.ge @!p0 [sflag:s0], $0x4000  }
0x7d: {  	[sflag:s0] =	ssyncset.done @!p0 $0x0  }
0x7e: {  	[sflag:s0] =	ssyncadd.s32 @!p0 $0xFFFFC000  }
0x7f: {  	_ =	swait.ge [sflag:s23], $0x4000  }
0x80: {  	[sflag:s23] =	ssyncset.done $0x0  }
0x81: {  	[sflag:s23] =	ssyncadd.s32 $0xFFFFC000  }
0x82: {  	_ =	swait.ge [sflag:s24], $0x4000  }
0x83: {  	[sflag:s24] =	ssyncset.done $0x0  }
0x84: {  	s0 =	simm.s32 $0x0;
	[sflag:s24] =	ssyncadd.s32 $0xFFFFC000  }
0x85: {  	v0 =	vld [tilespmem:s0+$0x4070]  }
0x86: {  	v1 =	vld [tilespmem:s0+$0xC070]  }
0x87: {  	v2 =	vld [tilespmem:s0+$0x4000]  }
0x88: {  	v3 =	vld [tilespmem:s0+$0xC000]  }
0x89: {  	v4 =	vld [tilespmem:s0+$0x4010]  }
0x8a: {  	v5 =	vld [tilespmem:s0+$0xC010]  }
0x8b: {  	v6 =	vld [tilespmem:s0+$0x4020]  }
0x8c: {  	v7 =	vld [tilespmem:s0+$0x4030]  }
0x8d: {  	v0 =	vmul.f32 v1, v0;
	v1 =	vld [tilespmem:s0+$0xC020]  }
0x8e: {  	v8 =	vld [tilespmem:s0+$0xC030]  }
0x8f: {  	v9 =	vld [tilespmem:s0+$0xC040];
	v2 =	vmul.f32 v3, v2  }
0x90: {  	[tilespmem:s0+$0x14070] =	vst v0;
	v0 =	vmul.f32 v5, v4;
	v5 =	vld [tilespmem:s0+$0x4040]  }
0x91: {  	v3 =	vld [tilespmem:s0+$0xC050];
	[tilespmem:s0+$0x14000] =	vst v2  }
0x92: {  	v2 =	vld [tilespmem:s0+$0x4050];
	[tilespmem:s0+$0x14010] =	vst v0;
	v0 =	vmul.f32 v1, v6  }
0x93: {  	v4 =	vld [tilespmem:s0+$0xC060];
	v6 =	vmul.f32 v8, v7  }
0x94: {  	s16 =	simm.s32 $0x80;
	[tilespmem:s0+$0x14020] =	vst v0;
	v0 =	vld [tilespmem:s0+$0x4060]  }
0x95: {  	s17 =	simm.s32 $0x400;
	v5 =	vmul.f32 v9, v5;
	v1 =	vld [tilespmem:s16+$0x4070];
	[tilespmem:s0+$0x14030] =	vst v6  }
.LBB2_8:
0x96: {  	p0 =	sne.s32 s17, $0xFE00;
	v6 =	vld [tilespmem:s16+$0xC070]  }
0x97: {  	v7 =	vld [tilespmem:s16+$0x4000];
	[tilespmem:s0+$0x14040] =	vst v5;
	v2 =	vmul.f32 v3, v2  }
0x98: {  	v3 =	vld [tilespmem:s16+$0xC000]  }
0x99: {  	v5 =	vld [tilespmem:s16+$0x4010];
	[tilespmem:s0+$0x14050] =	vst v2;
	v0 =	vmul.f32 v4, v0  }
0x9a: {  	v2 =	vld [tilespmem:s16+$0xC010]  }
0x9b: {  	v4 =	vld [tilespmem:s16+$0x4020];
	v1 =	vmul.f32 v6, v1;
	[tilespmem:s0+$0x14060] =	vst v0;
	s0 =	smov.u32 s16  }
0x9c: {  	v0 =	vld [tilespmem:s0+$0xC020]  }
0x9d: {  	v3 =	vmul.f32 v3, v7;
	v6 =	vld [tilespmem:s0+$0x4030];
	[tilespmem:s0+$0x14070] =	vst v1  }
0x9e: {  	v1 =	vld [tilespmem:s0+$0xC030]  }
0x9f: {  	[tilespmem:s0+$0x14000] =	vst v3;
	v2 =	vmul.f32 v2, v5;
	v5 =	vld [tilespmem:s0+$0x4040]  }
0xa0: {  	v7 =	vld [tilespmem:s0+$0xC040]  }
.Ltmp7:
0xa1: {  	[tilespmem:s0+$0x14010] =	vst v2;
	v0 =	vmul.f32 v0, v4;
	v2 =	vld [tilespmem:s0+$0x4050];
	(pc) =	sbr.rel @p0 .LBB2_8-.Ltmp7, $4  }
0xa2: {  	v3 =	vld [tilespmem:s0+$0xC050]  }
0xa3: {  	[tilespmem:s0+$0x14020] =	vst v0;
	v6 =	vmul.f32 v1, v6;
	v0 =	vld [tilespmem:s0+$0x4060]  }
0xa4: {  	s16 =	sshra.s32 s17, $0x2;
	v4 =	vld [tilespmem:s0+$0xC060]  }
0xa5: {  	s17 =	sadd.s32 $0x200, s17;
	v1 =	vld [tilespmem:s16+$0x4070];
	[tilespmem:s0+$0x14030] =	vst v6;
	v5 =	vmul.f32 v7, v5  }
0xa6: {  	v6 =	vld [tilespmem:s16+$0xC070]  }
0xa7: {  	v7 =	vld [tilespmem:s16+$0x4000];
	[tilespmem:s0+$0x14040] =	vst v5;
	v2 =	vmul.f32 v3, v2  }
0xa8: {  	v51 =	vld [tilespmem:s16+$0xC000]  }
0xa9: {  	v5 =	vld [tilespmem:s16+$0x4010];
	[tilespmem:s0+$0x14050] =	vst v2;
	v0 =	vmul.f32 v4, v0  }
0xaa: {  	v2 =	vld [tilespmem:s16+$0xC010]  }
0xab: {  	v52 =	vld [tilespmem:s16+$0x4020];
	[tilespmem:s0+$0x14060] =	vst v0  }
0xac: {  	v54 =	vld [tilespmem:s16+$0xC020]  }
0xad: {  	v55 =	vld [tilespmem:s16+$0x4030]  }
0xae: {  	v56 =	vld [tilespmem:s16+$0xC030]  }
0xaf: {  	v57 =	vld [tilespmem:s16+$0x4040]  }
0xb0: {  	v58 =	vld [tilespmem:s16+$0xC040]  }
0xb1: {  	v59 =	vld [tilespmem:s16+$0x4050]  }
0xb2: {  	v53 =	vmul.f32 v6, v1;
	v60 =	vld [tilespmem:s16+$0xC050]  }
0xb3: {  	v61 =	vld [tilespmem:s16+$0x4060];
	v3 =	vmul.f32 v51, v7  }
0xb4: {  	v62 =	vld [tilespmem:s16+$0xC060];
	[tilespmem:s16+$0x14070] =	vst v53;
	v2 =	vmul.f32 v2, v5  }
0xb5: {  	[tilespmem:s16+$0x14000] =	vst v3;
	v1 =	vmul.f32 v54, v52  }
0xb6: {  	[tilespmem:s16+$0x14010] =	vst v2;
	v0 =	vmul.f32 v56, v55  }
0xb7: {  	v3 =	vmul.f32 v58, v57;
	[tilespmem:s16+$0x14020] =	vst v1  }
0xb8: {  	s17 =	sadd.s32 s6, s2;
	v63 =	vmul.f32 v60, v59;
	[tilespmem:s16+$0x14030] =	vst v0  }
0xb9: {  	s0 =	sshll.u32 s17, $0xB;
	[tilespmem:s16+$0x14040] =	vst v3;
	v1 =	vmul.f32 v62, v61  }
0xba: {  	s0 =	sand.u32 $0x1FFFF800, s0;
	[tilespmem:s16+$0x14050] =	vst v63  }
0xbb: {  	s0 =	sadd.s32 s3, s0;
	[tilespmem:s16+$0x14060] =	vst v1  }
0xbc: {  	[hbm4b:s0+s4] =	stream.linear.scatter [tilespmem:s25], [sflag:$0x6], $0x4000, $0x38;
	[tilespmem:$0x1A800] =	vst v63  }
0xbd: {  	s0 =	sadd.s32 $0x3, s31  }
0xbe: {  	p0 =	sge.u32 s0, s7  }
0xbf: {  	s2 =	sadd.s32 @!p0 s6, s0  }
0xc0: {  	s16 =	simm.s32 @!p0 $0x0;
	s2 =	sshll.u32 @!p0 s2, $0xB  }
.Ltmp8:
0xc1: {  	s0 =	sshll.u32 @!p0 s0, $0x7;
	s2 =	sand.u32 @!p0 $0x1FFFF800, s2;
	(pc) =	sbr.rel .LBB2_10-.Ltmp8, $4  }
0xc2: {  	s17 =	simm.s32 @!p0 $0x4000;
	s0 =	sand.u32 @!p0 $0x3FFFFF80, s0;
	s2 =	sadd.s32 @!p0 s1, s2  }
0xc3: {  	[tilespmem:s17], [sflag:$0x2] =	stream.linear.gather @!p0 [hbm4b:s2+s16], $0x4000, $0x38;
	[tilespmem:$0x1A800] =	vst v63  }
0xc4: {  	s0 =	sadd.s32 @!p0 $0x18000, s0;
	s2 =	simm.s32 @!p0 $0x80;
	s16 =	simm.s32 @!p0 $0xC000  }
0xc5: {  	[tilespmem:s16], [sflag:$0x4] =	stream.indirect.gather @!p0 [hbm4b:s5+s2], $0x80, s0, s2, $0xb8;
	[tilespmem:$0x1A800] =	vst v63  }
.LBB2_12:
0xc6: {  	_ =	sfence.sel $0x180000  }
0xc7: {  	[bflag:$0x0] =	sbarrier.arrive $0xFFFF  }
0xc8: {  	_ =	strace $0x9000004D  }
0xc9: {  	s0 =	stileid.u32;
	[bflag:$0x2] =	sbarrier.arrive $0xFFFF  }
0xca: {  	p0 =	sne.s32 s0, $0x0;
	s0 =	rddreg [dreg:$0x3]  }
0xcb: {  	s0 =	sadd.s32 @!p0 $0x100000, s0  }
0xcc: {  	[sflag:s0] =	ssyncadd.tile.s32 @!p0 $0x1;
	_ =	shalt  }
.Lfunc_end2:
_tile_overlayer_lowered:
.L_overlay_start_2:
0xcd: {  	(tag) =	ssettag $0x2  }
0xce: {  	s0 =	rddreg [dreg:$0x0];
	s2 =	stileid.u32  }
0xcf: {  	s1 =	rddreg [dreg:$0x1];
	p0 =	sne.s32 s2, $0x0  }
0xd0: {  	s3 =	rddreg [dreg:$0x2];
	[bflag:$0x3] =	sbarrier.arrive $0xFFFF;
	s2 =	simm.s32 @!p0 $0x1C07  }
0xd1: {  	[timem:s3], [sflag:s2] =	dma.local @!p0 [hbm:s0], s1  }
0xd2: {  	s0 =	simm.s32 @!p0 $0x7  }
0xd3: {  	_ =	swait.ge @!p0 [sflag:s0], s1  }
0xd4: {  	s1 =	ssub.s32 @!p0 $0x0, s1;
	[sflag:s0] =	ssyncset.done @!p0 $0x0  }
0xd5: {  	[sflag:s0] =	ssyncadd.s32 @!p0 s1  }
0xd6: {  	[bflag:$0x3] =	sbarrier.arrive $0xFFFF  }
0xd7: {  	_ =	shalt  }

// kernel: kernel.6.cloned.1.call-start
scs
__scs_entry_jumppad:
0x0: {  	(pc) =	sbr.rel $0x88, $3  }
0x1: {  	(tag) =	ssettag $0x0;
	lr =	simm.s32 $0x1  }
0x2: {  	[smem:$0x3F9D] =	sst lr;
	_ =	strace $0xD0000000  }
0x3: {  	_ = 	snop  }
0x4: {  	_ = 	snop  }
0x5: {  	_ = 	snop  }
0x6: {  	_ = 	snop  }
0x7: {  	_ = 	snop  }
__scs_overlays_trampoline_lowered:
0x8: {  	[smem:$0x3FAC] =	sst s0  }
0x9: {  	[smem:$0x3FAD] =	sst s1  }
0xa: {  	[smem:$0x3FAE] =	sst s2  }
0xb: {  	[smem:$0x3FAF] =	sst s3  }
0xc: {  	[smem:$0x3FB0] =	sst s4  }
0xd: {  	[smem:$0x3FB1] =	sst s5  }
0xe: {  	[smem:$0x3FB2] =	sst s6  }
0xf: {  	[smem:$0x3FB3] =	sst s7  }
0x10: {  	[smem:$0x3FB4] =	sst s8  }
0x11: {  	[smem:$0x3FB5] =	sst s9;
	s0 =	simm.s32 @!p0 $0x0  }
0x12: {  	s1 =	sld [smem:$0x3F9B];
	s0 =	simm.s32 @p0 $0x1  }
0x13: {  	[smem:$0x3FB6] =	sst s0;
	s0 =	simm.s32 @!p1 $0x0  }
0x14: {  	s2 =	sld [smem:$0x3F9A];
	s0 =	simm.s32 @p1 $0x1  }
0x15: {  	[smem:$0x3FB7] =	sst s0;
	s0 =	simm.s32 @!p2 $0x0  }
0x16: {  	s3 =	sld [smem:$0x3FDB];
	s0 =	simm.s32 @p2 $0x1  }
0x17: {  	s4 =	simm.s32 $0x1BF5;
	[smem:$0x3FB9] =	sst s0  }
0x18: {  	s0 =	sld [smem:$0x3F9C];
	_ =	swait.ge [sflag:s4], $0x0  }
0x19: {  	s7 =	sld [smem:$0x3F9D]  }
0x1a: {  	s8 =	sadd.s32 $0xFFFFE003, lr  }
0x1b: {  	s9 =	sadd.s32 $0xFFFFFEF7, lr;
	s5 =	simm.s32 $0xFFFFFFFF;
	p2 =	slt.u32 s8, $0xFFFFF086  }
0x1c: {  	p1 =	slt.u32 s9, $0xF7A;
	s5 =	simm.s32 @!p2 $0x0  }
0x1d: {  	s5 =	simm.s32 @p1 $0x1;
	p0 =	seq.s32 s7, s2  }
0x1e: {  	s7 =	smul.u32 @!p0 $0xF7A, s2;
	p2 =	seq.s32 @!p0 s5, $0x0  }
0x1f: {  	s9 =	smul.u32 $0xF7A, s1;
	s8 =	simm.s32 @!p0 $0x1BF5;
	p2 =	por !p2, p0  }
0x20: {  	[sflag:s8] =	ssyncset.s32 @!p0 $0xFFFFF086;
	s6 =	sadd.s32 @!p0 s3, s7;
	s7 =	simm.s32 @!p0 $0x108  }
0x21: {  	s3 =	sadd.s32 s3, s9;
	s6 =	sadd.s32 @!p0 $0x88, s6;
	s7 =	simm.s32 @p2 $0x1082  }
0x22: {  	[simem:s7], [sflag:s8] =	dma.local @!p0 [hbm:s6], $0xF7A  }
0x23: {  	s9 =	sor.u32 $0xD0000000, s2;
	s6 =	simm.s32 $0x108;
	_ =	swait.ge @!p0 [sflag:s8], $0x0  }
0x24: {  	s3 =	sadd.s32 $0x88, s3;
	s6 =	simm.s32 @!p1 $0x1082;
	[sflag:s4] =	ssyncset.s32 $0xFFFFF086  }
0x25: {  	[simem:s6], [sflag:s4] =	dma.local [hbm:s3], $0xF7A  }
0x26: {  	[smem:$0x3F9D] =	sst s1;
	(tag) =	ssettag s2;
	_ =	strace s9  }
0x27: {  	s1 =	sld [smem:$0x3FAD]  }
0x28: {  	s2 =	sld [smem:$0x3FAE]  }
0x29: {  	s4 =	sld [smem:$0x3FB0]  }
0x2a: {  	p0 =	seq.s32 s5, $0x0;
	s5 =	sld [smem:$0x3FB1]  }
0x2b: {  	s6 =	sld [smem:$0x3FB2]  }
0x2c: {  	s7 =	sld [smem:$0x3FB3]  }
0x2d: {  	s3 =	simm.s32 $0x108;
	s8 =	sld [smem:$0x3FB4]  }
0x2e: {  	s3 =	simm.s32 @!p0 $0x1082;
	s9 =	sld [smem:$0x3FB5]  }
0x2f: {  	lr =	sadd.s32 s0, s3;
	s0 =	sld [smem:$0x3FAC]  }
0x30: {  	s3 =	sld [smem:$0x3FAF]  }
0x31: {  	[smem:$0x3FB8] =	sst s10  }
0x32: {  	s10 =	sld [smem:$0x3FB6];
	_ =	sdelay $0x3  }
0x33: {  	p0 =	seq.s32 s10, $0x1;
	s10 =	sld [smem:$0x3FB8];
	_ =	sdelay $0x3  }
0x34: {  	[smem:$0x3FB8] =	sst s10  }
0x35: {  	s10 =	sld [smem:$0x3FB7];
	_ =	sdelay $0x3  }
0x36: {  	p1 =	seq.s32 s10, $0x1;
	s10 =	sld [smem:$0x3FB8];
	_ =	sdelay $0x3  }
0x37: {  	[smem:$0x3FB8] =	sst s10  }
0x38: {  	s10 =	sld [smem:$0x3FB9]  }
0x39: {  	_ = 	snop;
	(pc) =	sbr.ind lr, $3  }
0x3a: {  	_ = 	snop  }
0x3b: {  	_ = 	snop  }
0x3c: {  	p2 =	seq.s32 s10, $0x1;
	s10 =	sld [smem:$0x3FB8]  }
0x3d: {  	_ =	shalt  }
0x3e: {  	_ =	shalt  }
0x3f: {  	_ =	shalt  }
0x40: {  	_ =	shalt  }
0x41: {  	_ =	shalt  }
0x42: {  	_ =	shalt  }
0x43: {  	_ =	shalt  }
0x44: {  	_ =	shalt  }
0x45: {  	_ =	shalt  }
0x46: {  	_ =	shalt  }
0x47: {  	_ =	shalt  }
0x48: {  	_ =	shalt  }
0x49: {  	_ =	shalt  }
0x4a: {  	_ =	shalt  }
0x4b: {  	_ =	shalt  }
0x4c: {  	_ =	shalt  }
0x4d: {  	_ =	shalt  }
0x4e: {  	_ =	shalt  }
0x4f: {  	_ =	shalt  }
0x50: {  	_ =	shalt  }
0x51: {  	_ =	shalt  }
0x52: {  	_ =	shalt  }
0x53: {  	_ =	shalt  }
0x54: {  	_ =	shalt  }
0x55: {  	_ =	shalt  }
0x56: {  	_ =	shalt  }
0x57: {  	_ =	shalt  }
0x58: {  	_ =	shalt  }
0x59: {  	_ =	shalt  }
0x5a: {  	_ =	shalt  }
0x5b: {  	_ =	shalt  }
0x5c: {  	_ =	shalt  }
0x5d: {  	_ =	shalt  }
0x5e: {  	_ =	shalt  }
0x5f: {  	_ =	shalt  }
0x60: {  	_ =	shalt  }
0x61: {  	_ =	shalt  }
0x62: {  	_ =	shalt  }
0x63: {  	_ =	shalt  }
0x64: {  	_ =	shalt  }
0x65: {  	_ =	shalt  }
0x66: {  	_ =	shalt  }
0x67: {  	_ =	shalt  }
0x68: {  	_ =	shalt  }
0x69: {  	_ =	shalt  }
0x6a: {  	_ =	shalt  }
0x6b: {  	_ =	shalt  }
0x6c: {  	_ =	shalt  }
0x6d: {  	_ =	shalt  }
0x6e: {  	_ =	shalt  }
0x6f: {  	_ =	shalt  }
0x70: {  	_ =	shalt  }
0x71: {  	_ =	shalt  }
0x72: {  	_ =	shalt  }
0x73: {  	_ =	shalt  }
0x74: {  	_ =	shalt  }
0x75: {  	_ =	shalt  }
0x76: {  	_ =	shalt  }
0x77: {  	_ =	shalt  }
0x78: {  	_ =	shalt  }
0x79: {  	_ =	shalt  }
0x7a: {  	_ =	shalt  }
0x7b: {  	_ =	shalt  }
0x7c: {  	_ =	shalt  }
0x7d: {  	_ =	shalt  }
0x7e: {  	_ =	shalt  }
0x7f: {  	_ =	shalt  }
0x80: {  	_ =	shalt  }
0x81: {  	_ =	shalt  }
0x82: {  	_ =	shalt  }
0x83: {  	_ =	shalt  }
0x84: {  	_ =	shalt  }
0x85: {  	_ =	shalt  }
0x86: {  	_ =	shalt  }
0x87: {  	_ =	shalt  }
.Lfunc_end0:
.L_simem_size_0:
called_computation_lowered:
.L_overlay_start_0:
0x88: {  	s2 =	sld [smem:$0x3FD9]  }
0x89: {  	s3 =	sld [smem:$0x3FFE];
	_ =	sdelay $0x1  }
0x8a: {  	s1 =	srdreg.scid  }
0x8b: {  	s0 =	sand.u32 $0x1, s1  }
0x8c: {  	s17 =	sshll.u32 s0, $0xA;
	s2 =	sadd.s32 s3, s2  }
0x8d: {  	s2 =	sadd.s32 s2, s17  }
0x8e: {  	[smem:$0x3FC4] =	sst s2  }
0x8f: {  	_ = 	snop  }
0x90: {  	s18 =	sld [smem:$0x3FC9];
	(tm) =	ssettm $0x1  }
0x91: {  	s19 =	sld [smem:$0x3FFB];
	_ =	sdelay $0x3  }
0x92: {  	_ =	strace s19  }
0x93: {  	s2 =	sld [smem:$0x3FFC];
	_ =	sdelay $0x3  }
0x94: {  	_ =	strace s2  }
0x95: {  	s2 =	sld [smem:$0x3FFD];
	_ =	sdelay $0x3  }
0x96: {  	_ =	strace s2  }
0x97: {  	_ =	strace $0x8FFFFFFF  }
0x98: {  	s20 =	sld [smem:$0x3FDB];
	_ =	sdelay $0x1  }
0x99: {  	s4 =	simm.s32 $_scs_section_size  }
0x9a: {  	s5 =	simm.s32 $_size__tile_overlayer_lowered;
	s6 =	simm.s32 $_tile_overlayer_lowered  }
0x9b: {  	s7 =	simm.s32 $0x1BFF;
	s21 =	sshll.u32 s6, $0x1;
	s4 =	sadd.s32 s4, s20  }
0x9c: {  	s22 =	simm.s32 $0x0;
	s5 =	sshll.u32 s5, $0x1;
	s6 =	sadd.s32 s21, s4  }
0x9d: {  	[timem:s22], [sflag:s7] =	dma.local [hbm:s6], s5  }
0x9e: {  	_ =	swait.ge [sflag:s7], s5  }
0x9f: {  	s5 =	ssub.s32 $0x0, s5;
	[sflag:s7] =	ssyncset.done $0x0  }
0xa0: {  	[sflag:s7] =	ssyncadd.s32 s5;
	_ =	sdelay $0x1  }
0xa1: {  	s23 =	simm.s32 $0x1B8B  }
0xa2: {  	_ =	swait.ge [sflag:s23], $0x1  }
0xa3: {  	[sflag:s23] =	ssyncset.done $0x0  }
0xa4: {  	[sflag:s23] =	ssyncadd.s32 $0xFFFFFFFF  }
0xa5: {  	s5 =	sld [smem:$0x0]  }
0xa6: {  	s6 =	sand.u32 $0xFFFFFFFE, s1  }
0xa7: {  	p0 =	sne.s32 s1, s6  }
0xa8: {  	s6 =	sshll.u32 @p0 s6, $0xE  }
0xa9: {  	s6 =	sadd.s32 @p0 $0x11B8D, s6;
	s7 =	sshll.u32 @p0 s5, $0x11  }
0xaa: {  	s6 =	sor.u32 @p0 s7, s6  }
0xab: {  	[sflag:s6] =	ssyncadd.remote.s32 @p0 $0x1;
	_ =	sdelay $0x1  }
0xac: {  	s6 =	simm.s32 @p0 $0x1B8D  }
0xad: {  	_ =	swait.eq @p0 [sflag:s6], $0x1  }
0xae: {  	[sflag:s6] =	ssyncadd.s32 @p0 $0xFFFFFFFF  }
0xaf: {  	s7 =	sshll.u32 @!p0 s1, $0xE  }
0xb0: {  	s7 =	sor.u32 @!p0 $0x4000, s7;
	s6 =	simm.s32 @!p0 $0x1B8D  }
0xb1: {  	s5 =	sshll.u32 @!p0 s5, $0x11;
	s7 =	sadd.s32 @!p0 $0x11B8D, s7;
	_ =	swait.eq @!p0 [sflag:s6], $0x1  }
0xb2: {  	s5 =	sor.u32 @!p0 s5, s7;
	[sflag:s6] =	ssyncadd.s32 @!p0 $0xFFFFFFFF  }
0xb3: {  	s25 =	simm.s32 $0x1B8E;
	s24 =	sld [smem:$0x3FFE];
	[sflag:s5] =	ssyncadd.remote.s32 @!p0 $0x1  }
0xb4: {  	s26 =	simm.s32 $execute0_lowered;
	[smem:$0x3FD2] =	sst s25  }
0xb5: {  	s6 =	sshll.u32 s26, $0x1;
	_ =	strace $0x80000049;
	[dreg:$0x1] =	wrdreg $0xFFFFFFFF  }
0xb6: {  	s28 =	simm.s32 $_size_execute0_lowered;
	s4 =	sadd.s32 s4, s6;
	[dreg:$0x0] =	wrdreg $0x0  }
0xb7: {  	s6 =	sshll.u32 s28, $0x1;
	[dreg:$0x2] =	wrdreg s4  }
0xb8: {  	[dreg:$0x3] =	wrdreg s6  }
0xb9: {  	[dreg:$0x4] =	wrdreg $0xC0  }
0xba: {  	_ =	task [dreg:s22], $0x5FFFF  }
0xbb: {  	[dreg:$0x1] =	wrdreg $0xFFFFFFFF  }
0xbc: {  	[dreg:$0x0] =	wrdreg $0x60  }
0xbd: {  	[dreg:$0x2] =	wrdreg s18  }
0xbe: {  	[dreg:$0x3] =	wrdreg s24  }
0xbf: {  	[dreg:$0x4] =	wrdreg $0xA8000  }
0xc0: {  	[dreg:$0x5] =	wrdreg $0x9  }
0xc1: {  	_ =	task.clear_ibuf [dreg:s22], $0x6FFFF;
	_ =	strace $0x90000049  }
0xc2: {  	s29 =	simm.s32 $0x9;
	_ =	strace $0x8000004B  }
0xc3: {  	_ =	swait.ge [sflag:s29], $0x1  }
0xc4: {  	[sflag:s29] =	ssyncadd.s32 $0xFFFFFFFF  }
0xc5: {  	_ =	strace $0x9000004B  }
0xc6: {  	_ =	sfence  }
0xc7: {  	s30 =	sld [smem:$0x0];
	_ =	sdelay $0x2  }
0xc8: {  	s31 =	sshll.u32 s1, $0xD;
	s1 =	sshrl.u32 s1, $0x2  }
0xc9: {  	s4 =	sand.u32 $0x4000, s31;
	s1 =	sadd.s32 s1, s30  }
0xca: {  	s0 =	sor.u32 s4, s0;
	s1 =	sshll.u32 s1, $0x11  }
0xcb: {  	s0 =	sor.u32 s1, s0  }
0xcc: {  	s0 =	sadd.s32 $0x8F2B, s0  }
0xcd: {  	[sflag:s0] =	ssyncadd.remote.s32 $0x1  }
0xce: {  	_ =	sfence.sel $0xFFFF  }
0xcf: {  	[dreg:$0x0] =	wrdreg $0xFFFFFFFF;
	(pc) =	sbr.abs _section_cstart, $3  }
0xd0: {  	[dreg:$0x1] =	wrdreg $0xFFFFFFFF  }
0xd1: {  	_ =	task.clear_ibuf [dreg:s22], $0x2FFFF;
	_ =	strace $0x9FFFFFFF  }
0xd2: {  	(tm) =	ssettm $0x7FFFFFFF  }
0xd3: {  	_ =	shalt  }
tec
execute0_lowered:
.L_overlay_start_1:
0x0: {  	(tag) =	ssettag $0x1  }
0x1: {  	s0 =	srdreg.scid  }
0x2: {  	s1 =	rddreg [dreg:$0x0];
	s8 =	sand.u32 $0x1, s0;
	s0 =	stileid.u32  }
0x3: {  	s5 =	rddreg [dreg:$0x1];
	s7 =	smul.u32 $0x13800, s0  }
0x4: {  	s3 =	rddreg [dreg:$0x2];
	s4 =	simm.s32 $0x0;
	s9 =	smul.u32 $0x138800, s8  }
0x5: {  	[smem:$0x7FF] =	sst s4;
	s24 =	smul.u32 $0x4E000, s0  }
0x6: {  	s2 =	sshll.u32 s8, $0x4;
	s12 =	ssub.s32 $0x2, s8;
	s29 =	smul.u32 $0x278000, s8  }
0x7: {  	s28 =	sshll.u32 s0, $0x6;
	s30 =	smul.u32 $0x27800, s0;
	s10 =	sor.u32 s0, s2  }
0x8: {  	s2 =	rddreg [dreg:$0x3];
	_ =	strace $0x8000004A;
	s14 =	sshrl.u32 s12, $0x1  }
0x9: {  	s6 =	smul.u32 $0x500, s10;
	s22 =	sshrl.u32 s7, $0x3;
	s7 =	sadd.s32 s7, s9  }
0xa: {  	s23 =	smul.u32 $0x4E, s10;
	s13 =	smax.u32 s10, $0x1C;
	s12 =	ssub.s32 s12, s14  }
0xb: {  	p0 =	sgt.u32 s10, $0x1B;
	s25 =	sshrl.u32 s24, $0x2;
	s17 =	smin.u32 s10, $0x1C  }
0xc: {  	s7 =	sshrl.u32 s7, $0x3;
	s26 =	sadd.s32 s25, s3;
	s31 =	sshll.u32 s17, $0xB  }
0xd: {  	s11 =	sadd.s32 s6, s5;
	s6 =	sadd.s32 s22, s5;
	s9 =	sadd.s32 s23, s13  }
0xe: {  	s15 =	sadd.s32 s7, s5;
	s5 =	simm.s32 $0x4F;
	s7 =	sor.u32 $0x1C03, s28  }
0xf: {  	s13 =	sadd.s32 s30, s29;
	s14 =	sshrl.u32 s26, $0x3;
	s9 =	sshll.u32 s9, $0xB  }
0x10: {  	s5 =	simm.s32 @!p0 $0x4E;
	s6 =	sadd.s32 $0xC200, s6;
	s8 =	sadd.s32 $0x1800, s11  }
0x11: {  	s10 =	sadd.s32 $0x33400, s15;
	s11 =	smax.u32 s12, $0x1;
	s13 =	ssub.s32 s13, s31  }
0x12: {  	s15 =	simm.s32 $0x3;
	s9 =	sadd.s32 s1, s9;
	s16 =	sadd.s32 $0x1, s5  }
0x13: {  	s9 =	sadd.s32 $0xFFFF2000, s9;
	s12 =	sand.u32 $0x5E, s16;
	s16 =	simm.s32 $0x0  }
.LBB2_1:
0x14: {  	[spmem:s14], [sflag:s7] =	dma.local [hbm:s6], $0x2800  }
0x15: {  	_ =	swait.ge [sflag:s15], $0x2800  }
0x16: {  	[sflag:s15] =	ssyncset.done $0x0  }
0x17: {  	s18 =	simm.s32 $0x8000;
	p1 =	sne.s32 s12, $0x2;
	[sflag:s15] =	ssyncadd.s32 $0xFFFFD800  }
0x18: {  	[tilespmem:s18], [sflag:$0x3] =	stream.linear.gather [hbm4b:s8+s4], $0x2800, $0x38;
	[tilespmem:$0x1E080] =	vst v63  }
.Ltmp0:
0x19: {  	_ =	swait.ge [sflag:s15], $0x2800;
	(pc) =	sbr.rel @!p1 .LBB2_2-.Ltmp0, $4  }
0x1a: {  	[sflag:s15] =	ssyncset.done $0x0  }
0x1b: {  	s17 =	simm.s32 $0x2;
	[sflag:s15] =	ssyncadd.s32 $0xFFFFD800  }
0x1c: {  	p0 =	sle.u32 s5, $0x0;
	p2 =	por $0x0, $0x0;
	[bflag:$0x0] =	sbarrier.arrive $0xFFFF  }
0x1d: {  	[tilespmem:s4], [sflag:$0x1] =	stream.linear.gather [hbm4b:s9+s4], $0x4000, $0x38;
	[tilespmem:$0x1E080] =	vst v63  }
0x1e: {  	p1 =	sle.u32 @!p0 s5, $0x1  }
0x1f: {  	s19 =	simm.s32 @!p0 $0x1;
	p1 =	por p1, p0  }
0x20: {  	_ =	swait.ge @!p0 [sflag:s19], $0x4000;
	s20 =	sadd.s32 @!p1 $0x800, s13  }
0x21: {  	s21 =	simm.s32 @!p1 $0x4000;
	[sflag:s19] =	ssyncset.done @!p0 $0x0;
	s20 =	sand.u32 @!p1 $0x1FFFF800, s20  }
0x22: {  	[sflag:s19] =	ssyncadd.s32 @!p0 $0xFFFFC000;
	s19 =	sadd.s32 @!p1 s1, s20;
	s20 =	simm.s32 @!p1 $0x0  }
0x23: {  	[tilespmem:s21], [sflag:$0x2] =	stream.linear.gather @!p1 [hbm4b:s19+s20], $0x4000, $0x38;
	[tilespmem:$0x1E080] =	vst v63  }
0x24: {  	s19 =	simm.s32 @!p0 $0x80;
	s20 =	simm.s32 @!p0 $0x0;
	s21 =	simm.s32 @!p0 $0x4  }
0x25: {  	[spmem:s3] =	stream.indirect.scatter.add.f32 @!p0 [tilespmem:s20], [sflag:$0x4], $0x80, s18, s19, $0xb8;
	[tilespmem:$0x1E080] =	vst v63  }
0x26: {  	p1 =	sle.u32 s5, $0x1;
	_ =	swait.ge @!p0 [sflag:s21], $0x4000  }
0x27: {  	p2 =	sle.u32 @!p1 s5, $0x2;
	[sflag:s21] =	ssyncset.done @!p0 $0x0  }
0x28: {  	s18 =	simm.s32 @!p1 $0x2;
	[sflag:s21] =	ssyncadd.s32 @!p0 $0xFFFFC000;
	p0 =	por p2, p1  }
0x29: {  	_ =	swait.ge @!p1 [sflag:s18], $0x4000;
	s19 =	sadd.s32 @!p0 $0x1000, s13  }
0x2a: {  	p3 =	sne.s32 s12, $0x4;
	[sflag:s18] =	ssyncset.done @!p1 $0x0;
	s19 =	sand.u32 @!p0 $0x1FFFF800, s19  }
0x2b: {  	[sflag:s18] =	ssyncadd.s32 @!p1 $0xFFFFC000;
	s18 =	sadd.s32 @!p0 s1, s19;
	s19 =	simm.s32 @!p0 $0x0  }
0x2c: {  	[tilespmem:s19], [sflag:$0x1] =	stream.linear.gather @!p0 [hbm4b:s18+s19], $0x4000, $0x38;
	[tilespmem:$0x1E080] =	vst v63  }
.Ltmp1:
0x2d: {  	s22 =	simm.s32 @!p1 $0x4000;
	s20 =	simm.s32 $0x4;
	(pc) =	sbr.rel @!p3 .LBB2_5-.Ltmp1, $4  }
0x2e: {  	s21 =	simm.s32 @!p1 $0x3;
	s18 =	simm.s32 @!p1 $0x8080;
	s19 =	simm.s32 @!p1 $0x80  }
0x2f: {  	[spmem:s3] =	stream.indirect.scatter.add.f32 @!p1 [tilespmem:s22], [sflag:$0x3], $0x80, s18, s19, $0xb8;
	[tilespmem:$0x1E080] =	vst v63  }
0x30: {  	p2 =	por $0x1, $0x1;
	p0 =	sle.u32 s5, $0x2;
	_ =	swait.ge @!p1 [sflag:s21], $0x4000  }
0x31: {  	s19 =	sadd.s32 $0x1000, s13;
	s18 =	simm.s32 $0x8100;
	[sflag:s21] =	ssyncset.done @!p1 $0x0  }
.LBB2_4:
0x32: {  	s22 =	sadd.s32 @!p0 $0x1, s17  }
0x33: {  	[sflag:s21] =	ssyncadd.s32 @!p1 $0xFFFFC000;
	s21 =	smov.u32 s20;
	s20 =	sadd.s32 $0x2, s20  }
0x34: {  	p3 =	sne.s32 s12, s20;
	p1 =	sge.u32 @!p0 s22, s5  }
0x35: {  	s23 =	sadd.s32 $0x1, s17;
	s22 =	simm.s32 @!p0 $0x1;
	p4 =	por p1, p0  }
0x36: {  	_ =	swait.ge @!p0 [sflag:s22], $0x4000;
	s24 =	sadd.s32 @!p4 $0x800, s19;
	s25 =	simm.s32 @!p4 $0x4000  }
0x37: {  	p1 =	sge.u32 s23, s5;
	[sflag:s22] =	ssyncset.done @!p0 $0x0;
	s24 =	sand.u32 @!p4 $0x1FFFF800, s24  }
0x38: {  	s23 =	simm.s32 @!p4 $0x0;
	[sflag:s22] =	ssyncadd.s32 @!p0 $0xFFFFC000;
	s22 =	sadd.s32 @!p4 s1, s24  }
0x39: {  	[tilespmem:s25], [sflag:$0x2] =	stream.linear.gather @!p4 [hbm4b:s22+s23], $0x4000, $0x38;
	[tilespmem:$0x1E080] =	vst v63  }
0x3a: {  	s24 =	simm.s32 @!p0 $0x4;
	s22 =	simm.s32 @!p0 $0x80;
	s23 =	simm.s32 @!p0 $0x0  }
0x3b: {  	[spmem:s3] =	stream.indirect.scatter.add.f32 @!p0 [tilespmem:s23], [sflag:$0x4], $0x80, s18, s22, $0xb8;
	[tilespmem:$0x1E080] =	vst v63  }
0x3c: {  	s22 =	sadd.s32 @!p1 $0x2, s17;
	s17 =	smov.u32 s21;
	_ =	swait.ge @!p0 [sflag:s24], $0x4000  }
0x3d: {  	p4 =	sge.u32 @!p1 s22, s5;
	[sflag:s24] =	ssyncset.done @!p0 $0x0  }
0x3e: {  	s22 =	simm.s32 @!p1 $0x2;
	[sflag:s24] =	ssyncadd.s32 @!p0 $0xFFFFC000;
	p0 =	por p4, p1  }
0x3f: {  	_ =	swait.ge @!p1 [sflag:s22], $0x4000;
	s21 =	sadd.s32 @!p0 $0x1000, s19  }
0x40: {  	[sflag:s22] =	ssyncset.done @!p1 $0x0;
	s23 =	sand.u32 @!p0 $0x1FFFF800, s21;
	s21 =	simm.s32 @!p1 $0x3  }
0x41: {  	[sflag:s22] =	ssyncadd.s32 @!p1 $0xFFFFC000;
	s22 =	sadd.s32 @!p0 s1, s23;
	s23 =	simm.s32 @!p0 $0x0  }
0x42: {  	[tilespmem:s23], [sflag:$0x1] =	stream.linear.gather @!p0 [hbm4b:s22+s23], $0x4000, $0x38;
	[tilespmem:$0x1E080] =	vst v63  }
.Ltmp2:
0x43: {  	_ = 	snop;
	(pc) =	sbr.rel @p3 .LBB2_4-.Ltmp2, $4  }
0x44: {  	s24 =	simm.s32 @!p1 $0x4000;
	s22 =	sadd.s32 @!p1 $0x80, s18;
	s23 =	simm.s32 @!p1 $0x80  }
0x45: {  	[spmem:s3] =	stream.indirect.scatter.add.f32 @!p1 [tilespmem:s24], [sflag:$0x3], $0x80, s22, s23, $0xb8;
	[tilespmem:$0x1E080] =	vst v63  }
0x46: {  	s19 =	sadd.s32 $0x1000, s19;
	_ =	swait.ge @!p1 [sflag:s21], $0x4000  }
0x47: {  	p0 =	sge.u32 s17, s5;
	s18 =	sadd.s32 $0x100, s18;
	[sflag:s21] =	ssyncset.done @!p1 $0x0  }
.LBB2_5:
0x48: {  	s20 =	sadd.s32 @!p0 $0x1, s17;
	p1 =	por p1, !p2  }
0x49: {  	[sflag:s21] =	ssyncadd.s32 @!p1 $0xFFFFC000;
	p1 =	sge.u32 @!p0 s20, s5  }
0x4a: {  	s31 =	sadd.s32 $0x1, s17;
	s20 =	simm.s32 @!p0 $0x1;
	p2 =	por p1, p0  }
0x4b: {  	_ =	swait.ge @!p0 [sflag:s20], $0x4000;
	p1 =	sge.u32 s31, s5;
	s22 =	sadd.s32 @!p2 $0x800, s19  }
0x4c: {  	s23 =	simm.s32 @!p2 $0x4000;
	[sflag:s20] =	ssyncset.done @!p0 $0x0;
	s22 =	sand.u32 @!p2 $0x1FFFF800, s22  }
0x4d: {  	s21 =	simm.s32 @!p2 $0x0;
	[sflag:s20] =	ssyncadd.s32 @!p0 $0xFFFFC000;
	s20 =	sadd.s32 @!p2 s1, s22  }
0x4e: {  	[tilespmem:s23], [sflag:$0x2] =	stream.linear.gather @!p2 [hbm4b:s20+s21], $0x4000, $0x38;
	[tilespmem:$0x1E080] =	vst v63  }
0x4f: {  	s22 =	simm.s32 @!p0 $0x4;
	s20 =	simm.s32 @!p0 $0x80;
	s21 =	simm.s32 @!p0 $0x0  }
0x50: {  	[spmem:s3] =	stream.indirect.scatter.add.f32 @!p0 [tilespmem:s21], [sflag:$0x4], $0x80, s18, s20, $0xb8;
	[tilespmem:$0x1E080] =	vst v63  }
0x51: {  	s17 =	sadd.s32 @!p1 $0x2, s17;
	_ =	swait.ge @!p0 [sflag:s22], $0x4000  }
0x52: {  	p2 =	sge.u32 @!p1 s17, s5;
	[sflag:s22] =	ssyncset.done @!p0 $0x0  }
0x53: {  	s17 =	simm.s32 @!p1 $0x2;
	[sflag:s22] =	ssyncadd.s32 @!p0 $0xFFFFC000;
	p0 =	por p2, p1  }
0x54: {  	_ =	swait.ge @!p1 [sflag:s17], $0x4000;
	s19 =	sadd.s32 @!p0 $0x1000, s19  }
0x55: {  	s20 =	simm.s32 @!p1 $0x3;
	[sflag:s17] =	ssyncset.done @!p1 $0x0;
	s19 =	sand.u32 @!p0 $0x1FFFF800, s19  }
0x56: {  	[sflag:s17] =	ssyncadd.s32 @!p1 $0xFFFFC000;
	s17 =	sadd.s32 @!p0 s1, s19;
	s19 =	simm.s32 @!p0 $0x0  }
0x57: {  	[tilespmem:s19], [sflag:$0x1] =	stream.linear.gather @!p0 [hbm4b:s17+s19], $0x4000, $0x38;
	[tilespmem:$0x1E080] =	vst v63  }
0x58: {  	s17 =	sadd.s32 @!p1 $0x80, s18;
	s18 =	simm.s32 @!p1 $0x80;
	s19 =	simm.s32 @!p1 $0x4000  }
0x59: {  	[spmem:s3] =	stream.indirect.scatter.add.f32 @!p1 [tilespmem:s19], [sflag:$0x3], $0x80, s17, s18, $0xb8;
	[tilespmem:$0x1E080] =	vst v63  }
0x5a: {  	_ =	swait.ge @!p1 [sflag:s20], $0x4000  }
0x5b: {  	[sflag:s20] =	ssyncset.done @!p1 $0x0  }
0x5c: {  	s16 =	sadd.s32 $0x1, s16;
	[sflag:s20] =	ssyncadd.s32 @!p1 $0xFFFFC000  }
0x5d: {  	p0 =	sne.s32 s16, s11;
	[bflag:$0x0] =	sbarrier.arrive $0xFFFF  }
0x5e: {  	[hbm:s10], [sflag:s7] =	dma.local [spmem:s14], $0x2800  }
.Ltmp3:
0x5f: {  	_ = 	snop;
	(pc) =	sbr.rel @p0 .LBB2_1-.Ltmp3, $4  }
.Ltmp4:
0x60: {  	_ = 	snop;
	(pc) =	sbr.rel @!p0 .LBB2_6-.Ltmp4, $4  }
0x61: {  	_ =	swait.ge [sflag:s15], $0x2800  }
0x62: {  	[sflag:s15] =	ssyncset.done $0x0  }
0x63: {  	[sflag:s15] =	ssyncadd.s32 $0xFFFFD800  }
0x64: {  	_ = 	snop  }
.LBB2_2:
.Ltmp5:
0x65: {  	(pc) =	sbr.rel .LBB2_5-.Ltmp5, $2  }
0x66: {  	_ =	sdelay $0x2  }
0x67: {  	s17 =	simm.s32 $0x0;
	s19 =	smov.u32 s13  }
.LBB2_6:
0x68: {  	_ =	sfence.sel $0x180000  }
0x69: {  	[bflag:$0x0] =	sbarrier.arrive $0xFFFF  }
0x6a: {  	p0 =	sne.s32 s0, $0x0;
	_ =	strace $0x9000004A  }
0x6b: {  	s0 =	sadd.s32 @!p0 $0x100000, s2;
	[bflag:$0x2] =	sbarrier.arrive $0xFFFF  }
0x6c: {  	[sflag:s0] =	ssyncadd.tile.s32 @!p0 $0x1;
	_ =	shalt  }
.Lfunc_end2:
_tile_overlayer_lowered:
.L_overlay_start_2:
0x6d: {  	(tag) =	ssettag $0x2  }
0x6e: {  	s0 =	rddreg [dreg:$0x0];
	s2 =	stileid.u32  }
0x6f: {  	s1 =	rddreg [dreg:$0x1];
	p0 =	sne.s32 s2, $0x0  }
0x70: {  	s3 =	rddreg [dreg:$0x2];
	[bflag:$0x3] =	sbarrier.arrive $0xFFFF;
	s2 =	simm.s32 @!p0 $0x1C03  }
0x71: {  	[timem:s3], [sflag:s2] =	dma.local @!p0 [hbm:s0], s1  }
0x72: {  	s0 =	simm.s32 @!p0 $0x3  }
0x73: {  	_ =	swait.ge @!p0 [sflag:s0], s1  }
0x74: {  	s1 =	ssub.s32 @!p0 $0x0, s1;
	[sflag:s0] =	ssyncset.done @!p0 $0x0  }
0x75: {  	[sflag:s0] =	ssyncadd.s32 @!p0 s1  }
0x76: {  	[bflag:$0x3] =	sbarrier.arrive $0xFFFF  }
0x77: {  	_ =	shalt  }

// kernel: kernel.9.cloned.1.call-start
scs
__scs_entry_jumppad:
0x0: {  	(pc) =	sbr.rel $0x88, $3  }
0x1: {  	(tag) =	ssettag $0x0;
	lr =	simm.s32 $0x1  }
0x2: {  	[smem:$0x3F9D] =	sst lr;
	_ =	strace $0xD0000000  }
0x3: {  	_ = 	snop  }
0x4: {  	_ = 	snop  }
0x5: {  	_ = 	snop  }
0x6: {  	_ = 	snop  }
0x7: {  	_ = 	snop  }
__scs_overlays_trampoline_lowered:
0x8: {  	[smem:$0x3FAC] =	sst s0  }
0x9: {  	[smem:$0x3FAD] =	sst s1  }
0xa: {  	[smem:$0x3FAE] =	sst s2  }
0xb: {  	[smem:$0x3FAF] =	sst s3  }
0xc: {  	[smem:$0x3FB0] =	sst s4  }
0xd: {  	[smem:$0x3FB1] =	sst s5  }
0xe: {  	[smem:$0x3FB2] =	sst s6  }
0xf: {  	[smem:$0x3FB3] =	sst s7  }
0x10: {  	[smem:$0x3FB4] =	sst s8  }
0x11: {  	[smem:$0x3FB5] =	sst s9;
	s0 =	simm.s32 @!p0 $0x0  }
0x12: {  	s1 =	sld [smem:$0x3F9B];
	s0 =	simm.s32 @p0 $0x1  }
0x13: {  	[smem:$0x3FB6] =	sst s0;
	s0 =	simm.s32 @!p1 $0x0  }
0x14: {  	s2 =	sld [smem:$0x3F9A];
	s0 =	simm.s32 @p1 $0x1  }
0x15: {  	[smem:$0x3FB7] =	sst s0;
	s0 =	simm.s32 @!p2 $0x0  }
0x16: {  	s3 =	sld [smem:$0x3FDB];
	s0 =	simm.s32 @p2 $0x1  }
0x17: {  	s4 =	simm.s32 $0x1BF5;
	[smem:$0x3FB9] =	sst s0  }
0x18: {  	s0 =	sld [smem:$0x3F9C];
	_ =	swait.ge [sflag:s4], $0x0  }
0x19: {  	s7 =	sld [smem:$0x3F9D]  }
0x1a: {  	s8 =	sadd.s32 $0xFFFFE003, lr  }
0x1b: {  	s9 =	sadd.s32 $0xFFFFFEF7, lr;
	s5 =	simm.s32 $0xFFFFFFFF;
	p2 =	slt.u32 s8, $0xFFFFF086  }
0x1c: {  	p1 =	slt.u32 s9, $0xF7A;
	s5 =	simm.s32 @!p2 $0x0  }
0x1d: {  	s5 =	simm.s32 @p1 $0x1;
	p0 =	seq.s32 s7, s2  }
0x1e: {  	s7 =	smul.u32 @!p0 $0xF7A, s2;
	p2 =	seq.s32 @!p0 s5, $0x0  }
0x1f: {  	s9 =	smul.u32 $0xF7A, s1;
	s8 =	simm.s32 @!p0 $0x1BF5;
	p2 =	por !p2, p0  }
0x20: {  	[sflag:s8] =	ssyncset.s32 @!p0 $0xFFFFF086;
	s6 =	sadd.s32 @!p0 s3, s7;
	s7 =	simm.s32 @!p0 $0x108  }
0x21: {  	s3 =	sadd.s32 s3, s9;
	s6 =	sadd.s32 @!p0 $0x88, s6;
	s7 =	simm.s32 @p2 $0x1082  }
0x22: {  	[simem:s7], [sflag:s8] =	dma.local @!p0 [hbm:s6], $0xF7A  }
0x23: {  	s9 =	sor.u32 $0xD0000000, s2;
	s6 =	simm.s32 $0x108;
	_ =	swait.ge @!p0 [sflag:s8], $0x0  }
0x24: {  	s3 =	sadd.s32 $0x88, s3;
	s6 =	simm.s32 @!p1 $0x1082;
	[sflag:s4] =	ssyncset.s32 $0xFFFFF086  }
0x25: {  	[simem:s6], [sflag:s4] =	dma.local [hbm:s3], $0xF7A  }
0x26: {  	[smem:$0x3F9D] =	sst s1;
	(tag) =	ssettag s2;
	_ =	strace s9  }
0x27: {  	s1 =	sld [smem:$0x3FAD]  }
0x28: {  	s2 =	sld [smem:$0x3FAE]  }
0x29: {  	s4 =	sld [smem:$0x3FB0]  }
0x2a: {  	p0 =	seq.s32 s5, $0x0;
	s5 =	sld [smem:$0x3FB1]  }
0x2b: {  	s6 =	sld [smem:$0x3FB2]  }
0x2c: {  	s7 =	sld [smem:$0x3FB3]  }
0x2d: {  	s3 =	simm.s32 $0x108;
	s8 =	sld [smem:$0x3FB4]  }
0x2e: {  	s3 =	simm.s32 @!p0 $0x1082;
	s9 =	sld [smem:$0x3FB5]  }
0x2f: {  	lr =	sadd.s32 s0, s3;
	s0 =	sld [smem:$0x3FAC]  }
0x30: {  	s3 =	sld [smem:$0x3FAF]  }
0x31: {  	[smem:$0x3FB8] =	sst s10  }
0x32: {  	s10 =	sld [smem:$0x3FB6];
	_ =	sdelay $0x3  }
0x33: {  	p0 =	seq.s32 s10, $0x1;
	s10 =	sld [smem:$0x3FB8];
	_ =	sdelay $0x3  }
0x34: {  	[smem:$0x3FB8] =	sst s10  }
0x35: {  	s10 =	sld [smem:$0x3FB7];
	_ =	sdelay $0x3  }
0x36: {  	p1 =	seq.s32 s10, $0x1;
	s10 =	sld [smem:$0x3FB8];
	_ =	sdelay $0x3  }
0x37: {  	[smem:$0x3FB8] =	sst s10  }
0x38: {  	s10 =	sld [smem:$0x3FB9]  }
0x39: {  	_ = 	snop;
	(pc) =	sbr.ind lr, $3  }
0x3a: {  	_ = 	snop  }
0x3b: {  	_ = 	snop  }
0x3c: {  	p2 =	seq.s32 s10, $0x1;
	s10 =	sld [smem:$0x3FB8]  }
0x3d: {  	_ =	shalt  }
0x3e: {  	_ =	shalt  }
0x3f: {  	_ =	shalt  }
0x40: {  	_ =	shalt  }
0x41: {  	_ =	shalt  }
0x42: {  	_ =	shalt  }
0x43: {  	_ =	shalt  }
0x44: {  	_ =	shalt  }
0x45: {  	_ =	shalt  }
0x46: {  	_ =	shalt  }
0x47: {  	_ =	shalt  }
0x48: {  	_ =	shalt  }
0x49: {  	_ =	shalt  }
0x4a: {  	_ =	shalt  }
0x4b: {  	_ =	shalt  }
0x4c: {  	_ =	shalt  }
0x4d: {  	_ =	shalt  }
0x4e: {  	_ =	shalt  }
0x4f: {  	_ =	shalt  }
0x50: {  	_ =	shalt  }
0x51: {  	_ =	shalt  }
0x52: {  	_ =	shalt  }
0x53: {  	_ =	shalt  }
0x54: {  	_ =	shalt  }
0x55: {  	_ =	shalt  }
0x56: {  	_ =	shalt  }
0x57: {  	_ =	shalt  }
0x58: {  	_ =	shalt  }
0x59: {  	_ =	shalt  }
0x5a: {  	_ =	shalt  }
0x5b: {  	_ =	shalt  }
0x5c: {  	_ =	shalt  }
0x5d: {  	_ =	shalt  }
0x5e: {  	_ =	shalt  }
0x5f: {  	_ =	shalt  }
0x60: {  	_ =	shalt  }
0x61: {  	_ =	shalt  }
0x62: {  	_ =	shalt  }
0x63: {  	_ =	shalt  }
0x64: {  	_ =	shalt  }
0x65: {  	_ =	shalt  }
0x66: {  	_ =	shalt  }
0x67: {  	_ =	shalt  }
0x68: {  	_ =	shalt  }
0x69: {  	_ =	shalt  }
0x6a: {  	_ =	shalt  }
0x6b: {  	_ =	shalt  }
0x6c: {  	_ =	shalt  }
0x6d: {  	_ =	shalt  }
0x6e: {  	_ =	shalt  }
0x6f: {  	_ =	shalt  }
0x70: {  	_ =	shalt  }
0x71: {  	_ =	shalt  }
0x72: {  	_ =	shalt  }
0x73: {  	_ =	shalt  }
0x74: {  	_ =	shalt  }
0x75: {  	_ =	shalt  }
0x76: {  	_ =	shalt  }
0x77: {  	_ =	shalt  }
0x78: {  	_ =	shalt  }
0x79: {  	_ =	shalt  }
0x7a: {  	_ =	shalt  }
0x7b: {  	_ =	shalt  }
0x7c: {  	_ =	shalt  }
0x7d: {  	_ =	shalt  }
0x7e: {  	_ =	shalt  }
0x7f: {  	_ =	shalt  }
0x80: {  	_ =	shalt  }
0x81: {  	_ =	shalt  }
0x82: {  	_ =	shalt  }
0x83: {  	_ =	shalt  }
0x84: {  	_ =	shalt  }
0x85: {  	_ =	shalt  }
0x86: {  	_ =	shalt  }
0x87: {  	_ =	shalt  }
.Lfunc_end0:
.L_simem_size_0:
called_computation.1_lowered:
.L_overlay_start_0:
0x88: {  	s2 =	sld [smem:$0x3FD9]  }
0x89: {  	s3 =	sld [smem:$0x3FFE];
	_ =	sdelay $0x1  }
0x8a: {  	s1 =	srdreg.scid  }
0x8b: {  	s0 =	sand.u32 $0x1, s1  }
0x8c: {  	s16 =	sshll.u32 s0, $0xA;
	s2 =	sadd.s32 s3, s2  }
0x8d: {  	s2 =	sadd.s32 s2, s16  }
0x8e: {  	[smem:$0x3FC4] =	sst s2  }
0x8f: {  	_ = 	snop  }
0x90: {  	(tm) =	ssettm $0x1  }
0x91: {  	s17 =	sld [smem:$0x3FFB];
	_ =	sdelay $0x3  }
0x92: {  	_ =	strace s17  }
0x93: {  	s2 =	sld [smem:$0x3FFC];
	_ =	sdelay $0x3  }
0x94: {  	_ =	strace s2  }
0x95: {  	s2 =	sld [smem:$0x3FFD];
	_ =	sdelay $0x3  }
0x96: {  	_ =	strace s2  }
0x97: {  	_ =	strace $0x8FFFFFFF  }
0x98: {  	s18 =	sld [smem:$0x3FDB];
	_ =	sdelay $0x1  }
0x99: {  	s19 =	simm.s32 $_scs_section_size  }
0x9a: {  	s4 =	simm.s32 $_size__tile_overlayer_lowered;
	s5 =	simm.s32 $_tile_overlayer_lowered  }
0x9b: {  	s22 =	simm.s32 $0x1BFF;
	s21 =	sshll.u32 s5, $0x1;
	s2 =	sadd.s32 s19, s18  }
0x9c: {  	s6 =	simm.s32 $0x0;
	s20 =	sshll.u32 s4, $0x1;
	s4 =	sadd.s32 s21, s2  }
0x9d: {  	[timem:s6], [sflag:s22] =	dma.local [hbm:s4], s20  }
0x9e: {  	_ =	swait.ge [sflag:s22], s20  }
0x9f: {  	s3 =	ssub.s32 $0x0, s20;
	[sflag:s22] =	ssyncset.done $0x0  }
0xa0: {  	[sflag:s22] =	ssyncadd.s32 s3;
	_ =	sdelay $0x1  }
0xa1: {  	s23 =	simm.s32 $0x1B8B  }
0xa2: {  	_ =	swait.ge [sflag:s23], $0x1  }
0xa3: {  	[sflag:s23] =	ssyncset.done $0x0  }
0xa4: {  	s25 =	simm.s32 $0x1B8E;
	s24 =	sld [smem:$0x3FFE];
	[sflag:s23] =	ssyncadd.s32 $0xFFFFFFFF  }
0xa5: {  	s26 =	simm.s32 $execute0_lowered;
	[smem:$0x3FD2] =	sst s25  }
0xa6: {  	s4 =	sshll.u32 s26, $0x1;
	_ =	strace $0x80000046;
	[dreg:$0x1] =	wrdreg $0xFFFFFFFF  }
0xa7: {  	s28 =	simm.s32 $_size_execute0_lowered;
	s2 =	sadd.s32 s2, s4;
	[dreg:$0x0] =	wrdreg $0x0  }
0xa8: {  	s4 =	sshll.u32 s28, $0x1;
	[dreg:$0x2] =	wrdreg s2  }
0xa9: {  	[dreg:$0x3] =	wrdreg s4  }
0xaa: {  	[dreg:$0x4] =	wrdreg $0xC0  }
0xab: {  	_ =	task [dreg:s6], $0x5FFFF  }
0xac: {  	[dreg:$0x1] =	wrdreg $0xFFFFFFFF  }
0xad: {  	[dreg:$0x0] =	wrdreg $0x60  }
0xae: {  	[dreg:$0x2] =	wrdreg s24  }
0xaf: {  	[dreg:$0x3] =	wrdreg $0x2B000  }
0xb0: {  	[dreg:$0x4] =	wrdreg $0xA  }
0xb1: {  	_ =	task.clear_ibuf [dreg:s6], $0x5FFFF;
	_ =	strace $0x90000046  }
0xb2: {  	s29 =	simm.s32 $0xA;
	_ =	strace $0x80000048  }
0xb3: {  	_ =	swait.ge [sflag:s29], $0x1  }
0xb4: {  	[sflag:s29] =	ssyncadd.s32 $0xFFFFFFFF  }
0xb5: {  	_ =	strace $0x90000048  }
0xb6: {  	_ =	sfence  }
0xb7: {  	s30 =	sld [smem:$0x0];
	_ =	sdelay $0x2  }
0xb8: {  	s31 =	sshll.u32 s1, $0xD;
	s1 =	sshrl.u32 s1, $0x2  }
0xb9: {  	s3 =	sand.u32 $0x4000, s31;
	s1 =	sadd.s32 s1, s30  }
0xba: {  	s0 =	sor.u32 s3, s0;
	s1 =	sshll.u32 s1, $0x11  }
0xbb: {  	s0 =	sor.u32 s1, s0  }
0xbc: {  	s0 =	sadd.s32 $0x8F2B, s0  }
0xbd: {  	[sflag:s0] =	ssyncadd.remote.s32 $0x1  }
0xbe: {  	_ =	sfence.sel $0xFFFF  }
0xbf: {  	[dreg:$0x0] =	wrdreg $0xFFFFFFFF;
	(pc) =	sbr.abs _section_cstart, $3  }
0xc0: {  	[dreg:$0x1] =	wrdreg $0xFFFFFFFF  }
0xc1: {  	_ =	task.clear_ibuf [dreg:s6], $0x2FFFF;
	_ =	strace $0x9FFFFFFF  }
0xc2: {  	(tm) =	ssettm $0x7FFFFFFF  }
0xc3: {  	_ =	shalt  }
tec
execute0_lowered:
.L_overlay_start_1:
0x0: {  	(tag) =	ssettag $0x1  }
0x1: {  	s4 =	rddreg [dreg:$0x0]  }
0x2: {  	s2 =	rddreg [dreg:$0x1];
	s3 =	srdreg.scid  }
0x3: {  	s1 =	stileid.u32;
	s0 =	rddreg [dreg:$0x2];
	s14 =	simm.s32 $0x80  }
0x4: {  	s15 =	simm.s32 $0x2880;
	s16 =	simm.s32 $0x0;
	s5 =	sand.u32 $0x1, s3  }
0x5: {  	s6 =	smul.u32 $0x270, s1;
	s3 =	simm.s32 $0x0;
	s7 =	sshll.u32 s5, $0x4  }
0x6: {  	s8 =	smul.u32 $0x2710, s5;
	[smem:$0x7FF] =	sst s3;
	s5 =	ssub.s32 $0x2, s5  }
0x7: {  	s7 =	sor.u32 s1, s7;
	_ =	strace $0x80000047;
	s10 =	sshrl.u32 s5, $0x1  }
0x8: {  	s9 =	smul.u32 $0x500, s7;
	s8 =	sadd.s32 s6, s8;
	s13 =	ssub.s32 s5, s10  }
0x9: {  	p0 =	sgt.u32 s7, $0x1B;
	s5 =	sadd.s32 s6, s2;
	s8 =	sshrl.u32 s8, $0x3  }
0xa: {  	s6 =	sadd.s32 $0x80, s5;
	s7 =	sadd.s32 $0x100, s5;
	s11 =	sadd.s32 s9, s4  }
0xb: {  	s12 =	sadd.s32 s8, s4;
	s4 =	simm.s32 $0x4F;
	s8 =	sadd.s32 $0x180, s5  }
0xc: {  	s9 =	sadd.s32 $0x200, s5;
	s4 =	simm.s32 @!p0 $0x4E;
	s10 =	sadd.s32 $0x1800, s11  }
0xd: {  	v0 =	vimm.f32 $0.0e+00;
	v1 =	vimm.f32 $1.000000000e+00;
	s11 =	sadd.s32 $0xB800, s12;
	s12 =	smax.u32 s13, $0x1;
	s13 =	simm.s32 $0x1  }
.LBB2_1:
0xe: {  	[tilespmem:$0x0] =	vst v0  }
0xf: {  	[tilespmem:$0x10] =	vst v0  }
0x10: {  	[tilespmem:$0x20] =	vst v0  }
0x11: {  	[tilespmem:$0x30] =	vst v0  }
0x12: {  	[tilespmem:$0x40] =	vst v0  }
0x13: {  	[tilespmem:$0x50] =	vst v0  }
0x14: {  	[tilespmem:$0x60] =	vst v0  }
0x15: {  	[tilespmem:$0x70] =	vst v0  }
0x16: {  	[spmem:s5] =	stream.linear.scatter [tilespmem:s3], [sflag:$0x1], $0x80, $0x38;
	[tilespmem:$0x2D78] =	vst v63  }
0x17: {  	_ =	swait.ge [sflag:s13], $0x80  }
0x18: {  	[sflag:s13] =	ssyncset.done $0x0  }
0x19: {  	[sflag:s13] =	ssyncadd.s32 $0xFFFFFF80  }
0x1a: {  	[spmem:s6] =	stream.linear.scatter [tilespmem:s3], [sflag:$0x1], $0x80, $0x38;
	[tilespmem:$0x2D78] =	vst v63  }
0x1b: {  	_ =	swait.ge [sflag:s13], $0x80  }
0x1c: {  	[sflag:s13] =	ssyncset.done $0x0  }
0x1d: {  	[sflag:s13] =	ssyncadd.s32 $0xFFFFFF80  }
0x1e: {  	[spmem:s7] =	stream.linear.scatter [tilespmem:s3], [sflag:$0x1], $0x80, $0x38;
	[tilespmem:$0x2D78] =	vst v63  }
0x1f: {  	_ =	swait.ge [sflag:s13], $0x80  }
0x20: {  	[sflag:s13] =	ssyncset.done $0x0  }
0x21: {  	[sflag:s13] =	ssyncadd.s32 $0xFFFFFF80  }
0x22: {  	[spmem:s8] =	stream.linear.scatter [tilespmem:s3], [sflag:$0x1], $0x80, $0x38;
	[tilespmem:$0x2D78] =	vst v63  }
0x23: {  	_ =	swait.ge [sflag:s13], $0x80  }
0x24: {  	[sflag:s13] =	ssyncset.done $0x0  }
0x25: {  	[sflag:s13] =	ssyncadd.s32 $0xFFFFFF80  }
0x26: {  	[spmem:s9] =	stream.linear.scatter [tilespmem:s3], [sflag:$0x1], $0x80, $0x38;
	[tilespmem:$0x2D78] =	vst v63  }
0x27: {  	_ =	swait.ge [sflag:s13], $0x80  }
0x28: {  	[sflag:s13] =	ssyncset.done $0x0  }
0x29: {  	[sflag:s13] =	ssyncadd.s32 $0xFFFFFF80  }
0x2a: {  	[tilespmem:$0x0] =	vst v1  }
0x2b: {  	[tilespmem:$0x10] =	vst v1  }
0x2c: {  	[tilespmem:$0x20] =	vst v1  }
0x2d: {  	[tilespmem:$0x30] =	vst v1  }
0x2e: {  	[tilespmem:$0x40] =	vst v1  }
0x2f: {  	[tilespmem:$0x50] =	vst v1  }
0x30: {  	[tilespmem:$0x60] =	vst v1  }
0x31: {  	[tilespmem:$0x70] =	vst v1  }
0x32: {  	[tilespmem:s14], [sflag:$0x1] =	stream.linear.gather [hbm4b:s10+s3], $0x2800, $0x38;
	[tilespmem:$0x2D78] =	vst v63  }
0x33: {  	_ =	swait.ge [sflag:s13], $0x2800  }
0x34: {  	p0 =	sne.s32 s4, $0x1;
	[sflag:s13] =	ssyncset.done $0x0  }
.Ltmp0:
0x35: {  	[sflag:s13] =	ssyncadd.s32 $0xFFFFD800;
	(pc) =	sbr.rel @!p0 .LBB2_3-.Ltmp0, $4  }
0x36: {  	[bflag:$0x0] =	sbarrier.arrive $0xFFFF  }
0x37: {  	[spmem:s2] =	stream.indirect.scatter.add.f32 [tilespmem:s3], [sflag:$0x1], $0x1, s14, s14, $0xb8;
	[tilespmem:$0x2D78] =	vst v63  }
0x38: {  	_ =	swait.ge [sflag:s13], $0x80  }
0x39: {  	s17 =	sadd.s32 $0xFFFFFFFF, s4;
	s18 =	simm.s32 $0x80;
	[sflag:s13] =	ssyncset.done $0x0  }
.LBB2_2:
0x3a: {  	p0 =	sne.s32 s17, $0x1;
	[sflag:s13] =	ssyncadd.s32 $0xFFFFFF80;
	s18 =	sadd.s32 $0x80, s18  }
.Ltmp1:
0x3b: {  	s17 =	sadd.s32 $0xFFFFFFFF, s17;
	(pc) =	sbr.rel @p0 .LBB2_2-.Ltmp1, $4  }
0x3c: {  	_ = 	snop  }
0x3d: {  	[spmem:s2] =	stream.indirect.scatter.add.f32 [tilespmem:s3], [sflag:$0x1], $0x1, s18, s14, $0xb8;
	[tilespmem:$0x2D78] =	vst v63  }
0x3e: {  	_ =	swait.ge [sflag:s13], $0x80  }
0x3f: {  	[sflag:s13] =	ssyncset.done $0x0  }
.LBB2_3:
0x40: {  	[sflag:s13] =	ssyncadd.s32 $0xFFFFFF80  }
0x41: {  	[bflag:$0x0] =	sbarrier.arrive $0xFFFF  }
0x42: {  	[tilespmem:s15], [sflag:$0x1] =	stream.linear.gather [spmem:s5], $0x280, $0x38;
	[tilespmem:$0x2D78] =	vst v63  }
0x43: {  	s16 =	sadd.s32 $0x1, s16;
	_ =	swait.ge [sflag:s13], $0x280  }
0x44: {  	p0 =	sne.s32 s16, s12;
	[sflag:s13] =	ssyncset.done $0x0  }
.Ltmp2:
0x45: {  	[sflag:s13] =	ssyncadd.s32 $0xFFFFFD80;
	(pc) =	sbr.rel @p0 .LBB2_1-.Ltmp2, $4  }
0x46: {  	[hbm4b:s11+s3] =	stream.linear.scatter [tilespmem:s15], [sflag:$0x1], $0x280, $0x38;
	[tilespmem:$0x2D78] =	vst v63  }
0x47: {  	_ =	swait.ge [sflag:s13], $0x280  }
0x48: {  	[sflag:s13] =	ssyncset.done $0x0  }
0x49: {  	[sflag:s13] =	ssyncadd.s32 $0xFFFFFD80  }
0x4a: {  	_ =	sfence.sel $0x180000  }
0x4b: {  	[bflag:$0x0] =	sbarrier.arrive $0xFFFF  }
0x4c: {  	p0 =	sne.s32 s1, $0x0;
	_ =	strace $0x90000047  }
0x4d: {  	s0 =	sadd.s32 @!p0 $0x100000, s0;
	[bflag:$0x2] =	sbarrier.arrive $0xFFFF  }
0x4e: {  	[sflag:s0] =	ssyncadd.tile.s32 @!p0 $0x1;
	_ =	shalt  }
.Lfunc_end2:
_tile_overlayer_lowered:
.L_overlay_start_2:
0x4f: {  	(tag) =	ssettag $0x2  }
0x50: {  	s0 =	rddreg [dreg:$0x0];
	s2 =	stileid.u32  }
0x51: {  	s1 =	rddreg [dreg:$0x1];
	p0 =	sne.s32 s2, $0x0  }
0x52: {  	s3 =	rddreg [dreg:$0x2];
	[bflag:$0x3] =	sbarrier.arrive $0xFFFF;
	s2 =	simm.s32 @!p0 $0x1C01  }
0x53: {  	[timem:s3], [sflag:s2] =	dma.local @!p0 [hbm:s0], s1  }
0x54: {  	s0 =	simm.s32 @!p0 $0x1  }
0x55: {  	_ =	swait.ge @!p0 [sflag:s0], s1  }
0x56: {  	s1 =	ssub.s32 @!p0 $0x0, s1;
	[sflag:s0] =	ssyncset.done @!p0 $0x0  }
0x57: {  	[sflag:s0] =	ssyncadd.s32 @!p0 s1  }
0x58: {  	[bflag:$0x3] =	sbarrier.arrive $0xFFFF  }
0x59: {  	_ =	shalt  }

</sc_bundles>
